<compile_context>
chip_gen: v7x
topology: tpu7x:2x2x1
jax: 0.10.2.dev20260603
libtpu: 0.0.44.dev20260713+nightly
codegen_flags: <defaults>
</compile_context>

<pallas_src>
import functools

import jax
import jax.numpy as jnp
from jax import lax
from jax.experimental import pallas as pl
from jax.experimental.pallas import tpu as pltpu
from jax.experimental.pallas import tpu_sc as plsc

B, S, IN, D, M, Q, HOLO, K, SC = 1, 2048, 1024, 64, 16384, 8, 256, 32, 4
D3 = 3 * D
TS = 128
NW = 32
RPW = S // NW
HI = lax.Precision.HIGHEST
_BIG = 3.0e38


def _ln_gelu(y, g, b):
    mu = jnp.mean(y, axis=-1, keepdims=True)
    var = jnp.mean((y - mu) ** 2, axis=-1, keepdims=True)
    yn = (y - mu) / jnp.sqrt(var + 1e-5) * g + b
    return 0.5 * yn * (1.0 + lax.erf(yn * 0.7071067811865476))


def _coh_body(ph_r, o_r):
    o_r[...] = jnp.mean(jnp.cos(ph_r[...]), axis=1, keepdims=True)


def _stage_a_body(x_r, w_r, b_r, g_r, be_r, p_r, ricci_r, keys_r,
                  wkp_r, bkp_r, idx_o, lg_o, kp_o):
    xv = x_r[...]
    proj = jnp.dot(xv, w_r[...], precision=HI) + b_r[...]
    pg = _ln_gelu(proj, g_r[...], be_r[...])
    zbar = jnp.dot(pg, p_r[...], precision=HI)
    qv = jnp.dot(zbar, ricci_r[...], precision=HI)
    q2 = jnp.sum(qv * qv, axis=-1, keepdims=True)
    kt = keys_r[...]
    k2 = jnp.sum(kt * kt, axis=0, keepdims=True)
    dist = q2 + k2 - 2.0 * jnp.dot(qv, kt, precision=HI)
    iota = lax.broadcasted_iota(jnp.int32, (TS, M), 1)

    def _select(k, carry):
        cur, idxs, ds = carry
        m = jnp.min(cur, axis=1, keepdims=True)
        ik = jnp.min(jnp.where(cur == m, iota, M), axis=1, keepdims=True)
        cur = jnp.where(iota == ik, _BIG, cur)
        onecol = lax.broadcasted_iota(jnp.int32, (TS, K), 1) == k
        idxs = jnp.where(onecol, ik, idxs)
        ds = jnp.where(onecol, m, ds)
        return cur, idxs, ds

    _, idxs, ds = lax.fori_loop(
        0, K,
        _select,
        (jnp.maximum(dist, 0.0),
         jnp.zeros((TS, K), jnp.int32),
         jnp.zeros((TS, K), jnp.float32)))
    idx_o[...] = idxs
    lg_o[...] = ds
    kp_o[...] = jnp.dot(xv, wkp_r[...], precision=HI) + bkp_r[...]


def _allreduce_tree(v, tmp_v, i16, op):
    for sh in (8, 4, 2, 1):
        tmp_v[...] = v
        v = op(v, plsc.load_gather(tmp_v, [(i16 + sh) & 15]))
    return v


def _sc_body(idx_hbm, d_hbm, vals_hbm, hr_hbm, hi_hbm, aux_hbm,
             ra_hbm, whr_hbm, whi_hbm,
             idx_v, d_v, w_v, vals_v, hr_v, hi_v, aux_v, tmp_v,
             accv, acchr, acchi, sem):
    cid = lax.axis_index("c")
    sid = lax.axis_index("s")
    wid = sid * 2 + cid
    base = wid * RPW
    ci16 = lax.broadcasted_iota(jnp.int32, (16,), 0)

    def row_body(r, carry):
        row = base + r
        pltpu.sync_copy(idx_hbm.at[pl.ds(row * K, K)], idx_v)
        pltpu.sync_copy(d_hbm.at[pl.ds(row * K, K)], d_v)
        cp_v = pltpu.async_copy(vals_hbm.at[idx_v], vals_v, sem)
        cp_r = pltpu.async_copy(hr_hbm.at[idx_v], hr_v, sem)
        cp_i = pltpu.async_copy(hi_hbm.at[idx_v], hi_v, sem)
        cp_a = pltpu.async_copy(aux_hbm.at[idx_v], aux_v, sem)
        cp_v.wait()
        cp_r.wait()
        cp_i.wait()
        cp_a.wait()
        z16 = ci16 - ci16
        gain0 = plsc.load_gather(aux_v, [ci16, z16])
        gain1 = plsc.load_gather(aux_v, [ci16 + 16, z16])
        coh0 = plsc.load_gather(aux_v, [ci16, z16 + 1])
        coh1 = plsc.load_gather(aux_v, [ci16 + 16, z16 + 1])
        l0 = coh0 - d_v[pl.ds(0, 16)] * gain0
        l1 = coh1 - d_v[pl.ds(16, 16)] * gain1
        mx = _allreduce_tree(jnp.maximum(l0, l1), tmp_v, ci16, jnp.maximum)
        e0 = jnp.exp(l0 - mx)
        e1 = jnp.exp(l1 - mx)
        ssum = _allreduce_tree(e0 + e1, tmp_v, ci16, jnp.add)
        w_v[pl.ds(0, 16)] = e0 / ssum
        w_v[pl.ds(16, 16)] = e1 / ssum
        for c in range(D3 // 16):
            accv[pl.ds(c * 16, 16)] = jnp.zeros((16,), jnp.float32)
        for c in range(HOLO // 16):
            acchr[pl.ds(c * 16, 16)] = jnp.zeros((16,), jnp.float32)
            acchi[pl.ds(c * 16, 16)] = jnp.zeros((16,), jnp.float32)
        def k_body(k, carry2):
            kb = jnp.broadcast_to(k, (16,))
            wk = plsc.load_gather(w_v, [kb])
            for c in range(D3 // 16):
                sl = pl.ds(c * 16, 16)
                g = plsc.load_gather(vals_v, [kb, ci16 + c * 16])
                accv[sl] = accv[sl] + wk * g
            for c in range(HOLO // 16):
                sl = pl.ds(c * 16, 16)
                gr = plsc.load_gather(hr_v, [kb, ci16 + c * 16])
                acchr[sl] = acchr[sl] + wk * gr
                gi = plsc.load_gather(hi_v, [kb, ci16 + c * 16])
                acchi[sl] = acchi[sl] + wk * gi
            return carry2

        lax.fori_loop(0, K, k_body, 0)
        pltpu.sync_copy(accv, ra_hbm.at[pl.ds(row * D3, D3)])
        pltpu.sync_copy(acchr, whr_hbm.at[pl.ds(row * HOLO, HOLO)])
        pltpu.sync_copy(acchi, whi_hbm.at[pl.ds(row * HOLO, HOLO)])
        return carry

    lax.fori_loop(0, RPW, row_body, 0)


def _stage_c_body(ra_r, whr_r, whi_r, kp_r, a_r, b_r, bro_r, wout_r,
                  bout_r, gout_r, beout_r, o_r):
    kp = kp_r[...]
    c_re = jnp.cos(kp)
    c_im = jnp.sin(kp)
    whr = whr_r[...]
    whi = whi_r[...]
    u_re = c_re * whr + c_im * whi
    u_im = c_re * whi - c_im * whr
    read_holo = (jnp.dot(u_re, a_r[...], precision=HI)
                 + jnp.dot(u_im, b_r[...], precision=HI) + bro_r[...])
    comb = ra_r[...] + read_holo
    y = jnp.dot(comb, wout_r[...], precision=HI) + bout_r[...]
    o_r[...] = _ln_gelu(y, gout_r[...], beout_r[...])


def kernel(x, keys, values, quantum_phase, quantum_gain, ricci_flow,
           fractal_weights, W_in, b_in, g_in, be_in, W_out, b_out, g_out,
           be_out, W_kp, b_kp, entangle_key, holo_re, holo_im, W_ro, b_ro):
    f32 = jnp.float32
    x2 = x.reshape(S, IN)
    W_in_T = W_in.T
    W_kp_T = W_kp.T
    W_out_T = W_out.T
    P = jnp.repeat(jnp.eye(D, dtype=f32), 3, axis=0) / 3.0
    keys_T = keys.T
    bias_kp = (b_kp + entangle_key).reshape(1, HOLO)
    hn = (jnp.arange(HOLO, dtype=jnp.int32)[:, None]
          * jnp.arange(HOLO, dtype=jnp.int32)[None, :]) % HOLO
    theta = hn.astype(f32) * (2.0 * 3.141592653589793 / HOLO)
    C_ = jnp.cos(theta)
    S_ = jnp.sin(theta)
    Wr1 = W_ro[:, :HOLO].T
    Wr2 = W_ro[:, HOLO:].T
    A_ = (C_ @ Wr1 + S_ @ Wr2) / HOLO
    B_ = (-S_ @ Wr1 + C_ @ Wr2) / HOLO

    coh_all = pl.pallas_call(
        _coh_body,
        out_shape=jax.ShapeDtypeStruct((M, 1), f32),
    )(quantum_phase)

    grid = (S // TS,)
    row = lambda i: (i, 0)
    whole = lambda i: (0, 0)
    idx, lg, kp = pl.pallas_call(
        _stage_a_body,
        grid=grid,
        in_specs=[
            pl.BlockSpec((TS, IN), row),
            pl.BlockSpec((IN, D3), whole),
            pl.BlockSpec((1, D3), whole),
            pl.BlockSpec((1, D3), whole),
            pl.BlockSpec((1, D3), whole),
            pl.BlockSpec((D3, D), whole),
            pl.BlockSpec((D, D), whole),
            pl.BlockSpec((D, M), whole),
            pl.BlockSpec((IN, HOLO), whole),
            pl.BlockSpec((1, HOLO), whole),
        ],
        out_specs=[
            pl.BlockSpec((TS, K), row),
            pl.BlockSpec((TS, K), row),
            pl.BlockSpec((TS, HOLO), row),
        ],
        out_shape=[
            jax.ShapeDtypeStruct((S, K), jnp.int32),
            jax.ShapeDtypeStruct((S, K), f32),
            jax.ShapeDtypeStruct((S, HOLO), f32),
        ],
    )(x2, W_in_T, b_in.reshape(1, D3), g_in.reshape(1, D3),
      be_in.reshape(1, D3), P, ricci_flow, keys_T, W_kp_T, bias_kp)

    sc_fn = functools.partial(
        pl.kernel,
        mesh=plsc.VectorSubcoreMesh(core_axis_name="c", subcore_axis_name="s"),
        compiler_params=pltpu.CompilerParams(needs_layout_passes=False),
        out_type=[
            jax.ShapeDtypeStruct((S * D3,), f32),
            jax.ShapeDtypeStruct((S * HOLO,), f32),
            jax.ShapeDtypeStruct((S * HOLO,), f32),
        ],
        scratch_types=[
            pltpu.VMEM((K,), jnp.int32),
            pltpu.VMEM((K,), f32),
            pltpu.VMEM((K,), f32),
            pltpu.VMEM((K, 256), f32),
            pltpu.VMEM((K, HOLO), f32),
            pltpu.VMEM((K, HOLO), f32),
            pltpu.VMEM((K, 128), f32),
            pltpu.VMEM((16,), f32),
            pltpu.VMEM((D3,), f32),
            pltpu.VMEM((HOLO,), f32),
            pltpu.VMEM((HOLO,), f32),
            pltpu.SemaphoreType.DMA,
        ],
    )(_sc_body)
    values_pad = jnp.concatenate(
        [values, jnp.zeros((M, 256 - D3), f32)], axis=1)
    aux = jnp.concatenate(
        [quantum_gain.reshape(M, 1), coh_all.reshape(M, 1),
         jnp.zeros((M, 126), f32)], axis=1)
    ra_f, whr_f, whi_f = sc_fn(idx.reshape(S * K), lg.reshape(S * K),
                               values_pad, holo_re, holo_im, aux)
    ra = ra_f.reshape(S, D3)
    whr = whr_f.reshape(S, HOLO)
    whi = whi_f.reshape(S, HOLO)

    out2 = pl.pallas_call(
        _stage_c_body,
        grid=grid,
        in_specs=[
            pl.BlockSpec((TS, D3), row),
            pl.BlockSpec((TS, HOLO), row),
            pl.BlockSpec((TS, HOLO), row),
            pl.BlockSpec((TS, HOLO), row),
            pl.BlockSpec((HOLO, D3), whole),
            pl.BlockSpec((HOLO, D3), whole),
            pl.BlockSpec((1, D3), whole),
            pl.BlockSpec((D3, IN), whole),
            pl.BlockSpec((1, IN), whole),
            pl.BlockSpec((1, IN), whole),
            pl.BlockSpec((1, IN), whole),
        ],
        out_specs=pl.BlockSpec((TS, IN), row),
        out_shape=jax.ShapeDtypeStruct((S, IN), f32),
    )(ra, whr, whi, kp, A_, B_, b_ro.reshape(1, D3), W_out_T,
      b_out.reshape(1, IN), g_out.reshape(1, IN), be_out.reshape(1, IN))
    return out2.reshape(B, S, IN)

# --- scband reference (transcript-rebuilt; emitter-appended) ---
"""Pipeline reference for scband-enhanced-hyper-geometric-memory-42202348650973 (READ-ONLY COPY).

The authoritative reference and input builder live on the scoring server;
editing this copy changes nothing except your own understanding.
"""

import jax, jax.numpy as jnp
import numpy as np

B, S, IN, D, M, Q, HOLO, K, SC = 1, 2048, 1024, 64, 16384, 8, 256, 32, 4

def _ln(x, g, b):
    m = x.mean(axis=-1, keepdims=True)
    v = jnp.mean((x - m) ** 2, axis=-1, keepdims=True)
    return (x - m) / jnp.sqrt(v + 1e-05) * g + b

def setup_inputs():
    ks = jax.random.split(jax.random.key(0), 12)
    n = lambda k, sh: jax.random.normal(k, sh, dtype=jnp.float32)
    return {
        'x': n(ks[0], (B, S, IN)),
        'keys': n(ks[1], (M, D)),
        'values': n(ks[2], (M, 3 * D)),
        'quantum_phase': n(ks[3], (M, Q)),
        'quantum_gain': jnp.ones((M,), jnp.float32),
        'ricci_flow': jnp.eye(D, dtype=jnp.float32),
        'fractal_weights': jnp.ones((SC,), jnp.float32),
        'W_in': n(ks[4], (3 * D, IN)) * 0.02,
        'b_in': jnp.zeros((3 * D,), jnp.float32),
        'g_in': jnp.ones((3 * D,), jnp.float32),
        'be_in': jnp.zeros((3 * D,), jnp.float32),
        'W_out': n(ks[5], (IN, 3 * D)) * 0.02,
        'b_out': jnp.zeros((IN,), jnp.float32),
        'g_out': jnp.ones((IN,), jnp.float32),
        'be_out': jnp.zeros((IN,), jnp.float32),
        'W_kp': n(ks[6], (HOLO, IN)) * 0.02,
        'b_kp': jnp.zeros((HOLO,), jnp.float32),
        'entangle_key': jnp.zeros((HOLO,), jnp.float32),
        'holo_re': n(ks[7], (M, HOLO)) * 0.05,
        'holo_im': n(ks[8], (M, HOLO)) * 0.05,
        'W_ro': n(ks[9], (3 * D, 2 * HOLO)) * 0.02,
        'b_ro': jnp.zeros((3 * D,), jnp.float32),
    }

def reference(x, keys, values, quantum_phase, quantum_gain, ricci_flow, fractal_weights, W_in, b_in, g_in, be_in, W_out, b_out, g_out, be_out, W_kp, b_kp, entangle_key, holo_re, holo_im, W_ro, b_ro):
    # input projection -> manifold encode (Linear + LayerNorm + GELU, then ricci flow)
    proj = jax.nn.gelu(_ln(x @ W_in.T + b_in, g_in, be_in), approximate=False)
    z = proj.reshape(B, S, D, 3)
    z = jnp.einsum('bseq,ed->bsdq', z, ricci_flow)
    q = z.mean(axis=-1)
    # fractal multi-scale pairwise squared-L2 distance (no-grad, selection only)
    q2 = (q ** 2).sum(axis=-1)
    k2 = (keys ** 2).sum(axis=-1)
    base = jnp.maximum(q2[..., None] + k2[None, None, :] - 2.0 * jnp.einsum('bsd,md->bsm', q, keys), 0.0)
    sc = jnp.sum(jax.nn.softmax(fractal_weights) / (4.0 ** jnp.arange(SC)))
    dsum = jax.lax.stop_gradient(base * sc)
    _, idx = jax.lax.top_k(-dsum, K)  # (B, S, K) retrieval over memory slots
    # differentiable re-scored attention over shortlisted slots
    sel_keys = keys[idx]
    d = ((q[..., None, :] - sel_keys) ** 2).sum(axis=-1)
    gain = quantum_gain[idx]
    coh = jnp.cos(quantum_phase[idx]).mean(axis=-1)
    temperature = 1.0
    w = jax.nn.softmax((-d * gain + coh) / temperature, axis=-1)
    read_assoc = jnp.einsum('bsk,bske->bse', w, values[idx])
    # holographic (HRR) read: unbind gathered holograms with key phases, iFFT, readout
    kp = x @ W_kp.T + b_kp + entangle_key
    c_re = jnp.cos(kp)
    c_im = jnp.sin(kp)
    Hr = holo_re[idx]
    Hi = holo_im[idx]
    U_re = Hr * c_re[..., None, :] + Hi * c_im[..., None, :]
    U_im = Hi * c_re[..., None, :] - Hr * c_im[..., None, :]
    u = jnp.einsum('bsk,bskh->bsh', w, U_re) + 1j * jnp.einsum('bsk,bskh->bsh', w, U_im)
    t = jnp.fft.ifft(u, axis=-1)
    feat = jnp.concatenate([t.real, t.imag], axis=-1)
    read_holo = feat @ W_ro.T + b_ro
    combined = read_assoc + read_holo
    out = jax.nn.gelu(_ln(combined @ W_out.T + b_out, g_out, be_out), approximate=False)
    return out

if __name__ == "__main__":
    import jax
    _d = setup_inputs()
    print(jax.jit(kernel)(*tuple(_d.values())))

</pallas_src>

<mosaic_0001>
#map = affine_map<(d0, d1) -> (0)>
#map1 = affine_map<(d0, d1) -> (0, 0)>
module attributes {stable_mosaic.version = 14 : i64} {
  func.func @_sc_body(%arg0: i32, %arg1: i32, %arg2: memref<65536xi32, #tpu.memory_space<hbm>>, %arg3: memref<65536xf32, #tpu.memory_space<hbm>>, %arg4: memref<16384x256xf32, #tpu.memory_space<hbm>>, %arg5: memref<16384x256xf32, #tpu.memory_space<hbm>>, %arg6: memref<16384x256xf32, #tpu.memory_space<hbm>>, %arg7: memref<16384x128xf32, #tpu.memory_space<hbm>>, %arg8: memref<393216xf32, #tpu.memory_space<hbm>>, %arg9: memref<524288xf32, #tpu.memory_space<hbm>>, %arg10: memref<524288xf32, #tpu.memory_space<hbm>>, %arg11: memref<32xi32, #tpu.memory_space<vmem>>, %arg12: memref<32xf32, #tpu.memory_space<vmem>>, %arg13: memref<32xf32, #tpu.memory_space<vmem>>, %arg14: memref<32x256xf32, #tpu.memory_space<vmem>>, %arg15: memref<32x256xf32, #tpu.memory_space<vmem>>, %arg16: memref<32x256xf32, #tpu.memory_space<vmem>>, %arg17: memref<32x128xf32, #tpu.memory_space<vmem>>, %arg18: memref<16xf32, #tpu.memory_space<vmem>>, %arg19: memref<192xf32, #tpu.memory_space<vmem>>, %arg20: memref<256xf32, #tpu.memory_space<vmem>>, %arg21: memref<256xf32, #tpu.memory_space<vmem>>, %arg22: memref<!tpu.dma_semaphore, #tpu.memory_space<semaphore_mem>>) attributes {dimension_semantics = [#tpu.dimension_semantics<core_parallel>, #tpu.dimension_semantics<subcore_parallel>], iteration_bounds = array<i64: 2, 16>, scalar_prefetch = 0 : i64, scratch_operands = 12 : i64, tpu.core_type = #tpu.core_type<sc_vector_subcore>, window_params = [{transform_indices = #map}, {transform_indices = #map}, {transform_indices = #map1}, {transform_indices = #map1}, {transform_indices = #map1}, {transform_indices = #map1}, {transform_indices = #map}, {transform_indices = #map}, {transform_indices = #map}]} {
    %mul3A = arith.constant 2 : i32
    %mul3A_0 = arith.muli %arg1, %mul3A : i32
    %add3A = arith.addi %mul3A_0, %arg0 : i32
    %mul3A_1 = arith.constant 64 : i32
    %mul3A_2 = arith.muli %add3A, %mul3A_1 : i32
    %iota3A = tpu.iota {dimensions = array<i32: 0>} : vector<16xi32>
    %scan3A = arith.constant 0 : i32
    %scan3A_3 = arith.constant 0 : i32
    %scan3A_4 = arith.constant 64 : i32
    %scan3A_5 = arith.addi %scan3A_3, %scan3A_4 : i32
    %scan3A_6 = arith.constant 1 : i32
    scf.for %scan3A_8 = %scan3A_3 to %scan3A_5 step %scan3A_6  : i32 {
      %add3A_9 = arith.addi %mul3A_2, %scan3A_8 : i32
      %mul3A_10 = arith.constant 32 : i32
      %mul3A_11 = arith.muli %add3A_9, %mul3A_10 : i32
      "tpu.region"() ({
        %run_scoped3A = tpu.sem_alloc : memref<!tpu.dma_semaphore, #tpu.memory_space<semaphore_mem>>
        %dma_start3A_332 = tpu.memref_slice %arg2[%mul3A_11] : memref<65536xi32, #tpu.memory_space<hbm>> -> memref<32xi32, #tpu.memory_space<hbm>>
        %dma_start3A_333 = tpu.memref_slice %arg2[%mul3A_11] : memref<65536xi32, #tpu.memory_space<hbm>> -> memref<32xi32, #tpu.memory_space<hbm>>
        tpu.enqueue_dma source(%dma_start3A_333 : memref<32xi32, #tpu.memory_space<hbm>>) target(%arg11 : memref<32xi32, #tpu.memory_space<vmem>>) target_semaphore(%run_scoped3A : memref<!tpu.dma_semaphore, #tpu.memory_space<semaphore_mem>>)
        %dma_wait3A_334 = tpu.memref_slice %arg2[%mul3A_11] : memref<65536xi32, #tpu.memory_space<hbm>> -> memref<32xi32, #tpu.memory_space<hbm>>
        %dma_wait3A_335 = tpu.memref_slice %arg2[%mul3A_11] : memref<65536xi32, #tpu.memory_space<hbm>> -> memref<32xi32, #tpu.memory_space<hbm>>
        tpu.wait_dma2 semaphore(%run_scoped3A : memref<!tpu.dma_semaphore, #tpu.memory_space<semaphore_mem>>) src(%dma_wait3A_335 : memref<32xi32, #tpu.memory_space<hbm>>) dst(%arg11 : memref<32xi32, #tpu.memory_space<vmem>>)
        tpu.yield
      }) : () -> ()
      %mul3A_12 = arith.constant 32 : i32
      %mul3A_13 = arith.muli %add3A_9, %mul3A_12 : i32
      "tpu.region"() ({
        %run_scoped3A = tpu.sem_alloc : memref<!tpu.dma_semaphore, #tpu.memory_space<semaphore_mem>>
        %dma_start3A_332 = tpu.memref_slice %arg3[%mul3A_13] : memref<65536xf32, #tpu.memory_space<hbm>> -> memref<32xf32, #tpu.memory_space<hbm>>
        %dma_start3A_333 = tpu.memref_slice %arg3[%mul3A_13] : memref<65536xf32, #tpu.memory_space<hbm>> -> memref<32xf32, #tpu.memory_space<hbm>>
        tpu.enqueue_dma source(%dma_start3A_333 : memref<32xf32, #tpu.memory_space<hbm>>) target(%arg12 : memref<32xf32, #tpu.memory_space<vmem>>) target_semaphore(%run_scoped3A : memref<!tpu.dma_semaphore, #tpu.memory_space<semaphore_mem>>)
        %dma_wait3A_334 = tpu.memref_slice %arg3[%mul3A_13] : memref<65536xf32, #tpu.memory_space<hbm>> -> memref<32xf32, #tpu.memory_space<hbm>>
        %dma_wait3A_335 = tpu.memref_slice %arg3[%mul3A_13] : memref<65536xf32, #tpu.memory_space<hbm>> -> memref<32xf32, #tpu.memory_space<hbm>>
        tpu.wait_dma2 semaphore(%run_scoped3A : memref<!tpu.dma_semaphore, #tpu.memory_space<semaphore_mem>>) src(%dma_wait3A_335 : memref<32xf32, #tpu.memory_space<hbm>>) dst(%arg12 : memref<32xf32, #tpu.memory_space<vmem>>)
        tpu.yield
      }) : () -> ()
      %dma_start3A = arith.constant 0 : i32
      %dma_start3A_14 = arith.constant 0 : i32
      %dma_start3A_15 = tpu.memref_slice %arg4[%dma_start3A, %dma_start3A_14] : memref<16384x256xf32, #tpu.memory_space<hbm>> -> memref<16384x256xf32, #tpu.memory_space<hbm>>
      tpu.enqueue_indirect_dma source(%dma_start3A_15 : memref<16384x256xf32, #tpu.memory_space<hbm>>) target(%arg14 : memref<32x256xf32, #tpu.memory_space<vmem>>) offsets(%arg11 : memref<32xi32, #tpu.memory_space<vmem>>) semaphore(%arg22 : memref<!tpu.dma_semaphore, #tpu.memory_space<semaphore_mem>>)
      %dma_start3A_16 = arith.constant 0 : i32
      %dma_start3A_17 = arith.constant 0 : i32
      %dma_start3A_18 = tpu.memref_slice %arg5[%dma_start3A_16, %dma_start3A_17] : memref<16384x256xf32, #tpu.memory_space<hbm>> -> memref<16384x256xf32, #tpu.memory_space<hbm>>
      tpu.enqueue_indirect_dma source(%dma_start3A_18 : memref<16384x256xf32, #tpu.memory_space<hbm>>) target(%arg15 : memref<32x256xf32, #tpu.memory_space<vmem>>) offsets(%arg11 : memref<32xi32, #tpu.memory_space<vmem>>) semaphore(%arg22 : memref<!tpu.dma_semaphore, #tpu.memory_space<semaphore_mem>>)
      %dma_start3A_19 = arith.constant 0 : i32
      %dma_start3A_20 = arith.constant 0 : i32
      %dma_start3A_21 = tpu.memref_slice %arg6[%dma_start3A_19, %dma_start3A_20] : memref<16384x256xf32, #tpu.memory_space<hbm>> -> memref<16384x256xf32, #tpu.memory_space<hbm>>
      tpu.enqueue_indirect_dma source(%dma_start3A_21 : memref<16384x256xf32, #tpu.memory_space<hbm>>) target(%arg16 : memref<32x256xf32, #tpu.memory_space<vmem>>) offsets(%arg11 : memref<32xi32, #tpu.memory_space<vmem>>) semaphore(%arg22 : memref<!tpu.dma_semaphore, #tpu.memory_space<semaphore_mem>>)
      %dma_start3A_22 = arith.constant 0 : i32
      %dma_start3A_23 = arith.constant 0 : i32
      %dma_start3A_24 = tpu.memref_slice %arg7[%dma_start3A_22, %dma_start3A_23] : memref<16384x128xf32, #tpu.memory_space<hbm>> -> memref<16384x128xf32, #tpu.memory_space<hbm>>
      tpu.enqueue_indirect_dma source(%dma_start3A_24 : memref<16384x128xf32, #tpu.memory_space<hbm>>) target(%arg17 : memref<32x128xf32, #tpu.memory_space<vmem>>) offsets(%arg11 : memref<32xi32, #tpu.memory_space<vmem>>) semaphore(%arg22 : memref<!tpu.dma_semaphore, #tpu.memory_space<semaphore_mem>>)
      %dma_wait3A = arith.constant 0 : i32
      %dma_wait3A_25 = arith.constant 0 : i32
      %dma_wait3A_26 = tpu.memref_slice %arg4[%dma_wait3A, %dma_wait3A_25] : memref<16384x256xf32, #tpu.memory_space<hbm>> -> memref<16384x256xf32, #tpu.memory_space<hbm>>
      tpu.wait_indirect_dma semaphore(%arg22 : memref<!tpu.dma_semaphore, #tpu.memory_space<semaphore_mem>>) src(%dma_wait3A_26 : memref<16384x256xf32, #tpu.memory_space<hbm>>) dst(%arg14 : memref<32x256xf32, #tpu.memory_space<vmem>>)
      %dma_wait3A_27 = arith.constant 0 : i32
      %dma_wait3A_28 = arith.constant 0 : i32
      %dma_wait3A_29 = tpu.memref_slice %arg5[%dma_wait3A_27, %dma_wait3A_28] : memref<16384x256xf32, #tpu.memory_space<hbm>> -> memref<16384x256xf32, #tpu.memory_space<hbm>>
      tpu.wait_indirect_dma semaphore(%arg22 : memref<!tpu.dma_semaphore, #tpu.memory_space<semaphore_mem>>) src(%dma_wait3A_29 : memref<16384x256xf32, #tpu.memory_space<hbm>>) dst(%arg15 : memref<32x256xf32, #tpu.memory_space<vmem>>)
      %dma_wait3A_30 = arith.constant 0 : i32
      %dma_wait3A_31 = arith.constant 0 : i32
      %dma_wait3A_32 = tpu.memref_slice %arg6[%dma_wait3A_30, %dma_wait3A_31] : memref<16384x256xf32, #tpu.memory_space<hbm>> -> memref<16384x256xf32, #tpu.memory_space<hbm>>
      tpu.wait_indirect_dma semaphore(%arg22 : memref<!tpu.dma_semaphore, #tpu.memory_space<semaphore_mem>>) src(%dma_wait3A_32 : memref<16384x256xf32, #tpu.memory_space<hbm>>) dst(%arg16 : memref<32x256xf32, #tpu.memory_space<vmem>>)
      %dma_wait3A_33 = arith.constant 0 : i32
      %dma_wait3A_34 = arith.constant 0 : i32
      %dma_wait3A_35 = tpu.memref_slice %arg7[%dma_wait3A_33, %dma_wait3A_34] : memref<16384x128xf32, #tpu.memory_space<hbm>> -> memref<16384x128xf32, #tpu.memory_space<hbm>>
      tpu.wait_indirect_dma semaphore(%arg22 : memref<!tpu.dma_semaphore, #tpu.memory_space<semaphore_mem>>) src(%dma_wait3A_35 : memref<16384x128xf32, #tpu.memory_space<hbm>>) dst(%arg17 : memref<32x128xf32, #tpu.memory_space<vmem>>)
      %sub3A = arith.subi %iota3A, %iota3A : vector<16xi32>
      %gather3A = tpu.vector_load_idx %arg17[%iota3A, %sub3A] : memref<32x128xf32, #tpu.memory_space<vmem>>[vector<16xi32>, vector<16xi32>], vector<16xf32>,
      %add3A_36 = arith.constant 16 : i32
      %add3A_37 = vector.broadcast %add3A_36 : i32 to vector<16xi32>
      %add3A_38 = arith.addi %iota3A, %add3A_37 : vector<16xi32>
      %gather3A_39 = tpu.vector_load_idx %arg17[%add3A_38, %sub3A] : memref<32x128xf32, #tpu.memory_space<vmem>>[vector<16xi32>, vector<16xi32>], vector<16xf32>,
      %add3A_40 = arith.constant 1 : i32
      %add3A_41 = vector.broadcast %add3A_40 : i32 to vector<16xi32>
      %add3A_42 = arith.addi %sub3A, %add3A_41 : vector<16xi32>
      %gather3A_43 = tpu.vector_load_idx %arg17[%iota3A, %add3A_42] : memref<32x128xf32, #tpu.memory_space<vmem>>[vector<16xi32>, vector<16xi32>], vector<16xf32>,
      %add3A_44 = arith.constant 16 : i32
      %add3A_45 = vector.broadcast %add3A_44 : i32 to vector<16xi32>
      %add3A_46 = arith.addi %iota3A, %add3A_45 : vector<16xi32>
      %add3A_47 = arith.constant 1 : i32
      %add3A_48 = vector.broadcast %add3A_47 : i32 to vector<16xi32>
      %add3A_49 = arith.addi %sub3A, %add3A_48 : vector<16xi32>
      %gather3A_50 = tpu.vector_load_idx %arg17[%add3A_46, %add3A_49] : memref<32x128xf32, #tpu.memory_space<vmem>>[vector<16xi32>, vector<16xi32>], vector<16xf32>,
      %get3A = arith.constant 0 : index
      %get3A_51 = tpu.vector_load %arg12[%get3A] {strides = array<i32>} : memref<32xf32, #tpu.memory_space<vmem>>, vector<16xf32>,
      %mul3A_52 = arith.mulf %get3A_51, %gather3A : vector<16xf32>
      %sub3A_53 = arith.subf %gather3A_43, %mul3A_52 : vector<16xf32>
      %get3A_54 = arith.constant 16 : index
      %get3A_55 = tpu.vector_load %arg12[%get3A_54] {strides = array<i32>} : memref<32xf32, #tpu.memory_space<vmem>>, vector<16xf32>,
      %mul3A_56 = arith.mulf %get3A_55, %gather3A_39 : vector<16xf32>
      %sub3A_57 = arith.subf %gather3A_50, %mul3A_56 : vector<16xf32>
      %max3A = arith.maximumf %sub3A_53, %sub3A_57 : vector<16xf32>
      %swap3A = arith.constant 0 : index
      %swap3A_58 = tpu.vector_load %arg18[%swap3A] {strides = array<i32>} : memref<16xf32, #tpu.memory_space<vmem>>, vector<16xf32>,
      tpu.vector_store %arg18[%swap3A], %max3A {strides = array<i32>} : memref<16xf32, #tpu.memory_space<vmem>>, vector<16xf32>,
      %add3A_59 = arith.constant 8 : i32
      %add3A_60 = vector.broadcast %add3A_59 : i32 to vector<16xi32>
      %add3A_61 = arith.addi %iota3A, %add3A_60 : vector<16xi32>
      %and3A = arith.constant 15 : i32
      %and3A_62 = vector.broadcast %and3A : i32 to vector<16xi32>
      %and3A_63 = arith.andi %add3A_61, %and3A_62 : vector<16xi32>
      %gather3A_64 = tpu.vector_load_idx %arg18[%and3A_63] : memref<16xf32, #tpu.memory_space<vmem>>[vector<16xi32>], vector<16xf32>,
      %max3A_65 = arith.maximumf %max3A, %gather3A_64 : vector<16xf32>
      %swap3A_66 = arith.constant 0 : index
      %swap3A_67 = tpu.vector_load %arg18[%swap3A_66] {strides = array<i32>} : memref<16xf32, #tpu.memory_space<vmem>>, vector<16xf32>,
      tpu.vector_store %arg18[%swap3A_66], %max3A_65 {strides = array<i32>} : memref<16xf32, #tpu.memory_space<vmem>>, vector<16xf32>,
      %add3A_68 = arith.constant 4 : i32
      %add3A_69 = vector.broadcast %add3A_68 : i32 to vector<16xi32>
      %add3A_70 = arith.addi %iota3A, %add3A_69 : vector<16xi32>
      %and3A_71 = arith.constant 15 : i32
      %and3A_72 = vector.broadcast %and3A_71 : i32 to vector<16xi32>
      %and3A_73 = arith.andi %add3A_70, %and3A_72 : vector<16xi32>
      %gather3A_74 = tpu.vector_load_idx %arg18[%and3A_73] : memref<16xf32, #tpu.memory_space<vmem>>[vector<16xi32>], vector<16xf32>,
      %max3A_75 = arith.maximumf %max3A_65, %gather3A_74 : vector<16xf32>
      %swap3A_76 = arith.constant 0 : index
      %swap3A_77 = tpu.vector_load %arg18[%swap3A_76] {strides = array<i32>} : memref<16xf32, #tpu.memory_space<vmem>>, vector<16xf32>,
      tpu.vector_store %arg18[%swap3A_76], %max3A_75 {strides = array<i32>} : memref<16xf32, #tpu.memory_space<vmem>>, vector<16xf32>,
      %add3A_78 = arith.constant 2 : i32
      %add3A_79 = vector.broadcast %add3A_78 : i32 to vector<16xi32>
      %add3A_80 = arith.addi %iota3A, %add3A_79 : vector<16xi32>
      %and3A_81 = arith.constant 15 : i32
      %and3A_82 = vector.broadcast %and3A_81 : i32 to vector<16xi32>
      %and3A_83 = arith.andi %add3A_80, %and3A_82 : vector<16xi32>
      %gather3A_84 = tpu.vector_load_idx %arg18[%and3A_83] : memref<16xf32, #tpu.memory_space<vmem>>[vector<16xi32>], vector<16xf32>,
      %max3A_85 = arith.maximumf %max3A_75, %gather3A_84 : vector<16xf32>
      %swap3A_86 = arith.constant 0 : index
      %swap3A_87 = tpu.vector_load %arg18[%swap3A_86] {strides = array<i32>} : memref<16xf32, #tpu.memory_space<vmem>>, vector<16xf32>,
      tpu.vector_store %arg18[%swap3A_86], %max3A_85 {strides = array<i32>} : memref<16xf32, #tpu.memory_space<vmem>>, vector<16xf32>,
      %add3A_88 = arith.constant 1 : i32
      %add3A_89 = vector.broadcast %add3A_88 : i32 to vector<16xi32>
      %add3A_90 = arith.addi %iota3A, %add3A_89 : vector<16xi32>
      %and3A_91 = arith.constant 15 : i32
      %and3A_92 = vector.broadcast %and3A_91 : i32 to vector<16xi32>
      %and3A_93 = arith.andi %add3A_90, %and3A_92 : vector<16xi32>
      %gather3A_94 = tpu.vector_load_idx %arg18[%and3A_93] : memref<16xf32, #tpu.memory_space<vmem>>[vector<16xi32>], vector<16xf32>,
      %max3A_95 = arith.maximumf %max3A_85, %gather3A_94 : vector<16xf32>
      %sub3A_96 = arith.subf %sub3A_53, %max3A_95 : vector<16xf32>
      %exp3A = math.exp %sub3A_96 : vector<16xf32>
      %sub3A_97 = arith.subf %sub3A_57, %max3A_95 : vector<16xf32>
      %exp3A_98 = math.exp %sub3A_97 : vector<16xf32>
      %add3A_99 = arith.addf %exp3A, %exp3A_98 : vector<16xf32>
      %swap3A_100 = arith.constant 0 : index
      %swap3A_101 = tpu.vector_load %arg18[%swap3A_100] {strides = array<i32>} : memref<16xf32, #tpu.memory_space<vmem>>, vector<16xf32>,
      tpu.vector_store %arg18[%swap3A_100], %add3A_99 {strides = array<i32>} : memref<16xf32, #tpu.memory_space<vmem>>, vector<16xf32>,
      %add3A_102 = arith.constant 8 : i32
      %add3A_103 = vector.broadcast %add3A_102 : i32 to vector<16xi32>
      %add3A_104 = arith.addi %iota3A, %add3A_103 : vector<16xi32>
      %and3A_105 = arith.constant 15 : i32
      %and3A_106 = vector.broadcast %and3A_105 : i32 to vector<16xi32>
      %and3A_107 = arith.andi %add3A_104, %and3A_106 : vector<16xi32>
      %gather3A_108 = tpu.vector_load_idx %arg18[%and3A_107] : memref<16xf32, #tpu.memory_space<vmem>>[vector<16xi32>], vector<16xf32>,
      %add3A_109 = arith.addf %add3A_99, %gather3A_108 : vector<16xf32>
      %swap3A_110 = arith.constant 0 : index
      %swap3A_111 = tpu.vector_load %arg18[%swap3A_110] {strides = array<i32>} : memref<16xf32, #tpu.memory_space<vmem>>, vector<16xf32>,
      tpu.vector_store %arg18[%swap3A_110], %add3A_109 {strides = array<i32>} : memref<16xf32, #tpu.memory_space<vmem>>, vector<16xf32>,
      %add3A_112 = arith.constant 4 : i32
      %add3A_113 = vector.broadcast %add3A_112 : i32 to vector<16xi32>
      %add3A_114 = arith.addi %iota3A, %add3A_113 : vector<16xi32>
      %and3A_115 = arith.constant 15 : i32
      %and3A_116 = vector.broadcast %and3A_115 : i32 to vector<16xi32>
      %and3A_117 = arith.andi %add3A_114, %and3A_116 : vector<16xi32>
      %gather3A_118 = tpu.vector_load_idx %arg18[%and3A_117] : memref<16xf32, #tpu.memory_space<vmem>>[vector<16xi32>], vector<16xf32>,
      %add3A_119 = arith.addf %add3A_109, %gather3A_118 : vector<16xf32>
      %swap3A_120 = arith.constant 0 : index
      %swap3A_121 = tpu.vector_load %arg18[%swap3A_120] {strides = array<i32>} : memref<16xf32, #tpu.memory_space<vmem>>, vector<16xf32>,
      tpu.vector_store %arg18[%swap3A_120], %add3A_119 {strides = array<i32>} : memref<16xf32, #tpu.memory_space<vmem>>, vector<16xf32>,
      %add3A_122 = arith.constant 2 : i32
      %add3A_123 = vector.broadcast %add3A_122 : i32 to vector<16xi32>
      %add3A_124 = arith.addi %iota3A, %add3A_123 : vector<16xi32>
      %and3A_125 = arith.constant 15 : i32
      %and3A_126 = vector.broadcast %and3A_125 : i32 to vector<16xi32>
      %and3A_127 = arith.andi %add3A_124, %and3A_126 : vector<16xi32>
      %gather3A_128 = tpu.vector_load_idx %arg18[%and3A_127] : memref<16xf32, #tpu.memory_space<vmem>>[vector<16xi32>], vector<16xf32>,
      %add3A_129 = arith.addf %add3A_119, %gather3A_128 : vector<16xf32>
      %swap3A_130 = arith.constant 0 : index
      %swap3A_131 = tpu.vector_load %arg18[%swap3A_130] {strides = array<i32>} : memref<16xf32, #tpu.memory_space<vmem>>, vector<16xf32>,
      tpu.vector_store %arg18[%swap3A_130], %add3A_129 {strides = array<i32>} : memref<16xf32, #tpu.memory_space<vmem>>, vector<16xf32>,
      %add3A_132 = arith.constant 1 : i32
      %add3A_133 = vector.broadcast %add3A_132 : i32 to vector<16xi32>
      %add3A_134 = arith.addi %iota3A, %add3A_133 : vector<16xi32>
      %and3A_135 = arith.constant 15 : i32
      %and3A_136 = vector.broadcast %and3A_135 : i32 to vector<16xi32>
      %and3A_137 = arith.andi %add3A_134, %and3A_136 : vector<16xi32>
      %gather3A_138 = tpu.vector_load_idx %arg18[%and3A_137] : memref<16xf32, #tpu.memory_space<vmem>>[vector<16xi32>], vector<16xf32>,
      %add3A_139 = arith.addf %add3A_129, %gather3A_138 : vector<16xf32>
      %div3A = arith.divf %exp3A, %add3A_139 : vector<16xf32>
      %swap3A_140 = arith.constant 0 : index
      %swap3A_141 = tpu.vector_load %arg13[%swap3A_140] {strides = array<i32>} : memref<32xf32, #tpu.memory_space<vmem>>, vector<16xf32>,
      tpu.vector_store %arg13[%swap3A_140], %div3A {strides = array<i32>} : memref<32xf32, #tpu.memory_space<vmem>>, vector<16xf32>,
      %div3A_142 = arith.divf %exp3A_98, %add3A_139 : vector<16xf32>
      %swap3A_143 = arith.constant 16 : index
      %swap3A_144 = tpu.vector_load %arg13[%swap3A_143] {strides = array<i32>} : memref<32xf32, #tpu.memory_space<vmem>>, vector<16xf32>,
      tpu.vector_store %arg13[%swap3A_143], %div3A_142 {strides = array<i32>} : memref<32xf32, #tpu.memory_space<vmem>>, vector<16xf32>,
      %broadcast_in_dim3A = arith.constant 0.000000e+00 : f32
      %broadcast_in_dim3A_145 = vector.broadcast %broadcast_in_dim3A : f32 to vector<16xf32>
      %swap3A_146 = arith.constant 0 : index
      %swap3A_147 = tpu.vector_load %arg19[%swap3A_146] {strides = array<i32>} : memref<192xf32, #tpu.memory_space<vmem>>, vector<16xf32>,
      tpu.vector_store %arg19[%swap3A_146], %broadcast_in_dim3A_145 {strides = array<i32>} : memref<192xf32, #tpu.memory_space<vmem>>, vector<16xf32>,
      %broadcast_in_dim3A_148 = arith.constant 0.000000e+00 : f32
      %broadcast_in_dim3A_149 = vector.broadcast %broadcast_in_dim3A_148 : f32 to vector<16xf32>
      %swap3A_150 = arith.constant 16 : index
      %swap3A_151 = tpu.vector_load %arg19[%swap3A_150] {strides = array<i32>} : memref<192xf32, #tpu.memory_space<vmem>>, vector<16xf32>,
      tpu.vector_store %arg19[%swap3A_150], %broadcast_in_dim3A_149 {strides = array<i32>} : memref<192xf32, #tpu.memory_space<vmem>>, vector<16xf32>,
      %broadcast_in_dim3A_152 = arith.constant 0.000000e+00 : f32
      %broadcast_in_dim3A_153 = vector.broadcast %broadcast_in_dim3A_152 : f32 to vector<16xf32>
      %swap3A_154 = arith.constant 32 : index
      %swap3A_155 = tpu.vector_load %arg19[%swap3A_154] {strides = array<i32>} : memref<192xf32, #tpu.memory_space<vmem>>, vector<16xf32>,
      tpu.vector_store %arg19[%swap3A_154], %broadcast_in_dim3A_153 {strides = array<i32>} : memref<192xf32, #tpu.memory_space<vmem>>, vector<16xf32>,
      %broadcast_in_dim3A_156 = arith.constant 0.000000e+00 : f32
      %broadcast_in_dim3A_157 = vector.broadcast %broadcast_in_dim3A_156 : f32 to vector<16xf32>
      %swap3A_158 = arith.constant 48 : index
      %swap3A_159 = tpu.vector_load %arg19[%swap3A_158] {strides = array<i32>} : memref<192xf32, #tpu.memory_space<vmem>>, vector<16xf32>,
      tpu.vector_store %arg19[%swap3A_158], %broadcast_in_dim3A_157 {strides = array<i32>} : memref<192xf32, #tpu.memory_space<vmem>>, vector<16xf32>,
      %broadcast_in_dim3A_160 = arith.constant 0.000000e+00 : f32
      %broadcast_in_dim3A_161 = vector.broadcast %broadcast_in_dim3A_160 : f32 to vector<16xf32>
      %swap3A_162 = arith.constant 64 : index
      %swap3A_163 = tpu.vector_load %arg19[%swap3A_162] {strides = array<i32>} : memref<192xf32, #tpu.memory_space<vmem>>, vector<16xf32>,
      tpu.vector_store %arg19[%swap3A_162], %broadcast_in_dim3A_161 {strides = array<i32>} : memref<192xf32, #tpu.memory_space<vmem>>, vector<16xf32>,
      %broadcast_in_dim3A_164 = arith.constant 0.000000e+00 : f32
      %broadcast_in_dim3A_165 = vector.broadcast %broadcast_in_dim3A_164 : f32 to vector<16xf32>
      %swap3A_166 = arith.constant 80 : index
      %swap3A_167 = tpu.vector_load %arg19[%swap3A_166] {strides = array<i32>} : memref<192xf32, #tpu.memory_space<vmem>>, vector<16xf32>,
      tpu.vector_store %arg19[%swap3A_166], %broadcast_in_dim3A_165 {strides = array<i32>} : memref<192xf32, #tpu.memory_space<vmem>>, vector<16xf32>,
      %broadcast_in_dim3A_168 = arith.constant 0.000000e+00 : f32
      %broadcast_in_dim3A_169 = vector.broadcast %broadcast_in_dim3A_168 : f32 to vector<16xf32>
      %swap3A_170 = arith.constant 96 : index
      %swap3A_171 = tpu.vector_load %arg19[%swap3A_170] {strides = array<i32>} : memref<192xf32, #tpu.memory_space<vmem>>, vector<16xf32>,
      tpu.vector_store %arg19[%swap3A_170], %broadcast_in_dim3A_169 {strides = array<i32>} : memref<192xf32, #tpu.memory_space<vmem>>, vector<16xf32>,
      %broadcast_in_dim3A_172 = arith.constant 0.000000e+00 : f32
      %broadcast_in_dim3A_173 = vector.broadcast %broadcast_in_dim3A_172 : f32 to vector<16xf32>
      %swap3A_174 = arith.constant 112 : index
      %swap3A_175 = tpu.vector_load %arg19[%swap3A_174] {strides = array<i32>} : memref<192xf32, #tpu.memory_space<vmem>>, vector<16xf32>,
      tpu.vector_store %arg19[%swap3A_174], %broadcast_in_dim3A_173 {strides = array<i32>} : memref<192xf32, #tpu.memory_space<vmem>>, vector<16xf32>,
      %broadcast_in_dim3A_176 = arith.constant 0.000000e+00 : f32
      %broadcast_in_dim3A_177 = vector.broadcast %broadcast_in_dim3A_176 : f32 to vector<16xf32>
      %swap3A_178 = arith.constant 128 : index
      %swap3A_179 = tpu.vector_load %arg19[%swap3A_178] {strides = array<i32>} : memref<192xf32, #tpu.memory_space<vmem>>, vector<16xf32>,
      tpu.vector_store %arg19[%swap3A_178], %broadcast_in_dim3A_177 {strides = array<i32>} : memref<192xf32, #tpu.memory_space<vmem>>, vector<16xf32>,
      %broadcast_in_dim3A_180 = arith.constant 0.000000e+00 : f32
      %broadcast_in_dim3A_181 = vector.broadcast %broadcast_in_dim3A_180 : f32 to vector<16xf32>
      %swap3A_182 = arith.constant 144 : index
      %swap3A_183 = tpu.vector_load %arg19[%swap3A_182] {strides = array<i32>} : memref<192xf32, #tpu.memory_space<vmem>>, vector<16xf32>,
      tpu.vector_store %arg19[%swap3A_182], %broadcast_in_dim3A_181 {strides = array<i32>} : memref<192xf32, #tpu.memory_space<vmem>>, vector<16xf32>,
      %broadcast_in_dim3A_184 = arith.constant 0.000000e+00 : f32
      %broadcast_in_dim3A_185 = vector.broadcast %broadcast_in_dim3A_184 : f32 to vector<16xf32>
      %swap3A_186 = arith.constant 160 : index
      %swap3A_187 = tpu.vector_load %arg19[%swap3A_186] {strides = array<i32>} : memref<192xf32, #tpu.memory_space<vmem>>, vector<16xf32>,
      tpu.vector_store %arg19[%swap3A_186], %broadcast_in_dim3A_185 {strides = array<i32>} : memref<192xf32, #tpu.memory_space<vmem>>, vector<16xf32>,
      %broadcast_in_dim3A_188 = arith.constant 0.000000e+00 : f32
      %broadcast_in_dim3A_189 = vector.broadcast %broadcast_in_dim3A_188 : f32 to vector<16xf32>
      %swap3A_190 = arith.constant 176 : index
      %swap3A_191 = tpu.vector_load %arg19[%swap3A_190] {strides = array<i32>} : memref<192xf32, #tpu.memory_space<vmem>>, vector<16xf32>,
      tpu.vector_store %arg19[%swap3A_190], %broadcast_in_dim3A_189 {strides = array<i32>} : memref<192xf32, #tpu.memory_space<vmem>>, vector<16xf32>,
      %broadcast_in_dim3A_192 = arith.constant 0.000000e+00 : f32
      %broadcast_in_dim3A_193 = vector.broadcast %broadcast_in_dim3A_192 : f32 to vector<16xf32>
      %swap3A_194 = arith.constant 0 : index
      %swap3A_195 = tpu.vector_load %arg20[%swap3A_194] {strides = array<i32>} : memref<256xf32, #tpu.memory_space<vmem>>, vector<16xf32>,
      tpu.vector_store %arg20[%swap3A_194], %broadcast_in_dim3A_193 {strides = array<i32>} : memref<256xf32, #tpu.memory_space<vmem>>, vector<16xf32>,
      %broadcast_in_dim3A_196 = arith.constant 0.000000e+00 : f32
      %broadcast_in_dim3A_197 = vector.broadcast %broadcast_in_dim3A_196 : f32 to vector<16xf32>
      %swap3A_198 = arith.constant 0 : index
      %swap3A_199 = tpu.vector_load %arg21[%swap3A_198] {strides = array<i32>} : memref<256xf32, #tpu.memory_space<vmem>>, vector<16xf32>,
      tpu.vector_store %arg21[%swap3A_198], %broadcast_in_dim3A_197 {strides = array<i32>} : memref<256xf32, #tpu.memory_space<vmem>>, vector<16xf32>,
      %broadcast_in_dim3A_200 = arith.constant 0.000000e+00 : f32
      %broadcast_in_dim3A_201 = vector.broadcast %broadcast_in_dim3A_200 : f32 to vector<16xf32>
      %swap3A_202 = arith.constant 16 : index
      %swap3A_203 = tpu.vector_load %arg20[%swap3A_202] {strides = array<i32>} : memref<256xf32, #tpu.memory_space<vmem>>, vector<16xf32>,
      tpu.vector_store %arg20[%swap3A_202], %broadcast_in_dim3A_201 {strides = array<i32>} : memref<256xf32, #tpu.memory_space<vmem>>, vector<16xf32>,
      %broadcast_in_dim3A_204 = arith.constant 0.000000e+00 : f32
      %broadcast_in_dim3A_205 = vector.broadcast %broadcast_in_dim3A_204 : f32 to vector<16xf32>
      %swap3A_206 = arith.constant 16 : index
      %swap3A_207 = tpu.vector_load %arg21[%swap3A_206] {strides = array<i32>} : memref<256xf32, #tpu.memory_space<vmem>>, vector<16xf32>,
      tpu.vector_store %arg21[%swap3A_206], %broadcast_in_dim3A_205 {strides = array<i32>} : memref<256xf32, #tpu.memory_space<vmem>>, vector<16xf32>,
      %broadcast_in_dim3A_208 = arith.constant 0.000000e+00 : f32
      %broadcast_in_dim3A_209 = vector.broadcast %broadcast_in_dim3A_208 : f32 to vector<16xf32>
      %swap3A_210 = arith.constant 32 : index
      %swap3A_211 = tpu.vector_load %arg20[%swap3A_210] {strides = array<i32>} : memref<256xf32, #tpu.memory_space<vmem>>, vector<16xf32>,
      tpu.vector_store %arg20[%swap3A_210], %broadcast_in_dim3A_209 {strides = array<i32>} : memref<256xf32, #tpu.memory_space<vmem>>, vector<16xf32>,
      %broadcast_in_dim3A_212 = arith.constant 0.000000e+00 : f32
      %broadcast_in_dim3A_213 = vector.broadcast %broadcast_in_dim3A_212 : f32 to vector<16xf32>
      %swap3A_214 = arith.constant 32 : index
      %swap3A_215 = tpu.vector_load %arg21[%swap3A_214] {strides = array<i32>} : memref<256xf32, #tpu.memory_space<vmem>>, vector<16xf32>,
      tpu.vector_store %arg21[%swap3A_214], %broadcast_in_dim3A_213 {strides = array<i32>} : memref<256xf32, #tpu.memory_space<vmem>>, vector<16xf32>,
      %broadcast_in_dim3A_216 = arith.constant 0.000000e+00 : f32
      %broadcast_in_dim3A_217 = vector.broadcast %broadcast_in_dim3A_216 : f32 to vector<16xf32>
      %swap3A_218 = arith.constant 48 : index
      %swap3A_219 = tpu.vector_load %arg20[%swap3A_218] {strides = array<i32>} : memref<256xf32, #tpu.memory_space<vmem>>, vector<16xf32>,
      tpu.vector_store %arg20[%swap3A_218], %broadcast_in_dim3A_217 {strides = array<i32>} : memref<256xf32, #tpu.memory_space<vmem>>, vector<16xf32>,
      %broadcast_in_dim3A_220 = arith.constant 0.000000e+00 : f32
      %broadcast_in_dim3A_221 = vector.broadcast %broadcast_in_dim3A_220 : f32 to vector<16xf32>
      %swap3A_222 = arith.constant 48 : index
      %swap3A_223 = tpu.vector_load %arg21[%swap3A_222] {strides = array<i32>} : memref<256xf32, #tpu.memory_space<vmem>>, vector<16xf32>,
      tpu.vector_store %arg21[%swap3A_222], %broadcast_in_dim3A_221 {strides = array<i32>} : memref<256xf32, #tpu.memory_space<vmem>>, vector<16xf32>,
      %broadcast_in_dim3A_224 = arith.constant 0.000000e+00 : f32
      %broadcast_in_dim3A_225 = vector.broadcast %broadcast_in_dim3A_224 : f32 to vector<16xf32>
      %swap3A_226 = arith.constant 64 : index
      %swap3A_227 = tpu.vector_load %arg20[%swap3A_226] {strides = array<i32>} : memref<256xf32, #tpu.memory_space<vmem>>, vector<16xf32>,
      tpu.vector_store %arg20[%swap3A_226], %broadcast_in_dim3A_225 {strides = array<i32>} : memref<256xf32, #tpu.memory_space<vmem>>, vector<16xf32>,
      %broadcast_in_dim3A_228 = arith.constant 0.000000e+00 : f32
      %broadcast_in_dim3A_229 = vector.broadcast %broadcast_in_dim3A_228 : f32 to vector<16xf32>
      %swap3A_230 = arith.constant 64 : index
      %swap3A_231 = tpu.vector_load %arg21[%swap3A_230] {strides = array<i32>} : memref<256xf32, #tpu.memory_space<vmem>>, vector<16xf32>,
      tpu.vector_store %arg21[%swap3A_230], %broadcast_in_dim3A_229 {strides = array<i32>} : memref<256xf32, #tpu.memory_space<vmem>>, vector<16xf32>,
      %broadcast_in_dim3A_232 = arith.constant 0.000000e+00 : f32
      %broadcast_in_dim3A_233 = vector.broadcast %broadcast_in_dim3A_232 : f32 to vector<16xf32>
      %swap3A_234 = arith.constant 80 : index
      %swap3A_235 = tpu.vector_load %arg20[%swap3A_234] {strides = array<i32>} : memref<256xf32, #tpu.memory_space<vmem>>, vector<16xf32>,
      tpu.vector_store %arg20[%swap3A_234], %broadcast_in_dim3A_233 {strides = array<i32>} : memref<256xf32, #tpu.memory_space<vmem>>, vector<16xf32>,
      %broadcast_in_dim3A_236 = arith.constant 0.000000e+00 : f32
      %broadcast_in_dim3A_237 = vector.broadcast %broadcast_in_dim3A_236 : f32 to vector<16xf32>
      %swap3A_238 = arith.constant 80 : index
      %swap3A_239 = tpu.vector_load %arg21[%swap3A_238] {strides = array<i32>} : memref<256xf32, #tpu.memory_space<vmem>>, vector<16xf32>,
      tpu.vector_store %arg21[%swap3A_238], %broadcast_in_dim3A_237 {strides = array<i32>} : memref<256xf32, #tpu.memory_space<vmem>>, vector<16xf32>,
      %broadcast_in_dim3A_240 = arith.constant 0.000000e+00 : f32
      %broadcast_in_dim3A_241 = vector.broadcast %broadcast_in_dim3A_240 : f32 to vector<16xf32>
      %swap3A_242 = arith.constant 96 : index
      %swap3A_243 = tpu.vector_load %arg20[%swap3A_242] {strides = array<i32>} : memref<256xf32, #tpu.memory_space<vmem>>, vector<16xf32>,
      tpu.vector_store %arg20[%swap3A_242], %broadcast_in_dim3A_241 {strides = array<i32>} : memref<256xf32, #tpu.memory_space<vmem>>, vector<16xf32>,
      %broadcast_in_dim3A_244 = arith.constant 0.000000e+00 : f32
      %broadcast_in_dim3A_245 = vector.broadcast %broadcast_in_dim3A_244 : f32 to vector<16xf32>
      %swap3A_246 = arith.constant 96 : index
      %swap3A_247 = tpu.vector_load %arg21[%swap3A_246] {strides = array<i32>} : memref<256xf32, #tpu.memory_space<vmem>>, vector<16xf32>,
      tpu.vector_store %arg21[%swap3A_246], %broadcast_in_dim3A_245 {strides = array<i32>} : memref<256xf32, #tpu.memory_space<vmem>>, vector<16xf32>,
      %broadcast_in_dim3A_248 = arith.constant 0.000000e+00 : f32
      %broadcast_in_dim3A_249 = vector.broadcast %broadcast_in_dim3A_248 : f32 to vector<16xf32>
      %swap3A_250 = arith.constant 112 : index
      %swap3A_251 = tpu.vector_load %arg20[%swap3A_250] {strides = array<i32>} : memref<256xf32, #tpu.memory_space<vmem>>, vector<16xf32>,
      tpu.vector_store %arg20[%swap3A_250], %broadcast_in_dim3A_249 {strides = array<i32>} : memref<256xf32, #tpu.memory_space<vmem>>, vector<16xf32>,
      %broadcast_in_dim3A_252 = arith.constant 0.000000e+00 : f32
      %broadcast_in_dim3A_253 = vector.broadcast %broadcast_in_dim3A_252 : f32 to vector<16xf32>
      %swap3A_254 = arith.constant 112 : index
      %swap3A_255 = tpu.vector_load %arg21[%swap3A_254] {strides = array<i32>} : memref<256xf32, #tpu.memory_space<vmem>>, vector<16xf32>,
      tpu.vector_store %arg21[%swap3A_254], %broadcast_in_dim3A_253 {strides = array<i32>} : memref<256xf32, #tpu.memory_space<vmem>>, vector<16xf32>,
      %broadcast_in_dim3A_256 = arith.constant 0.000000e+00 : f32
      %broadcast_in_dim3A_257 = vector.broadcast %broadcast_in_dim3A_256 : f32 to vector<16xf32>
      %swap3A_258 = arith.constant 128 : index
      %swap3A_259 = tpu.vector_load %arg20[%swap3A_258] {strides = array<i32>} : memref<256xf32, #tpu.memory_space<vmem>>, vector<16xf32>,
      tpu.vector_store %arg20[%swap3A_258], %broadcast_in_dim3A_257 {strides = array<i32>} : memref<256xf32, #tpu.memory_space<vmem>>, vector<16xf32>,
      %broadcast_in_dim3A_260 = arith.constant 0.000000e+00 : f32
      %broadcast_in_dim3A_261 = vector.broadcast %broadcast_in_dim3A_260 : f32 to vector<16xf32>
      %swap3A_262 = arith.constant 128 : index
      %swap3A_263 = tpu.vector_load %arg21[%swap3A_262] {strides = array<i32>} : memref<256xf32, #tpu.memory_space<vmem>>, vector<16xf32>,
      tpu.vector_store %arg21[%swap3A_262], %broadcast_in_dim3A_261 {strides = array<i32>} : memref<256xf32, #tpu.memory_space<vmem>>, vector<16xf32>,
      %broadcast_in_dim3A_264 = arith.constant 0.000000e+00 : f32
      %broadcast_in_dim3A_265 = vector.broadcast %broadcast_in_dim3A_264 : f32 to vector<16xf32>
      %swap3A_266 = arith.constant 144 : index
      %swap3A_267 = tpu.vector_load %arg20[%swap3A_266] {strides = array<i32>} : memref<256xf32, #tpu.memory_space<vmem>>, vector<16xf32>,
      tpu.vector_store %arg20[%swap3A_266], %broadcast_in_dim3A_265 {strides = array<i32>} : memref<256xf32, #tpu.memory_space<vmem>>, vector<16xf32>,
      %broadcast_in_dim3A_268 = arith.constant 0.000000e+00 : f32
      %broadcast_in_dim3A_269 = vector.broadcast %broadcast_in_dim3A_268 : f32 to vector<16xf32>
      %swap3A_270 = arith.constant 144 : index
      %swap3A_271 = tpu.vector_load %arg21[%swap3A_270] {strides = array<i32>} : memref<256xf32, #tpu.memory_space<vmem>>, vector<16xf32>,
      tpu.vector_store %arg21[%swap3A_270], %broadcast_in_dim3A_269 {strides = array<i32>} : memref<256xf32, #tpu.memory_space<vmem>>, vector<16xf32>,
      %broadcast_in_dim3A_272 = arith.constant 0.000000e+00 : f32
      %broadcast_in_dim3A_273 = vector.broadcast %broadcast_in_dim3A_272 : f32 to vector<16xf32>
      %swap3A_274 = arith.constant 160 : index
      %swap3A_275 = tpu.vector_load %arg20[%swap3A_274] {strides = array<i32>} : memref<256xf32, #tpu.memory_space<vmem>>, vector<16xf32>,
      tpu.vector_store %arg20[%swap3A_274], %broadcast_in_dim3A_273 {strides = array<i32>} : memref<256xf32, #tpu.memory_space<vmem>>, vector<16xf32>,
      %broadcast_in_dim3A_276 = arith.constant 0.000000e+00 : f32
      %broadcast_in_dim3A_277 = vector.broadcast %broadcast_in_dim3A_276 : f32 to vector<16xf32>
      %swap3A_278 = arith.constant 160 : index
      %swap3A_279 = tpu.vector_load %arg21[%swap3A_278] {strides = array<i32>} : memref<256xf32, #tpu.memory_space<vmem>>, vector<16xf32>,
      tpu.vector_store %arg21[%swap3A_278], %broadcast_in_dim3A_277 {strides = array<i32>} : memref<256xf32, #tpu.memory_space<vmem>>, vector<16xf32>,
      %broadcast_in_dim3A_280 = arith.constant 0.000000e+00 : f32
      %broadcast_in_dim3A_281 = vector.broadcast %broadcast_in_dim3A_280 : f32 to vector<16xf32>
      %swap3A_282 = arith.constant 176 : index
      %swap3A_283 = tpu.vector_load %arg20[%swap3A_282] {strides = array<i32>} : memref<256xf32, #tpu.memory_space<vmem>>, vector<16xf32>,
      tpu.vector_store %arg20[%swap3A_282], %broadcast_in_dim3A_281 {strides = array<i32>} : memref<256xf32, #tpu.memory_space<vmem>>, vector<16xf32>,
      %broadcast_in_dim3A_284 = arith.constant 0.000000e+00 : f32
      %broadcast_in_dim3A_285 = vector.broadcast %broadcast_in_dim3A_284 : f32 to vector<16xf32>
      %swap3A_286 = arith.constant 176 : index
      %swap3A_287 = tpu.vector_load %arg21[%swap3A_286] {strides = array<i32>} : memref<256xf32, #tpu.memory_space<vmem>>, vector<16xf32>,
      tpu.vector_store %arg21[%swap3A_286], %broadcast_in_dim3A_285 {strides = array<i32>} : memref<256xf32, #tpu.memory_space<vmem>>, vector<16xf32>,
      %broadcast_in_dim3A_288 = arith.constant 0.000000e+00 : f32
      %broadcast_in_dim3A_289 = vector.broadcast %broadcast_in_dim3A_288 : f32 to vector<16xf32>
      %swap3A_290 = arith.constant 192 : index
      %swap3A_291 = tpu.vector_load %arg20[%swap3A_290] {strides = array<i32>} : memref<256xf32, #tpu.memory_space<vmem>>, vector<16xf32>,
      tpu.vector_store %arg20[%swap3A_290], %broadcast_in_dim3A_289 {strides = array<i32>} : memref<256xf32, #tpu.memory_space<vmem>>, vector<16xf32>,
      %broadcast_in_dim3A_292 = arith.constant 0.000000e+00 : f32
      %broadcast_in_dim3A_293 = vector.broadcast %broadcast_in_dim3A_292 : f32 to vector<16xf32>
      %swap3A_294 = arith.constant 192 : index
      %swap3A_295 = tpu.vector_load %arg21[%swap3A_294] {strides = array<i32>} : memref<256xf32, #tpu.memory_space<vmem>>, vector<16xf32>,
      tpu.vector_store %arg21[%swap3A_294], %broadcast_in_dim3A_293 {strides = array<i32>} : memref<256xf32, #tpu.memory_space<vmem>>, vector<16xf32>,
      %broadcast_in_dim3A_296 = arith.constant 0.000000e+00 : f32
      %broadcast_in_dim3A_297 = vector.broadcast %broadcast_in_dim3A_296 : f32 to vector<16xf32>
      %swap3A_298 = arith.constant 208 : index
      %swap3A_299 = tpu.vector_load %arg20[%swap3A_298] {strides = array<i32>} : memref<256xf32, #tpu.memory_space<vmem>>, vector<16xf32>,
      tpu.vector_store %arg20[%swap3A_298], %broadcast_in_dim3A_297 {strides = array<i32>} : memref<256xf32, #tpu.memory_space<vmem>>, vector<16xf32>,
      %broadcast_in_dim3A_300 = arith.constant 0.000000e+00 : f32
      %broadcast_in_dim3A_301 = vector.broadcast %broadcast_in_dim3A_300 : f32 to vector<16xf32>
      %swap3A_302 = arith.constant 208 : index
      %swap3A_303 = tpu.vector_load %arg21[%swap3A_302] {strides = array<i32>} : memref<256xf32, #tpu.memory_space<vmem>>, vector<16xf32>,
      tpu.vector_store %arg21[%swap3A_302], %broadcast_in_dim3A_301 {strides = array<i32>} : memref<256xf32, #tpu.memory_space<vmem>>, vector<16xf32>,
      %broadcast_in_dim3A_304 = arith.constant 0.000000e+00 : f32
      %broadcast_in_dim3A_305 = vector.broadcast %broadcast_in_dim3A_304 : f32 to vector<16xf32>
      %swap3A_306 = arith.constant 224 : index
      %swap3A_307 = tpu.vector_load %arg20[%swap3A_306] {strides = array<i32>} : memref<256xf32, #tpu.memory_space<vmem>>, vector<16xf32>,
      tpu.vector_store %arg20[%swap3A_306], %broadcast_in_dim3A_305 {strides = array<i32>} : memref<256xf32, #tpu.memory_space<vmem>>, vector<16xf32>,
      %broadcast_in_dim3A_308 = arith.constant 0.000000e+00 : f32
      %broadcast_in_dim3A_309 = vector.broadcast %broadcast_in_dim3A_308 : f32 to vector<16xf32>
      %swap3A_310 = arith.constant 224 : index
      %swap3A_311 = tpu.vector_load %arg21[%swap3A_310] {strides = array<i32>} : memref<256xf32, #tpu.memory_space<vmem>>, vector<16xf32>,
      tpu.vector_store %arg21[%swap3A_310], %broadcast_in_dim3A_309 {strides = array<i32>} : memref<256xf32, #tpu.memory_space<vmem>>, vector<16xf32>,
      %broadcast_in_dim3A_312 = arith.constant 0.000000e+00 : f32
      %broadcast_in_dim3A_313 = vector.broadcast %broadcast_in_dim3A_312 : f32 to vector<16xf32>
      %swap3A_314 = arith.constant 240 : index
      %swap3A_315 = tpu.vector_load %arg20[%swap3A_314] {strides = array<i32>} : memref<256xf32, #tpu.memory_space<vmem>>, vector<16xf32>,
      tpu.vector_store %arg20[%swap3A_314], %broadcast_in_dim3A_313 {strides = array<i32>} : memref<256xf32, #tpu.memory_space<vmem>>, vector<16xf32>,
      %broadcast_in_dim3A_316 = arith.constant 0.000000e+00 : f32
      %broadcast_in_dim3A_317 = vector.broadcast %broadcast_in_dim3A_316 : f32 to vector<16xf32>
      %swap3A_318 = arith.constant 240 : index
      %swap3A_319 = tpu.vector_load %arg21[%swap3A_318] {strides = array<i32>} : memref<256xf32, #tpu.memory_space<vmem>>, vector<16xf32>,
      tpu.vector_store %arg21[%swap3A_318], %broadcast_in_dim3A_317 {strides = array<i32>} : memref<256xf32, #tpu.memory_space<vmem>>, vector<16xf32>,
      %scan3A_320 = arith.constant 0 : i32
      %scan3A_321 = arith.constant 0 : i32
      %scan3A_322 = arith.constant 32 : i32
      %scan3A_323 = arith.addi %scan3A_321, %scan3A_322 : i32
      %scan3A_324 = arith.constant 1 : i32
      scf.for %scan3A_332 = %scan3A_321 to %scan3A_323 step %scan3A_324  : i32 {
        %broadcast_in_dim3A_333 = vector.broadcast %scan3A_332 : i32 to vector<16xi32>
        %gather3A_334 = tpu.vector_load_idx %arg13[%broadcast_in_dim3A_333] : memref<32xf32, #tpu.memory_space<vmem>>[vector<16xi32>], vector<16xf32>,
        %add3A_335 = arith.constant 0 : i32
        %add3A_336 = vector.broadcast %add3A_335 : i32 to vector<16xi32>
        %add3A_337 = arith.addi %iota3A, %add3A_336 : vector<16xi32>
        %gather3A_338 = tpu.vector_load_idx %arg14[%broadcast_in_dim3A_333, %add3A_337] : memref<32x256xf32, #tpu.memory_space<vmem>>[vector<16xi32>, vector<16xi32>], vector<16xf32>,
        %get3A_339 = arith.constant 0 : index
        %get3A_340 = tpu.vector_load %arg19[%get3A_339] {strides = array<i32>} : memref<192xf32, #tpu.memory_space<vmem>>, vector<16xf32>,
        %mul3A_341 = arith.mulf %gather3A_334, %gather3A_338 : vector<16xf32>
        %add3A_342 = arith.addf %get3A_340, %mul3A_341 : vector<16xf32>
        %swap3A_343 = arith.constant 0 : index
        %swap3A_344 = tpu.vector_load %arg19[%swap3A_343] {strides = array<i32>} : memref<192xf32, #tpu.memory_space<vmem>>, vector<16xf32>,
        tpu.vector_store %arg19[%swap3A_343], %add3A_342 {strides = array<i32>} : memref<192xf32, #tpu.memory_space<vmem>>, vector<16xf32>,
        %add3A_345 = arith.constant 16 : i32
        %add3A_346 = vector.broadcast %add3A_345 : i32 to vector<16xi32>
        %add3A_347 = arith.addi %iota3A, %add3A_346 : vector<16xi32>
        %gather3A_348 = tpu.vector_load_idx %arg14[%broadcast_in_dim3A_333, %add3A_347] : memref<32x256xf32, #tpu.memory_space<vmem>>[vector<16xi32>, vector<16xi32>], vector<16xf32>,
        %get3A_349 = arith.constant 16 : index
        %get3A_350 = tpu.vector_load %arg19[%get3A_349] {strides = array<i32>} : memref<192xf32, #tpu.memory_space<vmem>>, vector<16xf32>,
        %mul3A_351 = arith.mulf %gather3A_334, %gather3A_348 : vector<16xf32>
        %add3A_352 = arith.addf %get3A_350, %mul3A_351 : vector<16xf32>
        %swap3A_353 = arith.constant 16 : index
        %swap3A_354 = tpu.vector_load %arg19[%swap3A_353] {strides = array<i32>} : memref<192xf32, #tpu.memory_space<vmem>>, vector<16xf32>,
        tpu.vector_store %arg19[%swap3A_353], %add3A_352 {strides = array<i32>} : memref<192xf32, #tpu.memory_space<vmem>>, vector<16xf32>,
        %add3A_355 = arith.constant 32 : i32
        %add3A_356 = vector.broadcast %add3A_355 : i32 to vector<16xi32>
        %add3A_357 = arith.addi %iota3A, %add3A_356 : vector<16xi32>
        %gather3A_358 = tpu.vector_load_idx %arg14[%broadcast_in_dim3A_333, %add3A_357] : memref<32x256xf32, #tpu.memory_space<vmem>>[vector<16xi32>, vector<16xi32>], vector<16xf32>,
        %get3A_359 = arith.constant 32 : index
        %get3A_360 = tpu.vector_load %arg19[%get3A_359] {strides = array<i32>} : memref<192xf32, #tpu.memory_space<vmem>>, vector<16xf32>,
        %mul3A_361 = arith.mulf %gather3A_334, %gather3A_358 : vector<16xf32>
        %add3A_362 = arith.addf %get3A_360, %mul3A_361 : vector<16xf32>
        %swap3A_363 = arith.constant 32 : index
        %swap3A_364 = tpu.vector_load %arg19[%swap3A_363] {strides = array<i32>} : memref<192xf32, #tpu.memory_space<vmem>>, vector<16xf32>,
        tpu.vector_store %arg19[%swap3A_363], %add3A_362 {strides = array<i32>} : memref<192xf32, #tpu.memory_space<vmem>>, vector<16xf32>,
        %add3A_365 = arith.constant 48 : i32
        %add3A_366 = vector.broadcast %add3A_365 : i32 to vector<16xi32>
        %add3A_367 = arith.addi %iota3A, %add3A_366 : vector<16xi32>
        %gather3A_368 = tpu.vector_load_idx %arg14[%broadcast_in_dim3A_333, %add3A_367] : memref<32x256xf32, #tpu.memory_space<vmem>>[vector<16xi32>, vector<16xi32>], vector<16xf32>,
        %get3A_369 = arith.constant 48 : index
        %get3A_370 = tpu.vector_load %arg19[%get3A_369] {strides = array<i32>} : memref<192xf32, #tpu.memory_space<vmem>>, vector<16xf32>,
        %mul3A_371 = arith.mulf %gather3A_334, %gather3A_368 : vector<16xf32>
        %add3A_372 = arith.addf %get3A_370, %mul3A_371 : vector<16xf32>
        %swap3A_373 = arith.constant 48 : index
        %swap3A_374 = tpu.vector_load %arg19[%swap3A_373] {strides = array<i32>} : memref<192xf32, #tpu.memory_space<vmem>>, vector<16xf32>,
        tpu.vector_store %arg19[%swap3A_373], %add3A_372 {strides = array<i32>} : memref<192xf32, #tpu.memory_space<vmem>>, vector<16xf32>,
        %add3A_375 = arith.constant 64 : i32
        %add3A_376 = vector.broadcast %add3A_375 : i32 to vector<16xi32>
        %add3A_377 = arith.addi %iota3A, %add3A_376 : vector<16xi32>
        %gather3A_378 = tpu.vector_load_idx %arg14[%broadcast_in_dim3A_333, %add3A_377] : memref<32x256xf32, #tpu.memory_space<vmem>>[vector<16xi32>, vector<16xi32>], vector<16xf32>,
        %get3A_379 = arith.constant 64 : index
        %get3A_380 = tpu.vector_load %arg19[%get3A_379] {strides = array<i32>} : memref<192xf32, #tpu.memory_space<vmem>>, vector<16xf32>,
        %mul3A_381 = arith.mulf %gather3A_334, %gather3A_378 : vector<16xf32>
        %add3A_382 = arith.addf %get3A_380, %mul3A_381 : vector<16xf32>
        %swap3A_383 = arith.constant 64 : index
        %swap3A_384 = tpu.vector_load %arg19[%swap3A_383] {strides = array<i32>} : memref<192xf32, #tpu.memory_space<vmem>>, vector<16xf32>,
        tpu.vector_store %arg19[%swap3A_383], %add3A_382 {strides = array<i32>} : memref<192xf32, #tpu.memory_space<vmem>>, vector<16xf32>,
        %add3A_385 = arith.constant 80 : i32
        %add3A_386 = vector.broadcast %add3A_385 : i32 to vector<16xi32>
        %add3A_387 = arith.addi %iota3A, %add3A_386 : vector<16xi32>
        %gather3A_388 = tpu.vector_load_idx %arg14[%broadcast_in_dim3A_333, %add3A_387] : memref<32x256xf32, #tpu.memory_space<vmem>>[vector<16xi32>, vector<16xi32>], vector<16xf32>,
        %get3A_389 = arith.constant 80 : index
        %get3A_390 = tpu.vector_load %arg19[%get3A_389] {strides = array<i32>} : memref<192xf32, #tpu.memory_space<vmem>>, vector<16xf32>,
        %mul3A_391 = arith.mulf %gather3A_334, %gather3A_388 : vector<16xf32>
        %add3A_392 = arith.addf %get3A_390, %mul3A_391 : vector<16xf32>
        %swap3A_393 = arith.constant 80 : index
        %swap3A_394 = tpu.vector_load %arg19[%swap3A_393] {strides = array<i32>} : memref<192xf32, #tpu.memory_space<vmem>>, vector<16xf32>,
        tpu.vector_store %arg19[%swap3A_393], %add3A_392 {strides = array<i32>} : memref<192xf32, #tpu.memory_space<vmem>>, vector<16xf32>,
        %add3A_395 = arith.constant 96 : i32
        %add3A_396 = vector.broadcast %add3A_395 : i32 to vector<16xi32>
        %add3A_397 = arith.addi %iota3A, %add3A_396 : vector<16xi32>
        %gather3A_398 = tpu.vector_load_idx %arg14[%broadcast_in_dim3A_333, %add3A_397] : memref<32x256xf32, #tpu.memory_space<vmem>>[vector<16xi32>, vector<16xi32>], vector<16xf32>,
        %get3A_399 = arith.constant 96 : index
        %get3A_400 = tpu.vector_load %arg19[%get3A_399] {strides = array<i32>} : memref<192xf32, #tpu.memory_space<vmem>>, vector<16xf32>,
        %mul3A_401 = arith.mulf %gather3A_334, %gather3A_398 : vector<16xf32>
        %add3A_402 = arith.addf %get3A_400, %mul3A_401 : vector<16xf32>
        %swap3A_403 = arith.constant 96 : index
        %swap3A_404 = tpu.vector_load %arg19[%swap3A_403] {strides = array<i32>} : memref<192xf32, #tpu.memory_space<vmem>>, vector<16xf32>,
        tpu.vector_store %arg19[%swap3A_403], %add3A_402 {strides = array<i32>} : memref<192xf32, #tpu.memory_space<vmem>>, vector<16xf32>,
        %add3A_405 = arith.constant 112 : i32
        %add3A_406 = vector.broadcast %add3A_405 : i32 to vector<16xi32>
        %add3A_407 = arith.addi %iota3A, %add3A_406 : vector<16xi32>
        %gather3A_408 = tpu.vector_load_idx %arg14[%broadcast_in_dim3A_333, %add3A_407] : memref<32x256xf32, #tpu.memory_space<vmem>>[vector<16xi32>, vector<16xi32>], vector<16xf32>,
        %get3A_409 = arith.constant 112 : index
        %get3A_410 = tpu.vector_load %arg19[%get3A_409] {strides = array<i32>} : memref<192xf32, #tpu.memory_space<vmem>>, vector<16xf32>,
        %mul3A_411 = arith.mulf %gather3A_334, %gather3A_408 : vector<16xf32>
        %add3A_412 = arith.addf %get3A_410, %mul3A_411 : vector<16xf32>
        %swap3A_413 = arith.constant 112 : index
        %swap3A_414 = tpu.vector_load %arg19[%swap3A_413] {strides = array<i32>} : memref<192xf32, #tpu.memory_space<vmem>>, vector<16xf32>,
        tpu.vector_store %arg19[%swap3A_413], %add3A_412 {strides = array<i32>} : memref<192xf32, #tpu.memory_space<vmem>>, vector<16xf32>,
        %add3A_415 = arith.constant 128 : i32
        %add3A_416 = vector.broadcast %add3A_415 : i32 to vector<16xi32>
        %add3A_417 = arith.addi %iota3A, %add3A_416 : vector<16xi32>
        %gather3A_418 = tpu.vector_load_idx %arg14[%broadcast_in_dim3A_333, %add3A_417] : memref<32x256xf32, #tpu.memory_space<vmem>>[vector<16xi32>, vector<16xi32>], vector<16xf32>,
        %get3A_419 = arith.constant 128 : index
        %get3A_420 = tpu.vector_load %arg19[%get3A_419] {strides = array<i32>} : memref<192xf32, #tpu.memory_space<vmem>>, vector<16xf32>,
        %mul3A_421 = arith.mulf %gather3A_334, %gather3A_418 : vector<16xf32>
        %add3A_422 = arith.addf %get3A_420, %mul3A_421 : vector<16xf32>
        %swap3A_423 = arith.constant 128 : index
        %swap3A_424 = tpu.vector_load %arg19[%swap3A_423] {strides = array<i32>} : memref<192xf32, #tpu.memory_space<vmem>>, vector<16xf32>,
        tpu.vector_store %arg19[%swap3A_423], %add3A_422 {strides = array<i32>} : memref<192xf32, #tpu.memory_space<vmem>>, vector<16xf32>,
        %add3A_425 = arith.constant 144 : i32
        %add3A_426 = vector.broadcast %add3A_425 : i32 to vector<16xi32>
        %add3A_427 = arith.addi %iota3A, %add3A_426 : vector<16xi32>
        %gather3A_428 = tpu.vector_load_idx %arg14[%broadcast_in_dim3A_333, %add3A_427] : memref<32x256xf32, #tpu.memory_space<vmem>>[vector<16xi32>, vector<16xi32>], vector<16xf32>,
        %get3A_429 = arith.constant 144 : index
        %get3A_430 = tpu.vector_load %arg19[%get3A_429] {strides = array<i32>} : memref<192xf32, #tpu.memory_space<vmem>>, vector<16xf32>,
        %mul3A_431 = arith.mulf %gather3A_334, %gather3A_428 : vector<16xf32>
        %add3A_432 = arith.addf %get3A_430, %mul3A_431 : vector<16xf32>
        %swap3A_433 = arith.constant 144 : index
        %swap3A_434 = tpu.vector_load %arg19[%swap3A_433] {strides = array<i32>} : memref<192xf32, #tpu.memory_space<vmem>>, vector<16xf32>,
        tpu.vector_store %arg19[%swap3A_433], %add3A_432 {strides = array<i32>} : memref<192xf32, #tpu.memory_space<vmem>>, vector<16xf32>,
        %add3A_435 = arith.constant 160 : i32
        %add3A_436 = vector.broadcast %add3A_435 : i32 to vector<16xi32>
        %add3A_437 = arith.addi %iota3A, %add3A_436 : vector<16xi32>
        %gather3A_438 = tpu.vector_load_idx %arg14[%broadcast_in_dim3A_333, %add3A_437] : memref<32x256xf32, #tpu.memory_space<vmem>>[vector<16xi32>, vector<16xi32>], vector<16xf32>,
        %get3A_439 = arith.constant 160 : index
        %get3A_440 = tpu.vector_load %arg19[%get3A_439] {strides = array<i32>} : memref<192xf32, #tpu.memory_space<vmem>>, vector<16xf32>,
        %mul3A_441 = arith.mulf %gather3A_334, %gather3A_438 : vector<16xf32>
        %add3A_442 = arith.addf %get3A_440, %mul3A_441 : vector<16xf32>
        %swap3A_443 = arith.constant 160 : index
        %swap3A_444 = tpu.vector_load %arg19[%swap3A_443] {strides = array<i32>} : memref<192xf32, #tpu.memory_space<vmem>>, vector<16xf32>,
        tpu.vector_store %arg19[%swap3A_443], %add3A_442 {strides = array<i32>} : memref<192xf32, #tpu.memory_space<vmem>>, vector<16xf32>,
        %add3A_445 = arith.constant 176 : i32
        %add3A_446 = vector.broadcast %add3A_445 : i32 to vector<16xi32>
        %add3A_447 = arith.addi %iota3A, %add3A_446 : vector<16xi32>
        %gather3A_448 = tpu.vector_load_idx %arg14[%broadcast_in_dim3A_333, %add3A_447] : memref<32x256xf32, #tpu.memory_space<vmem>>[vector<16xi32>, vector<16xi32>], vector<16xf32>,
        %get3A_449 = arith.constant 176 : index
        %get3A_450 = tpu.vector_load %arg19[%get3A_449] {strides = array<i32>} : memref<192xf32, #tpu.memory_space<vmem>>, vector<16xf32>,
        %mul3A_451 = arith.mulf %gather3A_334, %gather3A_448 : vector<16xf32>
        %add3A_452 = arith.addf %get3A_450, %mul3A_451 : vector<16xf32>
        %swap3A_453 = arith.constant 176 : index
        %swap3A_454 = tpu.vector_load %arg19[%swap3A_453] {strides = array<i32>} : memref<192xf32, #tpu.memory_space<vmem>>, vector<16xf32>,
        tpu.vector_store %arg19[%swap3A_453], %add3A_452 {strides = array<i32>} : memref<192xf32, #tpu.memory_space<vmem>>, vector<16xf32>,
        %add3A_455 = arith.constant 0 : i32
        %add3A_456 = vector.broadcast %add3A_455 : i32 to vector<16xi32>
        %add3A_457 = arith.addi %iota3A, %add3A_456 : vector<16xi32>
        %gather3A_458 = tpu.vector_load_idx %arg15[%broadcast_in_dim3A_333, %add3A_457] : memref<32x256xf32, #tpu.memory_space<vmem>>[vector<16xi32>, vector<16xi32>], vector<16xf32>,
        %get3A_459 = arith.constant 0 : index
        %get3A_460 = tpu.vector_load %arg20[%get3A_459] {strides = array<i32>} : memref<256xf32, #tpu.memory_space<vmem>>, vector<16xf32>,
        %mul3A_461 = arith.mulf %gather3A_334, %gather3A_458 : vector<16xf32>
        %add3A_462 = arith.addf %get3A_460, %mul3A_461 : vector<16xf32>
        %swap3A_463 = arith.constant 0 : index
        %swap3A_464 = tpu.vector_load %arg20[%swap3A_463] {strides = array<i32>} : memref<256xf32, #tpu.memory_space<vmem>>, vector<16xf32>,
        tpu.vector_store %arg20[%swap3A_463], %add3A_462 {strides = array<i32>} : memref<256xf32, #tpu.memory_space<vmem>>, vector<16xf32>,
        %add3A_465 = arith.constant 0 : i32
        %add3A_466 = vector.broadcast %add3A_465 : i32 to vector<16xi32>
        %add3A_467 = arith.addi %iota3A, %add3A_466 : vector<16xi32>
        %gather3A_468 = tpu.vector_load_idx %arg16[%broadcast_in_dim3A_333, %add3A_467] : memref<32x256xf32, #tpu.memory_space<vmem>>[vector<16xi32>, vector<16xi32>], vector<16xf32>,
        %get3A_469 = arith.constant 0 : index
        %get3A_470 = tpu.vector_load %arg21[%get3A_469] {strides = array<i32>} : memref<256xf32, #tpu.memory_space<vmem>>, vector<16xf32>,
        %mul3A_471 = arith.mulf %gather3A_334, %gather3A_468 : vector<16xf32>
        %add3A_472 = arith.addf %get3A_470, %mul3A_471 : vector<16xf32>
        %swap3A_473 = arith.constant 0 : index
        %swap3A_474 = tpu.vector_load %arg21[%swap3A_473] {strides = array<i32>} : memref<256xf32, #tpu.memory_space<vmem>>, vector<16xf32>,
        tpu.vector_store %arg21[%swap3A_473], %add3A_472 {strides = array<i32>} : memref<256xf32, #tpu.memory_space<vmem>>, vector<16xf32>,
        %add3A_475 = arith.constant 16 : i32
        %add3A_476 = vector.broadcast %add3A_475 : i32 to vector<16xi32>
        %add3A_477 = arith.addi %iota3A, %add3A_476 : vector<16xi32>
        %gather3A_478 = tpu.vector_load_idx %arg15[%broadcast_in_dim3A_333, %add3A_477] : memref<32x256xf32, #tpu.memory_space<vmem>>[vector<16xi32>, vector<16xi32>], vector<16xf32>,
        %get3A_479 = arith.constant 16 : index
        %get3A_480 = tpu.vector_load %arg20[%get3A_479] {strides = array<i32>} : memref<256xf32, #tpu.memory_space<vmem>>, vector<16xf32>,
        %mul3A_481 = arith.mulf %gather3A_334, %gather3A_478 : vector<16xf32>
        %add3A_482 = arith.addf %get3A_480, %mul3A_481 : vector<16xf32>
        %swap3A_483 = arith.constant 16 : index
        %swap3A_484 = tpu.vector_load %arg20[%swap3A_483] {strides = array<i32>} : memref<256xf32, #tpu.memory_space<vmem>>, vector<16xf32>,
        tpu.vector_store %arg20[%swap3A_483], %add3A_482 {strides = array<i32>} : memref<256xf32, #tpu.memory_space<vmem>>, vector<16xf32>,
        %add3A_485 = arith.constant 16 : i32
        %add3A_486 = vector.broadcast %add3A_485 : i32 to vector<16xi32>
        %add3A_487 = arith.addi %iota3A, %add3A_486 : vector<16xi32>
        %gather3A_488 = tpu.vector_load_idx %arg16[%broadcast_in_dim3A_333, %add3A_487] : memref<32x256xf32, #tpu.memory_space<vmem>>[vector<16xi32>, vector<16xi32>], vector<16xf32>,
        %get3A_489 = arith.constant 16 : index
        %get3A_490 = tpu.vector_load %arg21[%get3A_489] {strides = array<i32>} : memref<256xf32, #tpu.memory_space<vmem>>, vector<16xf32>,
        %mul3A_491 = arith.mulf %gather3A_334, %gather3A_488 : vector<16xf32>
        %add3A_492 = arith.addf %get3A_490, %mul3A_491 : vector<16xf32>
        %swap3A_493 = arith.constant 16 : index
        %swap3A_494 = tpu.vector_load %arg21[%swap3A_493] {strides = array<i32>} : memref<256xf32, #tpu.memory_space<vmem>>, vector<16xf32>,
        tpu.vector_store %arg21[%swap3A_493], %add3A_492 {strides = array<i32>} : memref<256xf32, #tpu.memory_space<vmem>>, vector<16xf32>,
        %add3A_495 = arith.constant 32 : i32
        %add3A_496 = vector.broadcast %add3A_495 : i32 to vector<16xi32>
        %add3A_497 = arith.addi %iota3A, %add3A_496 : vector<16xi32>
        %gather3A_498 = tpu.vector_load_idx %arg15[%broadcast_in_dim3A_333, %add3A_497] : memref<32x256xf32, #tpu.memory_space<vmem>>[vector<16xi32>, vector<16xi32>], vector<16xf32>,
        %get3A_499 = arith.constant 32 : index
        %get3A_500 = tpu.vector_load %arg20[%get3A_499] {strides = array<i32>} : memref<256xf32, #tpu.memory_space<vmem>>, vector<16xf32>,
        %mul3A_501 = arith.mulf %gather3A_334, %gather3A_498 : vector<16xf32>
        %add3A_502 = arith.addf %get3A_500, %mul3A_501 : vector<16xf32>
        %swap3A_503 = arith.constant 32 : index
        %swap3A_504 = tpu.vector_load %arg20[%swap3A_503] {strides = array<i32>} : memref<256xf32, #tpu.memory_space<vmem>>, vector<16xf32>,
        tpu.vector_store %arg20[%swap3A_503], %add3A_502 {strides = array<i32>} : memref<256xf32, #tpu.memory_space<vmem>>, vector<16xf32>,
        %add3A_505 = arith.constant 32 : i32
        %add3A_506 = vector.broadcast %add3A_505 : i32 to vector<16xi32>
        %add3A_507 = arith.addi %iota3A, %add3A_506 : vector<16xi32>
        %gather3A_508 = tpu.vector_load_idx %arg16[%broadcast_in_dim3A_333, %add3A_507] : memref<32x256xf32, #tpu.memory_space<vmem>>[vector<16xi32>, vector<16xi32>], vector<16xf32>,
        %get3A_509 = arith.constant 32 : index
        %get3A_510 = tpu.vector_load %arg21[%get3A_509] {strides = array<i32>} : memref<256xf32, #tpu.memory_space<vmem>>, vector<16xf32>,
        %mul3A_511 = arith.mulf %gather3A_334, %gather3A_508 : vector<16xf32>
        %add3A_512 = arith.addf %get3A_510, %mul3A_511 : vector<16xf32>
        %swap3A_513 = arith.constant 32 : index
        %swap3A_514 = tpu.vector_load %arg21[%swap3A_513] {strides = array<i32>} : memref<256xf32, #tpu.memory_space<vmem>>, vector<16xf32>,
        tpu.vector_store %arg21[%swap3A_513], %add3A_512 {strides = array<i32>} : memref<256xf32, #tpu.memory_space<vmem>>, vector<16xf32>,
        %add3A_515 = arith.constant 48 : i32
        %add3A_516 = vector.broadcast %add3A_515 : i32 to vector<16xi32>
        %add3A_517 = arith.addi %iota3A, %add3A_516 : vector<16xi32>
        %gather3A_518 = tpu.vector_load_idx %arg15[%broadcast_in_dim3A_333, %add3A_517] : memref<32x256xf32, #tpu.memory_space<vmem>>[vector<16xi32>, vector<16xi32>], vector<16xf32>,
        %get3A_519 = arith.constant 48 : index
        %get3A_520 = tpu.vector_load %arg20[%get3A_519] {strides = array<i32>} : memref<256xf32, #tpu.memory_space<vmem>>, vector<16xf32>,
        %mul3A_521 = arith.mulf %gather3A_334, %gather3A_518 : vector<16xf32>
        %add3A_522 = arith.addf %get3A_520, %mul3A_521 : vector<16xf32>
        %swap3A_523 = arith.constant 48 : index
        %swap3A_524 = tpu.vector_load %arg20[%swap3A_523] {strides = array<i32>} : memref<256xf32, #tpu.memory_space<vmem>>, vector<16xf32>,
        tpu.vector_store %arg20[%swap3A_523], %add3A_522 {strides = array<i32>} : memref<256xf32, #tpu.memory_space<vmem>>, vector<16xf32>,
        %add3A_525 = arith.constant 48 : i32
        %add3A_526 = vector.broadcast %add3A_525 : i32 to vector<16xi32>
        %add3A_527 = arith.addi %iota3A, %add3A_526 : vector<16xi32>
        %gather3A_528 = tpu.vector_load_idx %arg16[%broadcast_in_dim3A_333, %add3A_527] : memref<32x256xf32, #tpu.memory_space<vmem>>[vector<16xi32>, vector<16xi32>], vector<16xf32>,
        %get3A_529 = arith.constant 48 : index
        %get3A_530 = tpu.vector_load %arg21[%get3A_529] {strides = array<i32>} : memref<256xf32, #tpu.memory_space<vmem>>, vector<16xf32>,
        %mul3A_531 = arith.mulf %gather3A_334, %gather3A_528 : vector<16xf32>
        %add3A_532 = arith.addf %get3A_530, %mul3A_531 : vector<16xf32>
        %swap3A_533 = arith.constant 48 : index
        %swap3A_534 = tpu.vector_load %arg21[%swap3A_533] {strides = array<i32>} : memref<256xf32, #tpu.memory_space<vmem>>, vector<16xf32>,
        tpu.vector_store %arg21[%swap3A_533], %add3A_532 {strides = array<i32>} : memref<256xf32, #tpu.memory_space<vmem>>, vector<16xf32>,
        %add3A_535 = arith.constant 64 : i32
        %add3A_536 = vector.broadcast %add3A_535 : i32 to vector<16xi32>
        %add3A_537 = arith.addi %iota3A, %add3A_536 : vector<16xi32>
        %gather3A_538 = tpu.vector_load_idx %arg15[%broadcast_in_dim3A_333, %add3A_537] : memref<32x256xf32, #tpu.memory_space<vmem>>[vector<16xi32>, vector<16xi32>], vector<16xf32>,
        %get3A_539 = arith.constant 64 : index
        %get3A_540 = tpu.vector_load %arg20[%get3A_539] {strides = array<i32>} : memref<256xf32, #tpu.memory_space<vmem>>, vector<16xf32>,
        %mul3A_541 = arith.mulf %gather3A_334, %gather3A_538 : vector<16xf32>
        %add3A_542 = arith.addf %get3A_540, %mul3A_541 : vector<16xf32>
        %swap3A_543 = arith.constant 64 : index
        %swap3A_544 = tpu.vector_load %arg20[%swap3A_543] {strides = array<i32>} : memref<256xf32, #tpu.memory_space<vmem>>, vector<16xf32>,
        tpu.vector_store %arg20[%swap3A_543], %add3A_542 {strides = array<i32>} : memref<256xf32, #tpu.memory_space<vmem>>, vector<16xf32>,
        %add3A_545 = arith.constant 64 : i32
        %add3A_546 = vector.broadcast %add3A_545 : i32 to vector<16xi32>
        %add3A_547 = arith.addi %iota3A, %add3A_546 : vector<16xi32>
        %gather3A_548 = tpu.vector_load_idx %arg16[%broadcast_in_dim3A_333, %add3A_547] : memref<32x256xf32, #tpu.memory_space<vmem>>[vector<16xi32>, vector<16xi32>], vector<16xf32>,
        %get3A_549 = arith.constant 64 : index
        %get3A_550 = tpu.vector_load %arg21[%get3A_549] {strides = array<i32>} : memref<256xf32, #tpu.memory_space<vmem>>, vector<16xf32>,
        %mul3A_551 = arith.mulf %gather3A_334, %gather3A_548 : vector<16xf32>
        %add3A_552 = arith.addf %get3A_550, %mul3A_551 : vector<16xf32>
        %swap3A_553 = arith.constant 64 : index
        %swap3A_554 = tpu.vector_load %arg21[%swap3A_553] {strides = array<i32>} : memref<256xf32, #tpu.memory_space<vmem>>, vector<16xf32>,
        tpu.vector_store %arg21[%swap3A_553], %add3A_552 {strides = array<i32>} : memref<256xf32, #tpu.memory_space<vmem>>, vector<16xf32>,
        %add3A_555 = arith.constant 80 : i32
        %add3A_556 = vector.broadcast %add3A_555 : i32 to vector<16xi32>
        %add3A_557 = arith.addi %iota3A, %add3A_556 : vector<16xi32>
        %gather3A_558 = tpu.vector_load_idx %arg15[%broadcast_in_dim3A_333, %add3A_557] : memref<32x256xf32, #tpu.memory_space<vmem>>[vector<16xi32>, vector<16xi32>], vector<16xf32>,
        %get3A_559 = arith.constant 80 : index
        %get3A_560 = tpu.vector_load %arg20[%get3A_559] {strides = array<i32>} : memref<256xf32, #tpu.memory_space<vmem>>, vector<16xf32>,
        %mul3A_561 = arith.mulf %gather3A_334, %gather3A_558 : vector<16xf32>
        %add3A_562 = arith.addf %get3A_560, %mul3A_561 : vector<16xf32>
        %swap3A_563 = arith.constant 80 : index
        %swap3A_564 = tpu.vector_load %arg20[%swap3A_563] {strides = array<i32>} : memref<256xf32, #tpu.memory_space<vmem>>, vector<16xf32>,
        tpu.vector_store %arg20[%swap3A_563], %add3A_562 {strides = array<i32>} : memref<256xf32, #tpu.memory_space<vmem>>, vector<16xf32>,
        %add3A_565 = arith.constant 80 : i32
        %add3A_566 = vector.broadcast %add3A_565 : i32 to vector<16xi32>
        %add3A_567 = arith.addi %iota3A, %add3A_566 : vector<16xi32>
        %gather3A_568 = tpu.vector_load_idx %arg16[%broadcast_in_dim3A_333, %add3A_567] : memref<32x256xf32, #tpu.memory_space<vmem>>[vector<16xi32>, vector<16xi32>], vector<16xf32>,
        %get3A_569 = arith.constant 80 : index
        %get3A_570 = tpu.vector_load %arg21[%get3A_569] {strides = array<i32>} : memref<256xf32, #tpu.memory_space<vmem>>, vector<16xf32>,
        %mul3A_571 = arith.mulf %gather3A_334, %gather3A_568 : vector<16xf32>
        %add3A_572 = arith.addf %get3A_570, %mul3A_571 : vector<16xf32>
        %swap3A_573 = arith.constant 80 : index
        %swap3A_574 = tpu.vector_load %arg21[%swap3A_573] {strides = array<i32>} : memref<256xf32, #tpu.memory_space<vmem>>, vector<16xf32>,
        tpu.vector_store %arg21[%swap3A_573], %add3A_572 {strides = array<i32>} : memref<256xf32, #tpu.memory_space<vmem>>, vector<16xf32>,
        %add3A_575 = arith.constant 96 : i32
        %add3A_576 = vector.broadcast %add3A_575 : i32 to vector<16xi32>
        %add3A_577 = arith.addi %iota3A, %add3A_576 : vector<16xi32>
        %gather3A_578 = tpu.vector_load_idx %arg15[%broadcast_in_dim3A_333, %add3A_577] : memref<32x256xf32, #tpu.memory_space<vmem>>[vector<16xi32>, vector<16xi32>], vector<16xf32>,
        %get3A_579 = arith.constant 96 : index
        %get3A_580 = tpu.vector_load %arg20[%get3A_579] {strides = array<i32>} : memref<256xf32, #tpu.memory_space<vmem>>, vector<16xf32>,
        %mul3A_581 = arith.mulf %gather3A_334, %gather3A_578 : vector<16xf32>
        %add3A_582 = arith.addf %get3A_580, %mul3A_581 : vector<16xf32>
        %swap3A_583 = arith.constant 96 : index
        %swap3A_584 = tpu.vector_load %arg20[%swap3A_583] {strides = array<i32>} : memref<256xf32, #tpu.memory_space<vmem>>, vector<16xf32>,
        tpu.vector_store %arg20[%swap3A_583], %add3A_582 {strides = array<i32>} : memref<256xf32, #tpu.memory_space<vmem>>, vector<16xf32>,
        %add3A_585 = arith.constant 96 : i32
        %add3A_586 = vector.broadcast %add3A_585 : i32 to vector<16xi32>
        %add3A_587 = arith.addi %iota3A, %add3A_586 : vector<16xi32>
        %gather3A_588 = tpu.vector_load_idx %arg16[%broadcast_in_dim3A_333, %add3A_587] : memref<32x256xf32, #tpu.memory_space<vmem>>[vector<16xi32>, vector<16xi32>], vector<16xf32>,
        %get3A_589 = arith.constant 96 : index
        %get3A_590 = tpu.vector_load %arg21[%get3A_589] {strides = array<i32>} : memref<256xf32, #tpu.memory_space<vmem>>, vector<16xf32>,
        %mul3A_591 = arith.mulf %gather3A_334, %gather3A_588 : vector<16xf32>
        %add3A_592 = arith.addf %get3A_590, %mul3A_591 : vector<16xf32>
        %swap3A_593 = arith.constant 96 : index
        %swap3A_594 = tpu.vector_load %arg21[%swap3A_593] {strides = array<i32>} : memref<256xf32, #tpu.memory_space<vmem>>, vector<16xf32>,
        tpu.vector_store %arg21[%swap3A_593], %add3A_592 {strides = array<i32>} : memref<256xf32, #tpu.memory_space<vmem>>, vector<16xf32>,
        %add3A_595 = arith.constant 112 : i32
        %add3A_596 = vector.broadcast %add3A_595 : i32 to vector<16xi32>
        %add3A_597 = arith.addi %iota3A, %add3A_596 : vector<16xi32>
        %gather3A_598 = tpu.vector_load_idx %arg15[%broadcast_in_dim3A_333, %add3A_597] : memref<32x256xf32, #tpu.memory_space<vmem>>[vector<16xi32>, vector<16xi32>], vector<16xf32>,
        %get3A_599 = arith.constant 112 : index
        %get3A_600 = tpu.vector_load %arg20[%get3A_599] {strides = array<i32>} : memref<256xf32, #tpu.memory_space<vmem>>, vector<16xf32>,
        %mul3A_601 = arith.mulf %gather3A_334, %gather3A_598 : vector<16xf32>
        %add3A_602 = arith.addf %get3A_600, %mul3A_601 : vector<16xf32>
        %swap3A_603 = arith.constant 112 : index
        %swap3A_604 = tpu.vector_load %arg20[%swap3A_603] {strides = array<i32>} : memref<256xf32, #tpu.memory_space<vmem>>, vector<16xf32>,
        tpu.vector_store %arg20[%swap3A_603], %add3A_602 {strides = array<i32>} : memref<256xf32, #tpu.memory_space<vmem>>, vector<16xf32>,
        %add3A_605 = arith.constant 112 : i32
        %add3A_606 = vector.broadcast %add3A_605 : i32 to vector<16xi32>
        %add3A_607 = arith.addi %iota3A, %add3A_606 : vector<16xi32>
        %gather3A_608 = tpu.vector_load_idx %arg16[%broadcast_in_dim3A_333, %add3A_607] : memref<32x256xf32, #tpu.memory_space<vmem>>[vector<16xi32>, vector<16xi32>], vector<16xf32>,
        %get3A_609 = arith.constant 112 : index
        %get3A_610 = tpu.vector_load %arg21[%get3A_609] {strides = array<i32>} : memref<256xf32, #tpu.memory_space<vmem>>, vector<16xf32>,
        %mul3A_611 = arith.mulf %gather3A_334, %gather3A_608 : vector<16xf32>
        %add3A_612 = arith.addf %get3A_610, %mul3A_611 : vector<16xf32>
        %swap3A_613 = arith.constant 112 : index
        %swap3A_614 = tpu.vector_load %arg21[%swap3A_613] {strides = array<i32>} : memref<256xf32, #tpu.memory_space<vmem>>, vector<16xf32>,
        tpu.vector_store %arg21[%swap3A_613], %add3A_612 {strides = array<i32>} : memref<256xf32, #tpu.memory_space<vmem>>, vector<16xf32>,
        %add3A_615 = arith.constant 128 : i32
        %add3A_616 = vector.broadcast %add3A_615 : i32 to vector<16xi32>
        %add3A_617 = arith.addi %iota3A, %add3A_616 : vector<16xi32>
        %gather3A_618 = tpu.vector_load_idx %arg15[%broadcast_in_dim3A_333, %add3A_617] : memref<32x256xf32, #tpu.memory_space<vmem>>[vector<16xi32>, vector<16xi32>], vector<16xf32>,
        %get3A_619 = arith.constant 128 : index
        %get3A_620 = tpu.vector_load %arg20[%get3A_619] {strides = array<i32>} : memref<256xf32, #tpu.memory_space<vmem>>, vector<16xf32>,
        %mul3A_621 = arith.mulf %gather3A_334, %gather3A_618 : vector<16xf32>
        %add3A_622 = arith.addf %get3A_620, %mul3A_621 : vector<16xf32>
        %swap3A_623 = arith.constant 128 : index
        %swap3A_624 = tpu.vector_load %arg20[%swap3A_623] {strides = array<i32>} : memref<256xf32, #tpu.memory_space<vmem>>, vector<16xf32>,
        tpu.vector_store %arg20[%swap3A_623], %add3A_622 {strides = array<i32>} : memref<256xf32, #tpu.memory_space<vmem>>, vector<16xf32>,
        %add3A_625 = arith.constant 128 : i32
        %add3A_626 = vector.broadcast %add3A_625 : i32 to vector<16xi32>
        %add3A_627 = arith.addi %iota3A, %add3A_626 : vector<16xi32>
        %gather3A_628 = tpu.vector_load_idx %arg16[%broadcast_in_dim3A_333, %add3A_627] : memref<32x256xf32, #tpu.memory_space<vmem>>[vector<16xi32>, vector<16xi32>], vector<16xf32>,
        %get3A_629 = arith.constant 128 : index
        %get3A_630 = tpu.vector_load %arg21[%get3A_629] {strides = array<i32>} : memref<256xf32, #tpu.memory_space<vmem>>, vector<16xf32>,
        %mul3A_631 = arith.mulf %gather3A_334, %gather3A_628 : vector<16xf32>
        %add3A_632 = arith.addf %get3A_630, %mul3A_631 : vector<16xf32>
        %swap3A_633 = arith.constant 128 : index
        %swap3A_634 = tpu.vector_load %arg21[%swap3A_633] {strides = array<i32>} : memref<256xf32, #tpu.memory_space<vmem>>, vector<16xf32>,
        tpu.vector_store %arg21[%swap3A_633], %add3A_632 {strides = array<i32>} : memref<256xf32, #tpu.memory_space<vmem>>, vector<16xf32>,
        %add3A_635 = arith.constant 144 : i32
        %add3A_636 = vector.broadcast %add3A_635 : i32 to vector<16xi32>
        %add3A_637 = arith.addi %iota3A, %add3A_636 : vector<16xi32>
        %gather3A_638 = tpu.vector_load_idx %arg15[%broadcast_in_dim3A_333, %add3A_637] : memref<32x256xf32, #tpu.memory_space<vmem>>[vector<16xi32>, vector<16xi32>], vector<16xf32>,
        %get3A_639 = arith.constant 144 : index
        %get3A_640 = tpu.vector_load %arg20[%get3A_639] {strides = array<i32>} : memref<256xf32, #tpu.memory_space<vmem>>, vector<16xf32>,
        %mul3A_641 = arith.mulf %gather3A_334, %gather3A_638 : vector<16xf32>
        %add3A_642 = arith.addf %get3A_640, %mul3A_641 : vector<16xf32>
        %swap3A_643 = arith.constant 144 : index
        %swap3A_644 = tpu.vector_load %arg20[%swap3A_643] {strides = array<i32>} : memref<256xf32, #tpu.memory_space<vmem>>, vector<16xf32>,
        tpu.vector_store %arg20[%swap3A_643], %add3A_642 {strides = array<i32>} : memref<256xf32, #tpu.memory_space<vmem>>, vector<16xf32>,
        %add3A_645 = arith.constant 144 : i32
        %add3A_646 = vector.broadcast %add3A_645 : i32 to vector<16xi32>
        %add3A_647 = arith.addi %iota3A, %add3A_646 : vector<16xi32>
        %gather3A_648 = tpu.vector_load_idx %arg16[%broadcast_in_dim3A_333, %add3A_647] : memref<32x256xf32, #tpu.memory_space<vmem>>[vector<16xi32>, vector<16xi32>], vector<16xf32>,
        %get3A_649 = arith.constant 144 : index
        %get3A_650 = tpu.vector_load %arg21[%get3A_649] {strides = array<i32>} : memref<256xf32, #tpu.memory_space<vmem>>, vector<16xf32>,
        %mul3A_651 = arith.mulf %gather3A_334, %gather3A_648 : vector<16xf32>
        %add3A_652 = arith.addf %get3A_650, %mul3A_651 : vector<16xf32>
        %swap3A_653 = arith.constant 144 : index
        %swap3A_654 = tpu.vector_load %arg21[%swap3A_653] {strides = array<i32>} : memref<256xf32, #tpu.memory_space<vmem>>, vector<16xf32>,
        tpu.vector_store %arg21[%swap3A_653], %add3A_652 {strides = array<i32>} : memref<256xf32, #tpu.memory_space<vmem>>, vector<16xf32>,
        %add3A_655 = arith.constant 160 : i32
        %add3A_656 = vector.broadcast %add3A_655 : i32 to vector<16xi32>
        %add3A_657 = arith.addi %iota3A, %add3A_656 : vector<16xi32>
        %gather3A_658 = tpu.vector_load_idx %arg15[%broadcast_in_dim3A_333, %add3A_657] : memref<32x256xf32, #tpu.memory_space<vmem>>[vector<16xi32>, vector<16xi32>], vector<16xf32>,
        %get3A_659 = arith.constant 160 : index
        %get3A_660 = tpu.vector_load %arg20[%get3A_659] {strides = array<i32>} : memref<256xf32, #tpu.memory_space<vmem>>, vector<16xf32>,
        %mul3A_661 = arith.mulf %gather3A_334, %gather3A_658 : vector<16xf32>
        %add3A_662 = arith.addf %get3A_660, %mul3A_661 : vector<16xf32>
        %swap3A_663 = arith.constant 160 : index
        %swap3A_664 = tpu.vector_load %arg20[%swap3A_663] {strides = array<i32>} : memref<256xf32, #tpu.memory_space<vmem>>, vector<16xf32>,
        tpu.vector_store %arg20[%swap3A_663], %add3A_662 {strides = array<i32>} : memref<256xf32, #tpu.memory_space<vmem>>, vector<16xf32>,
        %add3A_665 = arith.constant 160 : i32
        %add3A_666 = vector.broadcast %add3A_665 : i32 to vector<16xi32>
        %add3A_667 = arith.addi %iota3A, %add3A_666 : vector<16xi32>
        %gather3A_668 = tpu.vector_load_idx %arg16[%broadcast_in_dim3A_333, %add3A_667] : memref<32x256xf32, #tpu.memory_space<vmem>>[vector<16xi32>, vector<16xi32>], vector<16xf32>,
        %get3A_669 = arith.constant 160 : index
        %get3A_670 = tpu.vector_load %arg21[%get3A_669] {strides = array<i32>} : memref<256xf32, #tpu.memory_space<vmem>>, vector<16xf32>,
        %mul3A_671 = arith.mulf %gather3A_334, %gather3A_668 : vector<16xf32>
        %add3A_672 = arith.addf %get3A_670, %mul3A_671 : vector<16xf32>
        %swap3A_673 = arith.constant 160 : index
        %swap3A_674 = tpu.vector_load %arg21[%swap3A_673] {strides = array<i32>} : memref<256xf32, #tpu.memory_space<vmem>>, vector<16xf32>,
        tpu.vector_store %arg21[%swap3A_673], %add3A_672 {strides = array<i32>} : memref<256xf32, #tpu.memory_space<vmem>>, vector<16xf32>,
        %add3A_675 = arith.constant 176 : i32
        %add3A_676 = vector.broadcast %add3A_675 : i32 to vector<16xi32>
        %add3A_677 = arith.addi %iota3A, %add3A_676 : vector<16xi32>
        %gather3A_678 = tpu.vector_load_idx %arg15[%broadcast_in_dim3A_333, %add3A_677] : memref<32x256xf32, #tpu.memory_space<vmem>>[vector<16xi32>, vector<16xi32>], vector<16xf32>,
        %get3A_679 = arith.constant 176 : index
        %get3A_680 = tpu.vector_load %arg20[%get3A_679] {strides = array<i32>} : memref<256xf32, #tpu.memory_space<vmem>>, vector<16xf32>,
        %mul3A_681 = arith.mulf %gather3A_334, %gather3A_678 : vector<16xf32>
        %add3A_682 = arith.addf %get3A_680, %mul3A_681 : vector<16xf32>
        %swap3A_683 = arith.constant 176 : index
        %swap3A_684 = tpu.vector_load %arg20[%swap3A_683] {strides = array<i32>} : memref<256xf32, #tpu.memory_space<vmem>>, vector<16xf32>,
        tpu.vector_store %arg20[%swap3A_683], %add3A_682 {strides = array<i32>} : memref<256xf32, #tpu.memory_space<vmem>>, vector<16xf32>,
        %add3A_685 = arith.constant 176 : i32
        %add3A_686 = vector.broadcast %add3A_685 : i32 to vector<16xi32>
        %add3A_687 = arith.addi %iota3A, %add3A_686 : vector<16xi32>
        %gather3A_688 = tpu.vector_load_idx %arg16[%broadcast_in_dim3A_333, %add3A_687] : memref<32x256xf32, #tpu.memory_space<vmem>>[vector<16xi32>, vector<16xi32>], vector<16xf32>,
        %get3A_689 = arith.constant 176 : index
        %get3A_690 = tpu.vector_load %arg21[%get3A_689] {strides = array<i32>} : memref<256xf32, #tpu.memory_space<vmem>>, vector<16xf32>,
        %mul3A_691 = arith.mulf %gather3A_334, %gather3A_688 : vector<16xf32>
        %add3A_692 = arith.addf %get3A_690, %mul3A_691 : vector<16xf32>
        %swap3A_693 = arith.constant 176 : index
        %swap3A_694 = tpu.vector_load %arg21[%swap3A_693] {strides = array<i32>} : memref<256xf32, #tpu.memory_space<vmem>>, vector<16xf32>,
        tpu.vector_store %arg21[%swap3A_693], %add3A_692 {strides = array<i32>} : memref<256xf32, #tpu.memory_space<vmem>>, vector<16xf32>,
        %add3A_695 = arith.constant 192 : i32
        %add3A_696 = vector.broadcast %add3A_695 : i32 to vector<16xi32>
        %add3A_697 = arith.addi %iota3A, %add3A_696 : vector<16xi32>
        %gather3A_698 = tpu.vector_load_idx %arg15[%broadcast_in_dim3A_333, %add3A_697] : memref<32x256xf32, #tpu.memory_space<vmem>>[vector<16xi32>, vector<16xi32>], vector<16xf32>,
        %get3A_699 = arith.constant 192 : index
        %get3A_700 = tpu.vector_load %arg20[%get3A_699] {strides = array<i32>} : memref<256xf32, #tpu.memory_space<vmem>>, vector<16xf32>,
        %mul3A_701 = arith.mulf %gather3A_334, %gather3A_698 : vector<16xf32>
        %add3A_702 = arith.addf %get3A_700, %mul3A_701 : vector<16xf32>
        %swap3A_703 = arith.constant 192 : index
        %swap3A_704 = tpu.vector_load %arg20[%swap3A_703] {strides = array<i32>} : memref<256xf32, #tpu.memory_space<vmem>>, vector<16xf32>,
        tpu.vector_store %arg20[%swap3A_703], %add3A_702 {strides = array<i32>} : memref<256xf32, #tpu.memory_space<vmem>>, vector<16xf32>,
        %add3A_705 = arith.constant 192 : i32
        %add3A_706 = vector.broadcast %add3A_705 : i32 to vector<16xi32>
        %add3A_707 = arith.addi %iota3A, %add3A_706 : vector<16xi32>
        %gather3A_708 = tpu.vector_load_idx %arg16[%broadcast_in_dim3A_333, %add3A_707] : memref<32x256xf32, #tpu.memory_space<vmem>>[vector<16xi32>, vector<16xi32>], vector<16xf32>,
        %get3A_709 = arith.constant 192 : index
        %get3A_710 = tpu.vector_load %arg21[%get3A_709] {strides = array<i32>} : memref<256xf32, #tpu.memory_space<vmem>>, vector<16xf32>,
        %mul3A_711 = arith.mulf %gather3A_334, %gather3A_708 : vector<16xf32>
        %add3A_712 = arith.addf %get3A_710, %mul3A_711 : vector<16xf32>
        %swap3A_713 = arith.constant 192 : index
        %swap3A_714 = tpu.vector_load %arg21[%swap3A_713] {strides = array<i32>} : memref<256xf32, #tpu.memory_space<vmem>>, vector<16xf32>,
        tpu.vector_store %arg21[%swap3A_713], %add3A_712 {strides = array<i32>} : memref<256xf32, #tpu.memory_space<vmem>>, vector<16xf32>,
        %add3A_715 = arith.constant 208 : i32
        %add3A_716 = vector.broadcast %add3A_715 : i32 to vector<16xi32>
        %add3A_717 = arith.addi %iota3A, %add3A_716 : vector<16xi32>
        %gather3A_718 = tpu.vector_load_idx %arg15[%broadcast_in_dim3A_333, %add3A_717] : memref<32x256xf32, #tpu.memory_space<vmem>>[vector<16xi32>, vector<16xi32>], vector<16xf32>,
        %get3A_719 = arith.constant 208 : index
        %get3A_720 = tpu.vector_load %arg20[%get3A_719] {strides = array<i32>} : memref<256xf32, #tpu.memory_space<vmem>>, vector<16xf32>,
        %mul3A_721 = arith.mulf %gather3A_334, %gather3A_718 : vector<16xf32>
        %add3A_722 = arith.addf %get3A_720, %mul3A_721 : vector<16xf32>
        %swap3A_723 = arith.constant 208 : index
        %swap3A_724 = tpu.vector_load %arg20[%swap3A_723] {strides = array<i32>} : memref<256xf32, #tpu.memory_space<vmem>>, vector<16xf32>,
        tpu.vector_store %arg20[%swap3A_723], %add3A_722 {strides = array<i32>} : memref<256xf32, #tpu.memory_space<vmem>>, vector<16xf32>,
        %add3A_725 = arith.constant 208 : i32
        %add3A_726 = vector.broadcast %add3A_725 : i32 to vector<16xi32>
        %add3A_727 = arith.addi %iota3A, %add3A_726 : vector<16xi32>
        %gather3A_728 = tpu.vector_load_idx %arg16[%broadcast_in_dim3A_333, %add3A_727] : memref<32x256xf32, #tpu.memory_space<vmem>>[vector<16xi32>, vector<16xi32>], vector<16xf32>,
        %get3A_729 = arith.constant 208 : index
        %get3A_730 = tpu.vector_load %arg21[%get3A_729] {strides = array<i32>} : memref<256xf32, #tpu.memory_space<vmem>>, vector<16xf32>,
        %mul3A_731 = arith.mulf %gather3A_334, %gather3A_728 : vector<16xf32>
        %add3A_732 = arith.addf %get3A_730, %mul3A_731 : vector<16xf32>
        %swap3A_733 = arith.constant 208 : index
        %swap3A_734 = tpu.vector_load %arg21[%swap3A_733] {strides = array<i32>} : memref<256xf32, #tpu.memory_space<vmem>>, vector<16xf32>,
        tpu.vector_store %arg21[%swap3A_733], %add3A_732 {strides = array<i32>} : memref<256xf32, #tpu.memory_space<vmem>>, vector<16xf32>,
        %add3A_735 = arith.constant 224 : i32
        %add3A_736 = vector.broadcast %add3A_735 : i32 to vector<16xi32>
        %add3A_737 = arith.addi %iota3A, %add3A_736 : vector<16xi32>
        %gather3A_738 = tpu.vector_load_idx %arg15[%broadcast_in_dim3A_333, %add3A_737] : memref<32x256xf32, #tpu.memory_space<vmem>>[vector<16xi32>, vector<16xi32>], vector<16xf32>,
        %get3A_739 = arith.constant 224 : index
        %get3A_740 = tpu.vector_load %arg20[%get3A_739] {strides = array<i32>} : memref<256xf32, #tpu.memory_space<vmem>>, vector<16xf32>,
        %mul3A_741 = arith.mulf %gather3A_334, %gather3A_738 : vector<16xf32>
        %add3A_742 = arith.addf %get3A_740, %mul3A_741 : vector<16xf32>
        %swap3A_743 = arith.constant 224 : index
        %swap3A_744 = tpu.vector_load %arg20[%swap3A_743] {strides = array<i32>} : memref<256xf32, #tpu.memory_space<vmem>>, vector<16xf32>,
        tpu.vector_store %arg20[%swap3A_743], %add3A_742 {strides = array<i32>} : memref<256xf32, #tpu.memory_space<vmem>>, vector<16xf32>,
        %add3A_745 = arith.constant 224 : i32
        %add3A_746 = vector.broadcast %add3A_745 : i32 to vector<16xi32>
        %add3A_747 = arith.addi %iota3A, %add3A_746 : vector<16xi32>
        %gather3A_748 = tpu.vector_load_idx %arg16[%broadcast_in_dim3A_333, %add3A_747] : memref<32x256xf32, #tpu.memory_space<vmem>>[vector<16xi32>, vector<16xi32>], vector<16xf32>,
        %get3A_749 = arith.constant 224 : index
        %get3A_750 = tpu.vector_load %arg21[%get3A_749] {strides = array<i32>} : memref<256xf32, #tpu.memory_space<vmem>>, vector<16xf32>,
        %mul3A_751 = arith.mulf %gather3A_334, %gather3A_748 : vector<16xf32>
        %add3A_752 = arith.addf %get3A_750, %mul3A_751 : vector<16xf32>
        %swap3A_753 = arith.constant 224 : index
        %swap3A_754 = tpu.vector_load %arg21[%swap3A_753] {strides = array<i32>} : memref<256xf32, #tpu.memory_space<vmem>>, vector<16xf32>,
        tpu.vector_store %arg21[%swap3A_753], %add3A_752 {strides = array<i32>} : memref<256xf32, #tpu.memory_space<vmem>>, vector<16xf32>,
        %add3A_755 = arith.constant 240 : i32
        %add3A_756 = vector.broadcast %add3A_755 : i32 to vector<16xi32>
        %add3A_757 = arith.addi %iota3A, %add3A_756 : vector<16xi32>
        %gather3A_758 = tpu.vector_load_idx %arg15[%broadcast_in_dim3A_333, %add3A_757] : memref<32x256xf32, #tpu.memory_space<vmem>>[vector<16xi32>, vector<16xi32>], vector<16xf32>,
        %get3A_759 = arith.constant 240 : index
        %get3A_760 = tpu.vector_load %arg20[%get3A_759] {strides = array<i32>} : memref<256xf32, #tpu.memory_space<vmem>>, vector<16xf32>,
        %mul3A_761 = arith.mulf %gather3A_334, %gather3A_758 : vector<16xf32>
        %add3A_762 = arith.addf %get3A_760, %mul3A_761 : vector<16xf32>
        %swap3A_763 = arith.constant 240 : index
        %swap3A_764 = tpu.vector_load %arg20[%swap3A_763] {strides = array<i32>} : memref<256xf32, #tpu.memory_space<vmem>>, vector<16xf32>,
        tpu.vector_store %arg20[%swap3A_763], %add3A_762 {strides = array<i32>} : memref<256xf32, #tpu.memory_space<vmem>>, vector<16xf32>,
        %add3A_765 = arith.constant 240 : i32
        %add3A_766 = vector.broadcast %add3A_765 : i32 to vector<16xi32>
        %add3A_767 = arith.addi %iota3A, %add3A_766 : vector<16xi32>
        %gather3A_768 = tpu.vector_load_idx %arg16[%broadcast_in_dim3A_333, %add3A_767] : memref<32x256xf32, #tpu.memory_space<vmem>>[vector<16xi32>, vector<16xi32>], vector<16xf32>,
        %get3A_769 = arith.constant 240 : index
        %get3A_770 = tpu.vector_load %arg21[%get3A_769] {strides = array<i32>} : memref<256xf32, #tpu.memory_space<vmem>>, vector<16xf32>,
        %mul3A_771 = arith.mulf %gather3A_334, %gather3A_768 : vector<16xf32>
        %add3A_772 = arith.addf %get3A_770, %mul3A_771 : vector<16xf32>
        %swap3A_773 = arith.constant 240 : index
        %swap3A_774 = tpu.vector_load %arg21[%swap3A_773] {strides = array<i32>} : memref<256xf32, #tpu.memory_space<vmem>>, vector<16xf32>,
        tpu.vector_store %arg21[%swap3A_773], %add3A_772 {strides = array<i32>} : memref<256xf32, #tpu.memory_space<vmem>>, vector<16xf32>,
      }
      %scan3A_325 = arith.constant 32 : i32
      %mul3A_326 = arith.constant 192 : i32
      %mul3A_327 = arith.muli %add3A_9, %mul3A_326 : i32
      "tpu.region"() ({
        %run_scoped3A = tpu.sem_alloc : memref<!tpu.dma_semaphore, #tpu.memory_space<semaphore_mem>>
        %dma_start3A_332 = tpu.memref_slice %arg8[%mul3A_327] : memref<393216xf32, #tpu.memory_space<hbm>> -> memref<192xf32, #tpu.memory_space<hbm>>
        %dma_start3A_333 = tpu.memref_slice %arg8[%mul3A_327] : memref<393216xf32, #tpu.memory_space<hbm>> -> memref<192xf32, #tpu.memory_space<hbm>>
        tpu.enqueue_dma source(%arg19 : memref<192xf32, #tpu.memory_space<vmem>>) target(%dma_start3A_333 : memref<192xf32, #tpu.memory_space<hbm>>) target_semaphore(%run_scoped3A : memref<!tpu.dma_semaphore, #tpu.memory_space<semaphore_mem>>)
        %dma_wait3A_334 = tpu.memref_slice %arg8[%mul3A_327] : memref<393216xf32, #tpu.memory_space<hbm>> -> memref<192xf32, #tpu.memory_space<hbm>>
        %dma_wait3A_335 = tpu.memref_slice %arg8[%mul3A_327] : memref<393216xf32, #tpu.memory_space<hbm>> -> memref<192xf32, #tpu.memory_space<hbm>>
        tpu.wait_dma2 semaphore(%run_scoped3A : memref<!tpu.dma_semaphore, #tpu.memory_space<semaphore_mem>>) src(%arg19 : memref<192xf32, #tpu.memory_space<vmem>>) dst(%dma_wait3A_335 : memref<192xf32, #tpu.memory_space<hbm>>)
        tpu.yield
      }) : () -> ()
      %mul3A_328 = arith.constant 256 : i32
      %mul3A_329 = arith.muli %add3A_9, %mul3A_328 : i32
      "tpu.region"() ({
        %run_scoped3A = tpu.sem_alloc : memref<!tpu.dma_semaphore, #tpu.memory_space<semaphore_mem>>
        %dma_start3A_332 = tpu.memref_slice %arg9[%mul3A_329] : memref<524288xf32, #tpu.memory_space<hbm>> -> memref<256xf32, #tpu.memory_space<hbm>>
        %dma_start3A_333 = tpu.memref_slice %arg9[%mul3A_329] : memref<524288xf32, #tpu.memory_space<hbm>> -> memref<256xf32, #tpu.memory_space<hbm>>
        tpu.enqueue_dma source(%arg20 : memref<256xf32, #tpu.memory_space<vmem>>) target(%dma_start3A_333 : memref<256xf32, #tpu.memory_space<hbm>>) target_semaphore(%run_scoped3A : memref<!tpu.dma_semaphore, #tpu.memory_space<semaphore_mem>>)
        %dma_wait3A_334 = tpu.memref_slice %arg9[%mul3A_329] : memref<524288xf32, #tpu.memory_space<hbm>> -> memref<256xf32, #tpu.memory_space<hbm>>
        %dma_wait3A_335 = tpu.memref_slice %arg9[%mul3A_329] : memref<524288xf32, #tpu.memory_space<hbm>> -> memref<256xf32, #tpu.memory_space<hbm>>
        tpu.wait_dma2 semaphore(%run_scoped3A : memref<!tpu.dma_semaphore, #tpu.memory_space<semaphore_mem>>) src(%arg20 : memref<256xf32, #tpu.memory_space<vmem>>) dst(%dma_wait3A_335 : memref<256xf32, #tpu.memory_space<hbm>>)
        tpu.yield
      }) : () -> ()
      %mul3A_330 = arith.constant 256 : i32
      %mul3A_331 = arith.muli %add3A_9, %mul3A_330 : i32
      "tpu.region"() ({
        %run_scoped3A = tpu.sem_alloc : memref<!tpu.dma_semaphore, #tpu.memory_space<semaphore_mem>>
        %dma_start3A_332 = tpu.memref_slice %arg10[%mul3A_331] : memref<524288xf32, #tpu.memory_space<hbm>> -> memref<256xf32, #tpu.memory_space<hbm>>
        %dma_start3A_333 = tpu.memref_slice %arg10[%mul3A_331] : memref<524288xf32, #tpu.memory_space<hbm>> -> memref<256xf32, #tpu.memory_space<hbm>>
        tpu.enqueue_dma source(%arg21 : memref<256xf32, #tpu.memory_space<vmem>>) target(%dma_start3A_333 : memref<256xf32, #tpu.memory_space<hbm>>) target_semaphore(%run_scoped3A : memref<!tpu.dma_semaphore, #tpu.memory_space<semaphore_mem>>)
        %dma_wait3A_334 = tpu.memref_slice %arg10[%mul3A_331] : memref<524288xf32, #tpu.memory_space<hbm>> -> memref<256xf32, #tpu.memory_space<hbm>>
        %dma_wait3A_335 = tpu.memref_slice %arg10[%mul3A_331] : memref<524288xf32, #tpu.memory_space<hbm>> -> memref<256xf32, #tpu.memory_space<hbm>>
        tpu.wait_dma2 semaphore(%run_scoped3A : memref<!tpu.dma_semaphore, #tpu.memory_space<semaphore_mem>>) src(%arg21 : memref<256xf32, #tpu.memory_space<vmem>>) dst(%dma_wait3A_335 : memref<256xf32, #tpu.memory_space<hbm>>)
        tpu.yield
      }) : () -> ()
    }
    %scan3A_7 = arith.constant 64 : i32
    return
  }
}

module attributes {stable_mosaic.version = 14 : i64} {
  func.func @_stage_a_body(%arg0: i32, %arg1: memref<128x1024xf32, #tpu.memory_space<vmem>>, %arg2: memref<1024x192xf32, #tpu.memory_space<vmem>>, %arg3: memref<1x192xf32, #tpu.memory_space<vmem>>, %arg4: memref<1x192xf32, #tpu.memory_space<vmem>>, %arg5: memref<1x192xf32, #tpu.memory_space<vmem>>, %arg6: memref<192x64xf32, #tpu.memory_space<vmem>>, %arg7: memref<64x64xf32, #tpu.memory_space<vmem>>, %arg8: memref<64x16384xf32, #tpu.memory_space<vmem>>, %arg9: memref<1024x256xf32, #tpu.memory_space<vmem>>, %arg10: memref<1x256xf32, #tpu.memory_space<vmem>>, %arg11: memref<128x32xi32, #tpu.memory_space<vmem>>, %arg12: memref<128x32xf32, #tpu.memory_space<vmem>>, %arg13: memref<128x256xf32, #tpu.memory_space<vmem>>) attributes {dimension_semantics = [#tpu.dimension_semantics<arbitrary>], iteration_bounds = array<i64: 16>, scalar_prefetch = 0 : i64, scratch_operands = 0 : i64, tpu.core_type = #tpu.core_type<tc>, window_params = [{transform_indices = @transform_0, window_bounds = array<i64: 128, 1024>}, {pipeline_mode = #tpu.pipeline_mode<synchronous>, transform_indices = @transform_1, window_bounds = array<i64: 1024, 192>}, {pipeline_mode = #tpu.pipeline_mode<synchronous>, transform_indices = @transform_2, window_bounds = array<i64: 1, 192>}, {pipeline_mode = #tpu.pipeline_mode<synchronous>, transform_indices = @transform_3, window_bounds = array<i64: 1, 192>}, {pipeline_mode = #tpu.pipeline_mode<synchronous>, transform_indices = @transform_4, window_bounds = array<i64: 1, 192>}, {pipeline_mode = #tpu.pipeline_mode<synchronous>, transform_indices = @transform_5, window_bounds = array<i64: 192, 64>}, {pipeline_mode = #tpu.pipeline_mode<synchronous>, transform_indices = @transform_6, window_bounds = array<i64: 64, 64>}, {pipeline_mode = #tpu.pipeline_mode<synchronous>, transform_indices = @transform_7, window_bounds = array<i64: 64, 16384>}, {pipeline_mode = #tpu.pipeline_mode<synchronous>, transform_indices = @transform_8, window_bounds = array<i64: 1024, 256>}, {pipeline_mode = #tpu.pipeline_mode<synchronous>, transform_indices = @transform_9, window_bounds = array<i64: 1, 256>}, {transform_indices = @transform_10, window_bounds = array<i64: 128, 32>}, {transform_indices = @transform_11, window_bounds = array<i64: 128, 32>}, {transform_indices = @transform_12, window_bounds = array<i64: 128, 256>}]} {
    %get3A = arith.constant 0 : index
    %get3A_0 = arith.constant 0 : index
    %get3A_1 = vector.load %arg1[%get3A, %get3A_0] : memref<128x1024xf32, #tpu.memory_space<vmem>>, vector<128x1024xf32>
    %get3A_2 = arith.constant 0 : index
    %get3A_3 = arith.constant 0 : index
    %get3A_4 = vector.load %arg2[%get3A_2, %get3A_3] : memref<1024x192xf32, #tpu.memory_space<vmem>>, vector<1024x192xf32>
    %dot_general3A = arith.constant dense<0.000000e+00> : vector<128x192xf32>
    %dot_general3A_5 = tpu.matmul %get3A_1, %get3A_4, %dot_general3A {dimension_numbers = #tpu.dot_dimension_numbers<[1], [0], [0], [1], [0, 0, 1, 1], [], []>, precision = #tpu.contract_precision<fp32>, transpose_lhs_hint = false} : vector<128x1024xf32>, vector<1024x192xf32>, vector<128x192xf32> -> vector<128x192xf32>
    %get3A_6 = arith.constant 0 : index
    %get3A_7 = arith.constant 0 : index
    %get3A_8 = vector.load %arg3[%get3A_6, %get3A_7] : memref<1x192xf32, #tpu.memory_space<vmem>>, vector<1x192xf32>
    %add3A = vector.broadcast %get3A_8 : vector<1x192xf32> to vector<128x192xf32>
    %add3A_9 = arith.addf %dot_general3A_5, %add3A : vector<128x192xf32>
    %get3A_10 = arith.constant 0 : index
    %get3A_11 = arith.constant 0 : index
    %get3A_12 = vector.load %arg4[%get3A_10, %get3A_11] : memref<1x192xf32, #tpu.memory_space<vmem>>, vector<1x192xf32>
    %get3A_13 = arith.constant 0 : index
    %get3A_14 = arith.constant 0 : index
    %get3A_15 = vector.load %arg5[%get3A_13, %get3A_14] : memref<1x192xf32, #tpu.memory_space<vmem>>, vector<1x192xf32>
    %reduce_sum3A = arith.constant dense<0.000000e+00> : vector<128xf32>
    %reduce_sum3A_16 = vector.multi_reduction <add>, %add3A_9, %reduce_sum3A [1] : vector<128x192xf32> to vector<128xf32>
    %broadcast_in_dim3A = vector.shape_cast %reduce_sum3A_16 : vector<128xf32> to vector<128x1xf32>
    %div3A = arith.constant 1.920000e+02 : f32
    %div3A_17 = vector.broadcast %div3A : f32 to vector<128x1xf32>
    %div3A_18 = arith.divf %broadcast_in_dim3A, %div3A_17 : vector<128x1xf32>
    %sub3A = vector.broadcast %div3A_18 : vector<128x1xf32> to vector<128x192xf32>
    %sub3A_19 = arith.subf %add3A_9, %sub3A : vector<128x192xf32>
    %integer_pow3A = arith.mulf %sub3A_19, %sub3A_19 : vector<128x192xf32>
    %reduce_sum3A_20 = arith.constant dense<0.000000e+00> : vector<128xf32>
    %reduce_sum3A_21 = vector.multi_reduction <add>, %integer_pow3A, %reduce_sum3A_20 [1] : vector<128x192xf32> to vector<128xf32>
    %broadcast_in_dim3A_22 = vector.shape_cast %reduce_sum3A_21 : vector<128xf32> to vector<128x1xf32>
    %div3A_23 = arith.constant 1.920000e+02 : f32
    %div3A_24 = vector.broadcast %div3A_23 : f32 to vector<128x1xf32>
    %div3A_25 = arith.divf %broadcast_in_dim3A_22, %div3A_24 : vector<128x1xf32>
    %sub3A_26 = vector.broadcast %div3A_18 : vector<128x1xf32> to vector<128x192xf32>
    %sub3A_27 = arith.subf %add3A_9, %sub3A_26 : vector<128x192xf32>
    %add3A_28 = arith.constant 9.99999974E-6 : f32
    %add3A_29 = vector.broadcast %add3A_28 : f32 to vector<128x1xf32>
    %add3A_30 = arith.addf %div3A_25, %add3A_29 : vector<128x1xf32>
    %sqrt3A = math.sqrt %add3A_30 : vector<128x1xf32>
    %div3A_31 = vector.broadcast %sqrt3A : vector<128x1xf32> to vector<128x192xf32>
    %div3A_32 = arith.divf %sub3A_27, %div3A_31 : vector<128x192xf32>
    %mul3A = vector.broadcast %get3A_12 : vector<1x192xf32> to vector<128x192xf32>
    %mul3A_33 = arith.mulf %div3A_32, %mul3A : vector<128x192xf32>
    %add3A_34 = vector.broadcast %get3A_15 : vector<1x192xf32> to vector<128x192xf32>
    %add3A_35 = arith.addf %mul3A_33, %add3A_34 : vector<128x192xf32>
    %mul3A_36 = arith.constant 5.000000e-01 : f32
    %mul3A_37 = vector.broadcast %mul3A_36 : f32 to vector<128x192xf32>
    %mul3A_38 = arith.mulf %mul3A_37, %add3A_35 : vector<128x192xf32>
    %mul3A_39 = arith.constant 0.707106769 : f32
    %mul3A_40 = vector.broadcast %mul3A_39 : f32 to vector<128x192xf32>
    %mul3A_41 = arith.mulf %add3A_35, %mul3A_40 : vector<128x192xf32>
    %erf3A = math.erf %mul3A_41 : vector<128x192xf32>
    %add3A_42 = arith.constant 1.000000e+00 : f32
    %add3A_43 = vector.broadcast %add3A_42 : f32 to vector<128x192xf32>
    %add3A_44 = arith.addf %add3A_43, %erf3A : vector<128x192xf32>
    %mul3A_45 = arith.mulf %mul3A_38, %add3A_44 : vector<128x192xf32>
    %get3A_46 = arith.constant 0 : index
    %get3A_47 = arith.constant 0 : index
    %get3A_48 = vector.load %arg6[%get3A_46, %get3A_47] : memref<192x64xf32, #tpu.memory_space<vmem>>, vector<192x64xf32>
    %dot_general3A_49 = arith.constant dense<0.000000e+00> : vector<128x64xf32>
    %dot_general3A_50 = tpu.matmul %mul3A_45, %get3A_48, %dot_general3A_49 {dimension_numbers = #tpu.dot_dimension_numbers<[1], [0], [0], [1], [0, 0, 1, 1], [], []>, precision = #tpu.contract_precision<fp32>, transpose_lhs_hint = false} : vector<128x192xf32>, vector<192x64xf32>, vector<128x64xf32> -> vector<128x64xf32>
    %get3A_51 = arith.constant 0 : index
    %get3A_52 = arith.constant 0 : index
    %get3A_53 = vector.load %arg7[%get3A_51, %get3A_52] : memref<64x64xf32, #tpu.memory_space<vmem>>, vector<64x64xf32>
    %dot_general3A_54 = arith.constant dense<0.000000e+00> : vector<128x64xf32>
    %dot_general3A_55 = tpu.matmul %dot_general3A_50, %get3A_53, %dot_general3A_54 {dimension_numbers = #tpu.dot_dimension_numbers<[1], [0], [0], [1], [0, 0, 1, 1], [], []>, precision = #tpu.contract_precision<fp32>, transpose_lhs_hint = false} : vector<128x64xf32>, vector<64x64xf32>, vector<128x64xf32> -> vector<128x64xf32>
    %mul3A_56 = arith.mulf %dot_general3A_55, %dot_general3A_55 : vector<128x64xf32>
    %reduce_sum3A_57 = arith.constant dense<0.000000e+00> : vector<128xf32>
    %reduce_sum3A_58 = vector.multi_reduction <add>, %mul3A_56, %reduce_sum3A_57 [1] : vector<128x64xf32> to vector<128xf32>
    %broadcast_in_dim3A_59 = vector.shape_cast %reduce_sum3A_58 : vector<128xf32> to vector<128x1xf32>
    %get3A_60 = arith.constant 0 : index
    %get3A_61 = arith.constant 0 : index
    %get3A_62 = vector.load %arg8[%get3A_60, %get3A_61] : memref<64x16384xf32, #tpu.memory_space<vmem>>, vector<64x16384xf32>
    %mul3A_63 = arith.mulf %get3A_62, %get3A_62 : vector<64x16384xf32>
    %reduce_sum3A_64 = arith.constant dense<0.000000e+00> : vector<16384xf32>
    %reduce_sum3A_65 = vector.multi_reduction <add>, %mul3A_63, %reduce_sum3A_64 [0] : vector<64x16384xf32> to vector<16384xf32>
    %broadcast_in_dim3A_66 = vector.shape_cast %reduce_sum3A_65 : vector<16384xf32> to vector<1x16384xf32>
    %add3A_67 = vector.broadcast %broadcast_in_dim3A_59 : vector<128x1xf32> to vector<128x16384xf32>
    %add3A_68 = vector.broadcast %broadcast_in_dim3A_66 : vector<1x16384xf32> to vector<128x16384xf32>
    %add3A_69 = arith.addf %add3A_67, %add3A_68 : vector<128x16384xf32>
    %dot_general3A_70 = arith.constant dense<0.000000e+00> : vector<128x16384xf32>
    %dot_general3A_71 = tpu.matmul %dot_general3A_55, %get3A_62, %dot_general3A_70 {dimension_numbers = #tpu.dot_dimension_numbers<[1], [0], [0], [1], [0, 0, 1, 1], [], []>, precision = #tpu.contract_precision<fp32>, transpose_lhs_hint = false} : vector<128x64xf32>, vector<64x16384xf32>, vector<128x16384xf32> -> vector<128x16384xf32>
    %mul3A_72 = arith.constant 2.000000e+00 : f32
    %mul3A_73 = vector.broadcast %mul3A_72 : f32 to vector<128x16384xf32>
    %mul3A_74 = arith.mulf %mul3A_73, %dot_general3A_71 : vector<128x16384xf32>
    %sub3A_75 = arith.subf %add3A_69, %mul3A_74 : vector<128x16384xf32>
    %iota3A = tpu.iota {dimensions = array<i32: 1>} : vector<128x16384xi32>
    %max3A = arith.constant 0.000000e+00 : f32
    %max3A_76 = vector.broadcast %max3A : f32 to vector<128x16384xf32>
    %max3A_77 = arith.maximumf %sub3A_75, %max3A_76 : vector<128x16384xf32>
    %broadcast_in_dim3A_78 = arith.constant 0 : i32
    %broadcast_in_dim3A_79 = vector.broadcast %broadcast_in_dim3A_78 : i32 to vector<128x32xi32>
    %broadcast_in_dim3A_80 = arith.constant 0.000000e+00 : f32
    %broadcast_in_dim3A_81 = vector.broadcast %broadcast_in_dim3A_80 : f32 to vector<128x32xf32>
    %scan3A = arith.constant 0 : i32
    %scan3A_82 = arith.constant 32 : i32
    %scan3A_83 = arith.addi %scan3A, %scan3A_82 : i32
    %scan3A_84 = arith.constant 1 : i32
    %scan3A_85:3 = scf.for %scan3A_105 = %scan3A to %scan3A_83 step %scan3A_84 iter_args(%scan3A_106 = %max3A_77, %scan3A_107 = %broadcast_in_dim3A_79, %scan3A_108 = %broadcast_in_dim3A_81) -> (vector<128x16384xf32>, vector<128x32xi32>, vector<128x32xf32>)  : i32 {
      %reduce_min3A = arith.constant dense<0x7F800000> : vector<128xf32>
      %reduce_min3A_109 = vector.multi_reduction <minimumf>, %scan3A_106, %reduce_min3A [1] : vector<128x16384xf32> to vector<128xf32>
      %broadcast_in_dim3A_110 = vector.shape_cast %reduce_min3A_109 : vector<128xf32> to vector<128x1xf32>
      %eq3A = vector.broadcast %broadcast_in_dim3A_110 : vector<128x1xf32> to vector<128x16384xf32>
      %eq3A_111 = arith.cmpf oeq, %scan3A_106, %eq3A : vector<128x16384xf32>
      %jit3A = arith.constant 16384 : i32
      %broadcast_in_dim3A_112 = vector.broadcast %jit3A : i32 to vector<128x16384xi32>
      %select_n3A = arith.select %eq3A_111, %iota3A, %broadcast_in_dim3A_112 : vector<128x16384xi1>, vector<128x16384xi32>
      %reduce_min3A_113 = arith.constant dense<2147483647> : vector<128xi32>
      %reduce_min3A_114 = vector.multi_reduction <minsi>, %select_n3A, %reduce_min3A_113 [1] : vector<128x16384xi32> to vector<128xi32>
      %broadcast_in_dim3A_115 = vector.shape_cast %reduce_min3A_114 : vector<128xi32> to vector<128x1xi32>
      %eq3A_116 = vector.broadcast %broadcast_in_dim3A_115 : vector<128x1xi32> to vector<128x16384xi32>
      %eq3A_117 = arith.cmpi eq, %iota3A, %eq3A_116 : vector<128x16384xi32>
      %jit3A_118 = arith.constant 3.000000e+38 : f32
      %broadcast_in_dim3A_119 = vector.broadcast %jit3A_118 : f32 to vector<128x16384xf32>
      %select_n3A_120 = arith.select %eq3A_117, %broadcast_in_dim3A_119, %scan3A_106 : vector<128x16384xi1>, vector<128x16384xf32>
      %iota3A_121 = tpu.iota {dimensions = array<i32: 1>} : vector<128x32xi32>
      %eq3A_122 = vector.broadcast %scan3A_105 : i32 to vector<128x32xi32>
      %eq3A_123 = arith.cmpi eq, %iota3A_121, %eq3A_122 : vector<128x32xi32>
      %broadcast_in_dim3A_124 = vector.shape_cast %broadcast_in_dim3A_115 : vector<128x1xi32> to vector<128x1xi32>
      %broadcast_in_dim3A_125 = vector.broadcast %broadcast_in_dim3A_124 : vector<128x1xi32> to vector<128x32xi32>
      %select_n3A_126 = arith.select %eq3A_123, %broadcast_in_dim3A_125, %scan3A_107 : vector<128x32xi1>, vector<128x32xi32>
      %broadcast_in_dim3A_127 = vector.shape_cast %broadcast_in_dim3A_110 : vector<128x1xf32> to vector<128x1xf32>
      %broadcast_in_dim3A_128 = vector.broadcast %broadcast_in_dim3A_127 : vector<128x1xf32> to vector<128x32xf32>
      %select_n3A_129 = arith.select %eq3A_123, %broadcast_in_dim3A_128, %scan3A_108 : vector<128x32xi1>, vector<128x32xf32>
      scf.yield %select_n3A_120, %select_n3A_126, %select_n3A_129 : vector<128x16384xf32>, vector<128x32xi32>, vector<128x32xf32>
    }
    %scan3A_86 = arith.constant 32 : i32
    %swap3A = arith.constant 0 : index
    %swap3A_87 = arith.constant 0 : index
    %swap3A_88 = vector.load %arg11[%swap3A, %swap3A_87] : memref<128x32xi32, #tpu.memory_space<vmem>>, vector<128x32xi32>
    tpu.vector_store %arg11[%swap3A, %swap3A_87], %scan3A_85#1 {strides = array<i32>} : memref<128x32xi32, #tpu.memory_space<vmem>>, vector<128x32xi32>,
    %swap3A_89 = arith.constant 0 : index
    %swap3A_90 = arith.constant 0 : index
    %swap3A_91 = vector.load %arg12[%swap3A_89, %swap3A_90] : memref<128x32xf32, #tpu.memory_space<vmem>>, vector<128x32xf32>
    tpu.vector_store %arg12[%swap3A_89, %swap3A_90], %scan3A_85#2 {strides = array<i32>} : memref<128x32xf32, #tpu.memory_space<vmem>>, vector<128x32xf32>,
    %get3A_92 = arith.constant 0 : index
    %get3A_93 = arith.constant 0 : index
    %get3A_94 = vector.load %arg9[%get3A_92, %get3A_93] : memref<1024x256xf32, #tpu.memory_space<vmem>>, vector<1024x256xf32>
    %dot_general3A_95 = arith.constant dense<0.000000e+00> : vector<128x256xf32>
    %dot_general3A_96 = tpu.matmul %get3A_1, %get3A_94, %dot_general3A_95 {dimension_numbers = #tpu.dot_dimension_numbers<[1], [0], [0], [1], [0, 0, 1, 1], [], []>, precision = #tpu.contract_precision<fp32>, transpose_lhs_hint = false} : vector<128x1024xf32>, vector<1024x256xf32>, vector<128x256xf32> -> vector<128x256xf32>
    %get3A_97 = arith.constant 0 : index
    %get3A_98 = arith.constant 0 : index
    %get3A_99 = vector.load %arg10[%get3A_97, %get3A_98] : memref<1x256xf32, #tpu.memory_space<vmem>>, vector<1x256xf32>
    %add3A_100 = vector.broadcast %get3A_99 : vector<1x256xf32> to vector<128x256xf32>
    %add3A_101 = arith.addf %dot_general3A_96, %add3A_100 : vector<128x256xf32>
    %swap3A_102 = arith.constant 0 : index
    %swap3A_103 = arith.constant 0 : index
    %swap3A_104 = vector.load %arg13[%swap3A_102, %swap3A_103] : memref<128x256xf32, #tpu.memory_space<vmem>>, vector<128x256xf32>
    tpu.vector_store %arg13[%swap3A_102, %swap3A_103], %add3A_101 {strides = array<i32>} : memref<128x256xf32, #tpu.memory_space<vmem>>, vector<128x256xf32>,
    return
  }
  func.func @transform_0(%arg0: i32) -> (i32, i32) {
    %c0_i32 = arith.constant 0 : i32
    %c0_i32_0 = arith.constant 0 : i32
    return %arg0, %c0_i32 : i32, i32
  }
  func.func @transform_1(%arg0: i32) -> (i32, i32) {
    %c0_i32 = arith.constant 0 : i32
    %c0_i32_0 = arith.constant 0 : i32
    %c0_i32_1 = arith.constant 0 : i32
    return %c0_i32, %c0_i32_0 : i32, i32
  }
  func.func @transform_2(%arg0: i32) -> (i32, i32) {
    %c0_i32 = arith.constant 0 : i32
    %c0_i32_0 = arith.constant 0 : i32
    %c0_i32_1 = arith.constant 0 : i32
    return %c0_i32, %c0_i32_0 : i32, i32
  }
  func.func @transform_3(%arg0: i32) -> (i32, i32) {
    %c0_i32 = arith.constant 0 : i32
    %c0_i32_0 = arith.constant 0 : i32
    %c0_i32_1 = arith.constant 0 : i32
    return %c0_i32, %c0_i32_0 : i32, i32
  }
  func.func @transform_4(%arg0: i32) -> (i32, i32) {
    %c0_i32 = arith.constant 0 : i32
    %c0_i32_0 = arith.constant 0 : i32
    %c0_i32_1 = arith.constant 0 : i32
    return %c0_i32, %c0_i32_0 : i32, i32
  }
  func.func @transform_5(%arg0: i32) -> (i32, i32) {
    %c0_i32 = arith.constant 0 : i32
    %c0_i32_0 = arith.constant 0 : i32
    %c0_i32_1 = arith.constant 0 : i32
    return %c0_i32, %c0_i32_0 : i32, i32
  }
  func.func @transform_6(%arg0: i32) -> (i32, i32) {
    %c0_i32 = arith.constant 0 : i32
    %c0_i32_0 = arith.constant 0 : i32
    %c0_i32_1 = arith.constant 0 : i32
    return %c0_i32, %c0_i32_0 : i32, i32
  }
  func.func @transform_7(%arg0: i32) -> (i32, i32) {
    %c0_i32 = arith.constant 0 : i32
    %c0_i32_0 = arith.constant 0 : i32
    %c0_i32_1 = arith.constant 0 : i32
    return %c0_i32, %c0_i32_0 : i32, i32
  }
  func.func @transform_8(%arg0: i32) -> (i32, i32) {
    %c0_i32 = arith.constant 0 : i32
    %c0_i32_0 = arith.constant 0 : i32
    %c0_i32_1 = arith.constant 0 : i32
    return %c0_i32, %c0_i32_0 : i32, i32
  }
  func.func @transform_9(%arg0: i32) -> (i32, i32) {
    %c0_i32 = arith.constant 0 : i32
    %c0_i32_0 = arith.constant 0 : i32
    %c0_i32_1 = arith.constant 0 : i32
    return %c0_i32, %c0_i32_0 : i32, i32
  }
  func.func @transform_10(%arg0: i32) -> (i32, i32) {
    %c0_i32 = arith.constant 0 : i32
    %c0_i32_0 = arith.constant 0 : i32
    return %arg0, %c0_i32 : i32, i32
  }
  func.func @transform_11(%arg0: i32) -> (i32, i32) {
    %c0_i32 = arith.constant 0 : i32
    %c0_i32_0 = arith.constant 0 : i32
    return %arg0, %c0_i32 : i32, i32
  }
  func.func @transform_12(%arg0: i32) -> (i32, i32) {
    %c0_i32 = arith.constant 0 : i32
    %c0_i32_0 = arith.constant 0 : i32
    return %arg0, %c0_i32 : i32, i32
  }
}

module attributes {stable_mosaic.version = 14 : i64} {
  func.func @_coh_body(%arg0: memref<16384x8xf32, #tpu.memory_space<vmem>>, %arg1: memref<16384x1xf32, #tpu.memory_space<vmem>>) attributes {dimension_semantics = [], scalar_prefetch = 0 : i64, scratch_operands = 0 : i64, tpu.core_type = #tpu.core_type<tc>} {
    %get3A = arith.constant 0 : index
    %get3A_0 = arith.constant 0 : index
    %get3A_1 = vector.load %arg0[%get3A, %get3A_0] : memref<16384x8xf32, #tpu.memory_space<vmem>>, vector<16384x8xf32>
    %cos3A = math.cos %get3A_1 : vector<16384x8xf32>
    %reduce_sum3A = arith.constant dense<0.000000e+00> : vector<16384xf32>
    %reduce_sum3A_2 = vector.multi_reduction <add>, %cos3A, %reduce_sum3A [1] : vector<16384x8xf32> to vector<16384xf32>
    %broadcast_in_dim3A = vector.shape_cast %reduce_sum3A_2 : vector<16384xf32> to vector<16384x1xf32>
    %div3A = arith.constant 8.000000e+00 : f32
    %div3A_3 = vector.broadcast %div3A : f32 to vector<16384x1xf32>
    %div3A_4 = arith.divf %broadcast_in_dim3A, %div3A_3 : vector<16384x1xf32>
    %swap3A = arith.constant 0 : index
    %swap3A_5 = arith.constant 0 : index
    %swap3A_6 = vector.load %arg1[%swap3A, %swap3A_5] : memref<16384x1xf32, #tpu.memory_space<vmem>>, vector<16384x1xf32>
    tpu.vector_store %arg1[%swap3A, %swap3A_5], %div3A_4 {strides = array<i32>} : memref<16384x1xf32, #tpu.memory_space<vmem>>, vector<16384x1xf32>,
    return
  }
}

module attributes {stable_mosaic.version = 14 : i64} {
  func.func @_stage_c_body(%arg0: i32, %arg1: memref<128x192xf32, #tpu.memory_space<vmem>>, %arg2: memref<128x256xf32, #tpu.memory_space<vmem>>, %arg3: memref<128x256xf32, #tpu.memory_space<vmem>>, %arg4: memref<128x256xf32, #tpu.memory_space<vmem>>, %arg5: memref<256x192xf32, #tpu.memory_space<vmem>>, %arg6: memref<256x192xf32, #tpu.memory_space<vmem>>, %arg7: memref<1x192xf32, #tpu.memory_space<vmem>>, %arg8: memref<192x1024xf32, #tpu.memory_space<vmem>>, %arg9: memref<1x1024xf32, #tpu.memory_space<vmem>>, %arg10: memref<1x1024xf32, #tpu.memory_space<vmem>>, %arg11: memref<1x1024xf32, #tpu.memory_space<vmem>>, %arg12: memref<128x1024xf32, #tpu.memory_space<vmem>>) attributes {dimension_semantics = [#tpu.dimension_semantics<arbitrary>], iteration_bounds = array<i64: 16>, scalar_prefetch = 0 : i64, scratch_operands = 0 : i64, tpu.core_type = #tpu.core_type<tc>, window_params = [{transform_indices = @transform_0, window_bounds = array<i64: 128, 192>}, {transform_indices = @transform_1, window_bounds = array<i64: 128, 256>}, {transform_indices = @transform_2, window_bounds = array<i64: 128, 256>}, {transform_indices = @transform_3, window_bounds = array<i64: 128, 256>}, {pipeline_mode = #tpu.pipeline_mode<synchronous>, transform_indices = @transform_4, window_bounds = array<i64: 256, 192>}, {pipeline_mode = #tpu.pipeline_mode<synchronous>, transform_indices = @transform_5, window_bounds = array<i64: 256, 192>}, {pipeline_mode = #tpu.pipeline_mode<synchronous>, transform_indices = @transform_6, window_bounds = array<i64: 1, 192>}, {pipeline_mode = #tpu.pipeline_mode<synchronous>, transform_indices = @transform_7, window_bounds = array<i64: 192, 1024>}, {pipeline_mode = #tpu.pipeline_mode<synchronous>, transform_indices = @transform_8, window_bounds = array<i64: 1, 1024>}, {pipeline_mode = #tpu.pipeline_mode<synchronous>, transform_indices = @transform_9, window_bounds = array<i64: 1, 1024>}, {pipeline_mode = #tpu.pipeline_mode<synchronous>, transform_indices = @transform_10, window_bounds = array<i64: 1, 1024>}, {transform_indices = @transform_11, window_bounds = array<i64: 128, 1024>}]} {
    %get3A = arith.constant 0 : index
    %get3A_0 = arith.constant 0 : index
    %get3A_1 = vector.load %arg4[%get3A, %get3A_0] : memref<128x256xf32, #tpu.memory_space<vmem>>, vector<128x256xf32>
    %cos3A = math.cos %get3A_1 : vector<128x256xf32>
    %sin3A = math.sin %get3A_1 : vector<128x256xf32>
    %get3A_2 = arith.constant 0 : index
    %get3A_3 = arith.constant 0 : index
    %get3A_4 = vector.load %arg2[%get3A_2, %get3A_3] : memref<128x256xf32, #tpu.memory_space<vmem>>, vector<128x256xf32>
    %get3A_5 = arith.constant 0 : index
    %get3A_6 = arith.constant 0 : index
    %get3A_7 = vector.load %arg3[%get3A_5, %get3A_6] : memref<128x256xf32, #tpu.memory_space<vmem>>, vector<128x256xf32>
    %mul3A = arith.mulf %cos3A, %get3A_4 : vector<128x256xf32>
    %mul3A_8 = arith.mulf %sin3A, %get3A_7 : vector<128x256xf32>
    %add3A = arith.addf %mul3A, %mul3A_8 : vector<128x256xf32>
    %mul3A_9 = arith.mulf %cos3A, %get3A_7 : vector<128x256xf32>
    %mul3A_10 = arith.mulf %sin3A, %get3A_4 : vector<128x256xf32>
    %sub3A = arith.subf %mul3A_9, %mul3A_10 : vector<128x256xf32>
    %get3A_11 = arith.constant 0 : index
    %get3A_12 = arith.constant 0 : index
    %get3A_13 = vector.load %arg5[%get3A_11, %get3A_12] : memref<256x192xf32, #tpu.memory_space<vmem>>, vector<256x192xf32>
    %dot_general3A = arith.constant dense<0.000000e+00> : vector<128x192xf32>
    %dot_general3A_14 = tpu.matmul %add3A, %get3A_13, %dot_general3A {dimension_numbers = #tpu.dot_dimension_numbers<[1], [0], [0], [1], [0, 0, 1, 1], [], []>, precision = #tpu.contract_precision<fp32>, transpose_lhs_hint = false} : vector<128x256xf32>, vector<256x192xf32>, vector<128x192xf32> -> vector<128x192xf32>
    %get3A_15 = arith.constant 0 : index
    %get3A_16 = arith.constant 0 : index
    %get3A_17 = vector.load %arg6[%get3A_15, %get3A_16] : memref<256x192xf32, #tpu.memory_space<vmem>>, vector<256x192xf32>
    %dot_general3A_18 = arith.constant dense<0.000000e+00> : vector<128x192xf32>
    %dot_general3A_19 = tpu.matmul %sub3A, %get3A_17, %dot_general3A_18 {dimension_numbers = #tpu.dot_dimension_numbers<[1], [0], [0], [1], [0, 0, 1, 1], [], []>, precision = #tpu.contract_precision<fp32>, transpose_lhs_hint = false} : vector<128x256xf32>, vector<256x192xf32>, vector<128x192xf32> -> vector<128x192xf32>
    %add3A_20 = arith.addf %dot_general3A_14, %dot_general3A_19 : vector<128x192xf32>
    %get3A_21 = arith.constant 0 : index
    %get3A_22 = arith.constant 0 : index
    %get3A_23 = vector.load %arg7[%get3A_21, %get3A_22] : memref<1x192xf32, #tpu.memory_space<vmem>>, vector<1x192xf32>
    %add3A_24 = vector.broadcast %get3A_23 : vector<1x192xf32> to vector<128x192xf32>
    %add3A_25 = arith.addf %add3A_20, %add3A_24 : vector<128x192xf32>
    %get3A_26 = arith.constant 0 : index
    %get3A_27 = arith.constant 0 : index
    %get3A_28 = vector.load %arg1[%get3A_26, %get3A_27] : memref<128x192xf32, #tpu.memory_space<vmem>>, vector<128x192xf32>
    %add3A_29 = arith.addf %get3A_28, %add3A_25 : vector<128x192xf32>
    %get3A_30 = arith.constant 0 : index
    %get3A_31 = arith.constant 0 : index
    %get3A_32 = vector.load %arg8[%get3A_30, %get3A_31] : memref<192x1024xf32, #tpu.memory_space<vmem>>, vector<192x1024xf32>
    %dot_general3A_33 = arith.constant dense<0.000000e+00> : vector<128x1024xf32>
    %dot_general3A_34 = tpu.matmul %add3A_29, %get3A_32, %dot_general3A_33 {dimension_numbers = #tpu.dot_dimension_numbers<[1], [0], [0], [1], [0, 0, 1, 1], [], []>, precision = #tpu.contract_precision<fp32>, transpose_lhs_hint = false} : vector<128x192xf32>, vector<192x1024xf32>, vector<128x1024xf32> -> vector<128x1024xf32>
    %get3A_35 = arith.constant 0 : index
    %get3A_36 = arith.constant 0 : index
    %get3A_37 = vector.load %arg9[%get3A_35, %get3A_36] : memref<1x1024xf32, #tpu.memory_space<vmem>>, vector<1x1024xf32>
    %add3A_38 = vector.broadcast %get3A_37 : vector<1x1024xf32> to vector<128x1024xf32>
    %add3A_39 = arith.addf %dot_general3A_34, %add3A_38 : vector<128x1024xf32>
    %get3A_40 = arith.constant 0 : index
    %get3A_41 = arith.constant 0 : index
    %get3A_42 = vector.load %arg10[%get3A_40, %get3A_41] : memref<1x1024xf32, #tpu.memory_space<vmem>>, vector<1x1024xf32>
    %get3A_43 = arith.constant 0 : index
    %get3A_44 = arith.constant 0 : index
    %get3A_45 = vector.load %arg11[%get3A_43, %get3A_44] : memref<1x1024xf32, #tpu.memory_space<vmem>>, vector<1x1024xf32>
    %reduce_sum3A = arith.constant dense<0.000000e+00> : vector<128xf32>
    %reduce_sum3A_46 = vector.multi_reduction <add>, %add3A_39, %reduce_sum3A [1] : vector<128x1024xf32> to vector<128xf32>
    %broadcast_in_dim3A = vector.shape_cast %reduce_sum3A_46 : vector<128xf32> to vector<128x1xf32>
    %div3A = arith.constant 1.024000e+03 : f32
    %div3A_47 = vector.broadcast %div3A : f32 to vector<128x1xf32>
    %div3A_48 = arith.divf %broadcast_in_dim3A, %div3A_47 : vector<128x1xf32>
    %sub3A_49 = vector.broadcast %div3A_48 : vector<128x1xf32> to vector<128x1024xf32>
    %sub3A_50 = arith.subf %add3A_39, %sub3A_49 : vector<128x1024xf32>
    %integer_pow3A = arith.mulf %sub3A_50, %sub3A_50 : vector<128x1024xf32>
    %reduce_sum3A_51 = arith.constant dense<0.000000e+00> : vector<128xf32>
    %reduce_sum3A_52 = vector.multi_reduction <add>, %integer_pow3A, %reduce_sum3A_51 [1] : vector<128x1024xf32> to vector<128xf32>
    %broadcast_in_dim3A_53 = vector.shape_cast %reduce_sum3A_52 : vector<128xf32> to vector<128x1xf32>
    %div3A_54 = arith.constant 1.024000e+03 : f32
    %div3A_55 = vector.broadcast %div3A_54 : f32 to vector<128x1xf32>
    %div3A_56 = arith.divf %broadcast_in_dim3A_53, %div3A_55 : vector<128x1xf32>
    %sub3A_57 = vector.broadcast %div3A_48 : vector<128x1xf32> to vector<128x1024xf32>
    %sub3A_58 = arith.subf %add3A_39, %sub3A_57 : vector<128x1024xf32>
    %add3A_59 = arith.constant 9.99999974E-6 : f32
    %add3A_60 = vector.broadcast %add3A_59 : f32 to vector<128x1xf32>
    %add3A_61 = arith.addf %div3A_56, %add3A_60 : vector<128x1xf32>
    %sqrt3A = math.sqrt %add3A_61 : vector<128x1xf32>
    %div3A_62 = vector.broadcast %sqrt3A : vector<128x1xf32> to vector<128x1024xf32>
    %div3A_63 = arith.divf %sub3A_58, %div3A_62 : vector<128x1024xf32>
    %mul3A_64 = vector.broadcast %get3A_42 : vector<1x1024xf32> to vector<128x1024xf32>
    %mul3A_65 = arith.mulf %div3A_63, %mul3A_64 : vector<128x1024xf32>
    %add3A_66 = vector.broadcast %get3A_45 : vector<1x1024xf32> to vector<128x1024xf32>
    %add3A_67 = arith.addf %mul3A_65, %add3A_66 : vector<128x1024xf32>
    %mul3A_68 = arith.constant 5.000000e-01 : f32
    %mul3A_69 = vector.broadcast %mul3A_68 : f32 to vector<128x1024xf32>
    %mul3A_70 = arith.mulf %mul3A_69, %add3A_67 : vector<128x1024xf32>
    %mul3A_71 = arith.constant 0.707106769 : f32
    %mul3A_72 = vector.broadcast %mul3A_71 : f32 to vector<128x1024xf32>
    %mul3A_73 = arith.mulf %add3A_67, %mul3A_72 : vector<128x1024xf32>
    %erf3A = math.erf %mul3A_73 : vector<128x1024xf32>
    %add3A_74 = arith.constant 1.000000e+00 : f32
    %add3A_75 = vector.broadcast %add3A_74 : f32 to vector<128x1024xf32>
    %add3A_76 = arith.addf %add3A_75, %erf3A : vector<128x1024xf32>
    %mul3A_77 = arith.mulf %mul3A_70, %add3A_76 : vector<128x1024xf32>
    %swap3A = arith.constant 0 : index
    %swap3A_78 = arith.constant 0 : index
    %swap3A_79 = vector.load %arg12[%swap3A, %swap3A_78] : memref<128x1024xf32, #tpu.memory_space<vmem>>, vector<128x1024xf32>
    tpu.vector_store %arg12[%swap3A, %swap3A_78], %mul3A_77 {strides = array<i32>} : memref<128x1024xf32, #tpu.memory_space<vmem>>, vector<128x1024xf32>,
    return
  }
  func.func @transform_0(%arg0: i32) -> (i32, i32) {
    %c0_i32 = arith.constant 0 : i32
    %c0_i32_0 = arith.constant 0 : i32
    return %arg0, %c0_i32 : i32, i32
  }
  func.func @transform_1(%arg0: i32) -> (i32, i32) {
    %c0_i32 = arith.constant 0 : i32
    %c0_i32_0 = arith.constant 0 : i32
    return %arg0, %c0_i32 : i32, i32
  }
  func.func @transform_2(%arg0: i32) -> (i32, i32) {
    %c0_i32 = arith.constant 0 : i32
    %c0_i32_0 = arith.constant 0 : i32
    return %arg0, %c0_i32 : i32, i32
  }
  func.func @transform_3(%arg0: i32) -> (i32, i32) {
    %c0_i32 = arith.constant 0 : i32
    %c0_i32_0 = arith.constant 0 : i32
    return %arg0, %c0_i32 : i32, i32
  }
  func.func @transform_4(%arg0: i32) -> (i32, i32) {
    %c0_i32 = arith.constant 0 : i32
    %c0_i32_0 = arith.constant 0 : i32
    %c0_i32_1 = arith.constant 0 : i32
    return %c0_i32, %c0_i32_0 : i32, i32
  }
  func.func @transform_5(%arg0: i32) -> (i32, i32) {
    %c0_i32 = arith.constant 0 : i32
    %c0_i32_0 = arith.constant 0 : i32
    %c0_i32_1 = arith.constant 0 : i32
    return %c0_i32, %c0_i32_0 : i32, i32
  }
  func.func @transform_6(%arg0: i32) -> (i32, i32) {
    %c0_i32 = arith.constant 0 : i32
    %c0_i32_0 = arith.constant 0 : i32
    %c0_i32_1 = arith.constant 0 : i32
    return %c0_i32, %c0_i32_0 : i32, i32
  }
  func.func @transform_7(%arg0: i32) -> (i32, i32) {
    %c0_i32 = arith.constant 0 : i32
    %c0_i32_0 = arith.constant 0 : i32
    %c0_i32_1 = arith.constant 0 : i32
    return %c0_i32, %c0_i32_0 : i32, i32
  }
  func.func @transform_8(%arg0: i32) -> (i32, i32) {
    %c0_i32 = arith.constant 0 : i32
    %c0_i32_0 = arith.constant 0 : i32
    %c0_i32_1 = arith.constant 0 : i32
    return %c0_i32, %c0_i32_0 : i32, i32
  }
  func.func @transform_9(%arg0: i32) -> (i32, i32) {
    %c0_i32 = arith.constant 0 : i32
    %c0_i32_0 = arith.constant 0 : i32
    %c0_i32_1 = arith.constant 0 : i32
    return %c0_i32, %c0_i32_0 : i32, i32
  }
  func.func @transform_10(%arg0: i32) -> (i32, i32) {
    %c0_i32 = arith.constant 0 : i32
    %c0_i32_0 = arith.constant 0 : i32
    %c0_i32_1 = arith.constant 0 : i32
    return %c0_i32, %c0_i32_0 : i32, i32
  }
  func.func @transform_11(%arg0: i32) -> (i32, i32) {
    %c0_i32 = arith.constant 0 : i32
    %c0_i32_0 = arith.constant 0 : i32
    return %arg0, %c0_i32 : i32, i32
  }
}

</mosaic_0001>

<sc_bundles>
// kernel: kernel.6.cloned.1.call-start
scs
__scs_entry_jumppad:
0x0: {  	(pc) =	sbr.rel $0x88, $3  }
0x1: {  	(tag) =	ssettag $0x0;
	lr =	simm.s32 $0x1  }
0x2: {  	[smem:$0x3F8C] =	sst lr;
	_ =	strace $0xD0000000  }
0x3: {  	_ = 	snop  }
0x4: {  	_ = 	snop  }
0x5: {  	_ = 	snop  }
0x6: {  	_ = 	snop  }
0x7: {  	_ = 	snop  }
__scs_overlays_trampoline_lowered:
0x8: {  	[smem:$0x3F9B] =	sst s0  }
0x9: {  	[smem:$0x3F9C] =	sst s1  }
0xa: {  	[smem:$0x3F9D] =	sst s2  }
0xb: {  	[smem:$0x3F9E] =	sst s3  }
0xc: {  	[smem:$0x3F9F] =	sst s4  }
0xd: {  	[smem:$0x3FA0] =	sst s5  }
0xe: {  	[smem:$0x3FA1] =	sst s6  }
0xf: {  	[smem:$0x3FA2] =	sst s7  }
0x10: {  	[smem:$0x3FA3] =	sst s8  }
0x11: {  	[smem:$0x3FA4] =	sst s9;
	s0 =	simm.s32 @!p0 $0x0  }
0x12: {  	s1 =	sld [smem:$0x3F8A];
	s0 =	simm.s32 @p0 $0x1  }
0x13: {  	[smem:$0x3FA5] =	sst s0;
	s0 =	simm.s32 @!p1 $0x0  }
0x14: {  	s2 =	sld [smem:$0x3F89];
	s0 =	simm.s32 @p1 $0x1  }
0x15: {  	[smem:$0x3FA6] =	sst s0;
	s0 =	simm.s32 @!p2 $0x0  }
0x16: {  	s3 =	sld [smem:$0x3FDB];
	s0 =	simm.s32 @p2 $0x1  }
0x17: {  	s4 =	simm.s32 $0x1BF5;
	[smem:$0x3FA8] =	sst s0  }
0x18: {  	s0 =	sld [smem:$0x3F8B];
	_ =	swait.ge [sflag:s4], $0x0  }
0x19: {  	s7 =	sld [smem:$0x3F8C]  }
0x1a: {  	s8 =	sadd.s32 $0xFFFFE003, lr  }
0x1b: {  	s9 =	sadd.s32 $0xFFFFFEF7, lr;
	s5 =	simm.s32 $0xFFFFFFFF;
	p2 =	slt.u32 s8, $0xFFFFF086  }
0x1c: {  	p1 =	slt.u32 s9, $0xF7A;
	s5 =	simm.s32 @!p2 $0x0  }
0x1d: {  	s5 =	simm.s32 @p1 $0x1;
	p0 =	seq.s32 s7, s2  }
0x1e: {  	s7 =	smul.u32 @!p0 $0xF7A, s2;
	p2 =	seq.s32 @!p0 s5, $0x0  }
0x1f: {  	s9 =	smul.u32 $0xF7A, s1;
	s8 =	simm.s32 @!p0 $0x1BF5;
	p2 =	por !p2, p0  }
0x20: {  	[sflag:s8] =	ssyncset.s32 @!p0 $0xFFFFF086;
	s6 =	sadd.s32 @!p0 s3, s7;
	s7 =	simm.s32 @!p0 $0x108  }
0x21: {  	s3 =	sadd.s32 s3, s9;
	s6 =	sadd.s32 @!p0 $0x88, s6;
	s7 =	simm.s32 @p2 $0x1082  }
0x22: {  	[simem:s7], [sflag:s8] =	dma.local @!p0 [hbm:s6], $0xF7A  }
0x23: {  	s9 =	sor.u32 $0xD0000000, s2;
	s6 =	simm.s32 $0x108;
	_ =	swait.ge @!p0 [sflag:s8], $0x0  }
0x24: {  	s3 =	sadd.s32 $0x88, s3;
	s6 =	simm.s32 @!p1 $0x1082;
	[sflag:s4] =	ssyncset.s32 $0xFFFFF086  }
0x25: {  	[simem:s6], [sflag:s4] =	dma.local [hbm:s3], $0xF7A  }
0x26: {  	[smem:$0x3F8C] =	sst s1;
	(tag) =	ssettag s2;
	_ =	strace s9  }
0x27: {  	s1 =	sld [smem:$0x3F9C]  }
0x28: {  	s2 =	sld [smem:$0x3F9D]  }
0x29: {  	s4 =	sld [smem:$0x3F9F]  }
0x2a: {  	p0 =	seq.s32 s5, $0x0;
	s5 =	sld [smem:$0x3FA0]  }
0x2b: {  	s6 =	sld [smem:$0x3FA1]  }
0x2c: {  	s7 =	sld [smem:$0x3FA2]  }
0x2d: {  	s3 =	simm.s32 $0x108;
	s8 =	sld [smem:$0x3FA3]  }
0x2e: {  	s3 =	simm.s32 @!p0 $0x1082;
	s9 =	sld [smem:$0x3FA4]  }
0x2f: {  	lr =	sadd.s32 s0, s3;
	s0 =	sld [smem:$0x3F9B]  }
0x30: {  	s3 =	sld [smem:$0x3F9E]  }
0x31: {  	[smem:$0x3FA7] =	sst s10  }
0x32: {  	s10 =	sld [smem:$0x3FA5];
	_ =	sdelay $0x3  }
0x33: {  	p0 =	seq.s32 s10, $0x1;
	s10 =	sld [smem:$0x3FA7];
	_ =	sdelay $0x3  }
0x34: {  	[smem:$0x3FA7] =	sst s10  }
0x35: {  	s10 =	sld [smem:$0x3FA6];
	_ =	sdelay $0x3  }
0x36: {  	p1 =	seq.s32 s10, $0x1;
	s10 =	sld [smem:$0x3FA7];
	_ =	sdelay $0x3  }
0x37: {  	[smem:$0x3FA7] =	sst s10  }
0x38: {  	s10 =	sld [smem:$0x3FA8]  }
0x39: {  	_ = 	snop;
	(pc) =	sbr.ind lr, $3  }
0x3a: {  	_ = 	snop  }
0x3b: {  	_ = 	snop  }
0x3c: {  	p2 =	seq.s32 s10, $0x1;
	s10 =	sld [smem:$0x3FA7]  }
0x3d: {  	_ =	shalt  }
0x3e: {  	_ =	shalt  }
0x3f: {  	_ =	shalt  }
0x40: {  	_ =	shalt  }
0x41: {  	_ =	shalt  }
0x42: {  	_ =	shalt  }
0x43: {  	_ =	shalt  }
0x44: {  	_ =	shalt  }
0x45: {  	_ =	shalt  }
0x46: {  	_ =	shalt  }
0x47: {  	_ =	shalt  }
0x48: {  	_ =	shalt  }
0x49: {  	_ =	shalt  }
0x4a: {  	_ =	shalt  }
0x4b: {  	_ =	shalt  }
0x4c: {  	_ =	shalt  }
0x4d: {  	_ =	shalt  }
0x4e: {  	_ =	shalt  }
0x4f: {  	_ =	shalt  }
0x50: {  	_ =	shalt  }
0x51: {  	_ =	shalt  }
0x52: {  	_ =	shalt  }
0x53: {  	_ =	shalt  }
0x54: {  	_ =	shalt  }
0x55: {  	_ =	shalt  }
0x56: {  	_ =	shalt  }
0x57: {  	_ =	shalt  }
0x58: {  	_ =	shalt  }
0x59: {  	_ =	shalt  }
0x5a: {  	_ =	shalt  }
0x5b: {  	_ =	shalt  }
0x5c: {  	_ =	shalt  }
0x5d: {  	_ =	shalt  }
0x5e: {  	_ =	shalt  }
0x5f: {  	_ =	shalt  }
0x60: {  	_ =	shalt  }
0x61: {  	_ =	shalt  }
0x62: {  	_ =	shalt  }
0x63: {  	_ =	shalt  }
0x64: {  	_ =	shalt  }
0x65: {  	_ =	shalt  }
0x66: {  	_ =	shalt  }
0x67: {  	_ =	shalt  }
0x68: {  	_ =	shalt  }
0x69: {  	_ =	shalt  }
0x6a: {  	_ =	shalt  }
0x6b: {  	_ =	shalt  }
0x6c: {  	_ =	shalt  }
0x6d: {  	_ =	shalt  }
0x6e: {  	_ =	shalt  }
0x6f: {  	_ =	shalt  }
0x70: {  	_ =	shalt  }
0x71: {  	_ =	shalt  }
0x72: {  	_ =	shalt  }
0x73: {  	_ =	shalt  }
0x74: {  	_ =	shalt  }
0x75: {  	_ =	shalt  }
0x76: {  	_ =	shalt  }
0x77: {  	_ =	shalt  }
0x78: {  	_ =	shalt  }
0x79: {  	_ =	shalt  }
0x7a: {  	_ =	shalt  }
0x7b: {  	_ =	shalt  }
0x7c: {  	_ =	shalt  }
0x7d: {  	_ =	shalt  }
0x7e: {  	_ =	shalt  }
0x7f: {  	_ =	shalt  }
0x80: {  	_ =	shalt  }
0x81: {  	_ =	shalt  }
0x82: {  	_ =	shalt  }
0x83: {  	_ =	shalt  }
0x84: {  	_ =	shalt  }
0x85: {  	_ =	shalt  }
0x86: {  	_ =	shalt  }
0x87: {  	_ =	shalt  }
.Lfunc_end0:
.L_simem_size_0:
called_computation_lowered:
.L_overlay_start_0:
0x88: {  	s2 =	sld [smem:$0x3FD9]  }
0x89: {  	s3 =	sld [smem:$0x3FFE];
	_ =	sdelay $0x1  }
0x8a: {  	s1 =	srdreg.scid  }
0x8b: {  	s0 =	sand.u32 $0x1, s1  }
0x8c: {  	s17 =	sshll.u32 s0, $0xA;
	s2 =	sadd.s32 s3, s2  }
0x8d: {  	s2 =	sadd.s32 s2, s17  }
0x8e: {  	[smem:$0x3FB3] =	sst s2  }
0x8f: {  	_ = 	snop  }
0x90: {  	s2 =	sld [smem:$0x3FB8]  }
0x91: {  	s18 =	sld [smem:$0x3FB7]  }
0x92: {  	s4 =	sld [smem:$0x3FD0];
	(tm) =	ssettm $0x1  }
0x93: {  	s5 =	sld [smem:$0x3FFB];
	_ =	sdelay $0x3  }
0x94: {  	_ =	strace s5  }
0x95: {  	s5 =	sld [smem:$0x3FFC];
	_ =	sdelay $0x3  }
0x96: {  	_ =	strace s5  }
0x97: {  	s5 =	sld [smem:$0x3FFD];
	_ =	sdelay $0x3  }
0x98: {  	_ =	strace s5  }
0x99: {  	_ =	strace $0x8FFFFFFF  }
0x9a: {  	s19 =	sld [smem:$0x3FDB];
	_ =	sdelay $0x1  }
0x9b: {  	s6 =	simm.s32 $_scs_section_size  }
0x9c: {  	s7 =	simm.s32 $_size__tile_overlayer_lowered;
	s8 =	simm.s32 $_tile_overlayer_lowered  }
0x9d: {  	s22 =	simm.s32 $0x1BFF;
	s21 =	sshll.u32 s8, $0x1;
	s5 =	sadd.s32 s6, s19  }
0x9e: {  	s9 =	simm.s32 $0x0;
	s20 =	sshll.u32 s7, $0x1;
	s7 =	sadd.s32 s21, s5  }
0x9f: {  	[timem:s9], [sflag:s22] =	dma.local [hbm:s7], s20  }
0xa0: {  	_ =	swait.ge [sflag:s22], s20  }
0xa1: {  	s6 =	ssub.s32 $0x0, s20;
	[sflag:s22] =	ssyncset.done $0x0  }
0xa2: {  	[sflag:s22] =	ssyncadd.s32 s6;
	_ =	sdelay $0x1  }
0xa3: {  	s23 =	simm.s32 $0x1B8B  }
0xa4: {  	_ =	swait.ge [sflag:s23], $0x1  }
0xa5: {  	[sflag:s23] =	ssyncset.done $0x0  }
0xa6: {  	s25 =	simm.s32 $0x1B8E;
	s24 =	sld [smem:$0x3FFE];
	[sflag:s23] =	ssyncadd.s32 $0xFFFFFFFF  }
0xa7: {  	s26 =	simm.s32 $execute0_lowered;
	[smem:$0x3FD2] =	sst s25  }
0xa8: {  	s7 =	sshll.u32 s26, $0x1;
	_ =	strace $0x80000046;
	[dreg:$0x1] =	wrdreg $0xFFFFFFFF  }
0xa9: {  	s28 =	simm.s32 $_size_execute0_lowered;
	s5 =	sadd.s32 s5, s7;
	[dreg:$0x0] =	wrdreg $0x0  }
0xaa: {  	s7 =	sshll.u32 s28, $0x1;
	[dreg:$0x2] =	wrdreg s5  }
0xab: {  	[dreg:$0x3] =	wrdreg s7  }
0xac: {  	[dreg:$0x4] =	wrdreg $0xC0  }
0xad: {  	_ =	task [dreg:s9], $0x5FFFF  }
0xae: {  	[dreg:$0x1] =	wrdreg $0xFFFFFFFF  }
0xaf: {  	[dreg:$0x0] =	wrdreg $0x60  }
0xb0: {  	[dreg:$0x2] =	wrdreg s24  }
0xb1: {  	[dreg:$0x3] =	wrdreg s2  }
0xb2: {  	[dreg:$0x4] =	wrdreg s18  }
0xb3: {  	[dreg:$0x5] =	wrdreg s4  }
0xb4: {  	[dreg:$0x6] =	wrdreg $0x9  }
0xb5: {  	_ =	task.clear_ibuf [dreg:s9], $0x7FFFF;
	_ =	strace $0x90000046  }
0xb6: {  	s29 =	simm.s32 $0x9;
	_ =	strace $0x80000048  }
0xb7: {  	_ =	swait.ge [sflag:s29], $0x1  }
0xb8: {  	[sflag:s29] =	ssyncadd.s32 $0xFFFFFFFF  }
0xb9: {  	_ =	strace $0x90000048  }
0xba: {  	_ =	sfence  }
0xbb: {  	s30 =	sld [smem:$0x0];
	_ =	sdelay $0x2  }
0xbc: {  	s31 =	sshll.u32 s1, $0xD;
	s1 =	sshrl.u32 s1, $0x2  }
0xbd: {  	s3 =	sand.u32 $0x4000, s31;
	s1 =	sadd.s32 s1, s30  }
0xbe: {  	s0 =	sor.u32 s3, s0;
	s1 =	sshll.u32 s1, $0x11  }
0xbf: {  	s0 =	sor.u32 s1, s0  }
0xc0: {  	s0 =	sadd.s32 $0x8F2B, s0  }
0xc1: {  	[sflag:s0] =	ssyncadd.remote.s32 $0x1  }
0xc2: {  	_ =	sfence.sel $0xFFFF  }
0xc3: {  	[dreg:$0x0] =	wrdreg $0xFFFFFFFF;
	(pc) =	sbr.abs _section_cstart, $3  }
0xc4: {  	[dreg:$0x1] =	wrdreg $0xFFFFFFFF  }
0xc5: {  	_ =	task.clear_ibuf [dreg:s9], $0x2FFFF;
	_ =	strace $0x9FFFFFFF  }
0xc6: {  	(tm) =	ssettm $0x7FFFFFFF  }
0xc7: {  	_ =	shalt  }
tec
execute0_lowered:
.L_overlay_start_1:
0x0: {  	(tag) =	ssettag $0x1  }
0x1: {  	v0 =	vlaneseq.u32  }
0x2: {  	v4 =	vimm.s32 $0xFEDCBA98;
	vm0 =	vmmov $0xffff;
	v7 =	vimm.s32 $0x76543210  }
0x3: {  	v9 =	vimm.s32 $0xBA987654;
	v10 =	vimm.s32 $0x10FEDCBA;
	v11 =	vimm.s32 $0x98765432  }
0x4: {  	v12 =	vimm.s32 $0xFEDCBA9;
	v13 =	vimm.s32 $0x87654321;
	v1 =	vand.u32 $0x7, v0  }
0x5: {  	v2 =	vshrl.u32 v0, $0x3;
	v3 =	vmul.u32 $0x80, v0;
	v6 =	vunpack.c.l.s4.s8 v4  }
0x6: {  	s2 =	rddreg [dreg:$0x0];
	v4 =	vor.u32 $0x8, v0;
	v7 =	vunpack.c.l.s4.s8 v7;
	v9 =	vunpack.c.l.s4.s8 v9  }
0x7: {  	s0 =	rddreg [dreg:$0x1];
	v10 =	vunpack.c.l.s4.s8 v10;
	v11 =	vunpack.c.l.s4.s8 v11;
	v12 =	vunpack.c.l.s4.s8 v12  }
0x8: {  	s1 =	rddreg [dreg:$0x2];
	s3 =	simm.s32 $0x0;
	v13 =	vunpack.c.l.s4.s8 v13;
	v16 =	vor.u32 $0x40, v0;
	v17 =	vor.u32 $0x50, v0  }
0x9: {  	s4 =	srdreg.scid;
	s11 =	stileid.u32;
	s14 =	simm.s32 $0x2;
	v18 =	vor.u32 $0x60, v0;
	v19 =	vor.u32 $0x70, v0;
	v20 =	vor.u32 $0x400, v0  }
0xa: {  	s16 =	simm.s32 $0x180;
	s20 =	simm.s32 $0x2180;
	s23 =	simm.s32 $0x3980;
	v21 =	vor.u32 $0x410, v0;
	v22 =	vor.u32 $0x420, v0;
	v23 =	vor.u32 $0x430, v0  }
0xb: {  	s24 =	simm.s32 $0x4180;
	s25 =	simm.s32 $0x4980;
	s28 =	simm.s32 $0x5980;
	v24 =	vor.u32 $0x440, v0;
	v25 =	vor.u32 $0x450, v0;
	v26 =	vor.u32 $0x460, v0  }
0xc: {  	s29 =	simm.s32 $0x20;
	s30 =	simm.s32 $0x6180;
	s31 =	simm.s32 $0x1;
	v27 =	vor.u32 $0x470, v0;
	v2 =	vmul.u32 $0x8, v2;
	v5 =	vor.u32 $0x800, v3  }
0xd: {  	s15 =	simm.s32 $0x7400;
	s18 =	simm.s32 $0x0;
	[smem:$0x7FF] =	sst s3;
	v8 =	vunpack.c.0.s8.s32 v6;
	v6 =	vimm.s32 $0x3210FEDC;
	v9 =	vunpack.c.0.s8.s32 v9  }
0xe: {  	s5 =	sadd.s32 $0x2A00, s2;
	s6 =	sadd.s32 $0x4A00, s2;
	s7 =	sadd.s32 $0x6A00, s2;
	v10 =	vunpack.c.0.s8.s32 v10;
	v11 =	vunpack.c.0.s8.s32 v11;
	v6 =	vunpack.c.l.s4.s8 v6  }
0xf: {  	s8 =	sadd.s32 $0x86A00, s2;
	s4 =	sand.u32 $0x1, s4;
	s10 =	sadd.s32 $0xC6A00, s2;
	v12 =	vunpack.c.0.s8.s32 v12;
	v13 =	vunpack.c.0.s8.s32 v13;
	v15 =	vunpack.c.0.s8.s32 v7  }
0x10: {  	s13 =	sshll.u32 s11, $0x7;
	s11 =	sadd.s32 $0xD2A00, s2;
	s9 =	ssub.s32 $0x2, s4;
	v7 =	vor.u32 $0x801, v3;
	v8 =	vand.u32 $0xF, v8;
	v14 =	vunpack.c.0.s8.s32 v6  }
0x11: {  	_ =	strace $0x80000047;
	s4 =	sshll.u32 s4, $0x6;
	s12 =	sshrl.u32 s9, $0x1;
	v10 =	vcombine.low v11, v10;
	v11 =	vcombine.low v13, v12;
	v12 =	vimm.f32 $0.0e+00  }
0x12: {  	s26 =	ssub.s32 s9, s12;
	s12 =	sor.u32 s4, s13;
	s4 =	simm.s32 $0x7180;
	v13 =	vor.u32 $0x10, v0;
	v6 =	vor.u32 $0x1, v3;
	v9 =	vcombine.low v9, v14  }
0x13: {  	s9 =	simm.s32 $0x100;
	s13 =	simm.s32 $0x7200;
	s2 =	smax.u32 s26, $0x1;
	v8 =	vcombine.low v8, v15;
	v15 =	vor.u32 $0x30, v0;
	v10 =	vand.u32 $0xF, v10  }
0x14: {  	s26 =	simm.s32 $0x5180;
	[dreg:$0x5] =	wrdreg s2;
	s2 =	simm.s32 $0x7300;
	v11 =	vand.u32 $0xF, v11;
	v14 =	vor.u32 $0x20, v0;
	v9 =	vand.u32 $0xF, v9  }
.LBB2_1:
0x15: {  	[dreg:$0x6] =	wrdreg s18;
	s17 =	simm.s32 $0x0  }
.LBB2_2:
0x16: {  	s18 =	sadd.s32 s12, s17  }
0x17: {  	s21 =	sshll.u32 s18, $0x2  }
0x18: {  	s19 =	simm.s32 $0x0;
	s22 =	sadd.s32 s5, s21  }
0x19: {  	[tilespmem:s19], [sflag:$0x2] =	stream.linear.gather [hbm4b:s22+s19], $0x20, $0x38;
	[tilespmem:$0x7500] =	vst v63  }
0x1a: {  	_ =	swait.ge [sflag:s14], $0x20  }
0x1b: {  	[sflag:s14] =	ssyncset.done $0x0  }
0x1c: {  	s21 =	sadd.s32 s6, s21;
	s22 =	simm.s32 $0x80;
	[sflag:s14] =	ssyncadd.s32 $0xFFFFFFE0  }
0x1d: {  	[tilespmem:s22], [sflag:$0x2] =	stream.linear.gather [hbm4b:s21+s19], $0x20, $0x38;
	[tilespmem:$0x7500] =	vst v63  }
0x1e: {  	_ =	swait.ge [sflag:s14], $0x20  }
0x1f: {  	[sflag:s14] =	ssyncset.done $0x0  }
0x20: {  	[sflag:s14] =	ssyncadd.s32 $0xFFFFFFE0  }
0x21: {  	v28 =	vld [tilespmem:$0x0];
	_ =	sdelay $0x4  }
0x22: {  	v29 =	vshll.u32 v28, $0x1  }
0x23: {  	v28 =	vand.u32 $0x7, v28;
	v29 =	vand.u32 $0xFFFFFFF0, v29  }
0x24: {  	v28 =	vor.u32 v28, v29  }
0x25: {  	v29 =	vperm.xlane v28, v1;
	_ =	sdelay $0x1  }
0x26: {  	v28 =	vperm.xlane v28, v4;
	v29 =	vadd.s32 v2, v29;
	_ =	sdelay $0x1  }
0x27: {  	v28 =	vadd.s32 v2, v28;
	_ =	sdelay $0x2  }
0x28: {  	[tilespmem:s16], [sflag:$0x1] =	stream.indirect_vreg.gather [hbm4b:s7+s19], $0x80, v29, vm0, $0xb8;
	[tilespmem:$0x7500] =	vst v63  }
0x29: {  	s22 =	simm.s32 $0x980  }
0x2a: {  	[tilespmem:s22], [sflag:$0x1] =	stream.indirect_vreg.gather [hbm4b:s7+s19], $0x80, v28, vm0, $0xb8;
	[tilespmem:$0x7500] =	vst v63  }
0x2b: {  	v28 =	vld [tilespmem:$0x10];
	_ =	sdelay $0x4  }
0x2c: {  	v29 =	vshll.u32 v28, $0x1  }
0x2d: {  	v28 =	vand.u32 $0x7, v28;
	v29 =	vand.u32 $0xFFFFFFF0, v29  }
0x2e: {  	v28 =	vor.u32 v28, v29  }
0x2f: {  	v29 =	vperm.xlane v28, v1;
	_ =	sdelay $0x1  }
0x30: {  	v28 =	vperm.xlane v28, v4;
	v29 =	vadd.s32 v2, v29;
	_ =	sdelay $0x1  }
0x31: {  	v28 =	vadd.s32 v2, v28;
	_ =	sdelay $0x1  }
0x32: {  	s22 =	simm.s32 $0x1180  }
0x33: {  	[tilespmem:s22], [sflag:$0x1] =	stream.indirect_vreg.gather [hbm4b:s7+s19], $0x80, v29, vm0, $0xb8;
	[tilespmem:$0x7500] =	vst v63  }
0x34: {  	s22 =	simm.s32 $0x1980  }
0x35: {  	[tilespmem:s22], [sflag:$0x1] =	stream.indirect_vreg.gather [hbm4b:s7+s19], $0x80, v28, vm0, $0xb8;
	[tilespmem:$0x7500] =	vst v63  }
0x36: {  	v28 =	vld [tilespmem:$0x0];
	_ =	sdelay $0x4  }
0x37: {  	v29 =	vshll.u32 v28, $0x1  }
0x38: {  	v28 =	vand.u32 $0x7, v28;
	v29 =	vand.u32 $0xFFFFFFF0, v29  }
0x39: {  	v28 =	vor.u32 v28, v29  }
0x3a: {  	v29 =	vperm.xlane v28, v1;
	_ =	sdelay $0x1  }
0x3b: {  	v28 =	vperm.xlane v28, v4;
	v29 =	vadd.s32 v2, v29;
	_ =	sdelay $0x1  }
0x3c: {  	v28 =	vadd.s32 v2, v28;
	_ =	sdelay $0x2  }
0x3d: {  	[tilespmem:s20], [sflag:$0x1] =	stream.indirect_vreg.gather [hbm4b:s0+s19], $0x80, v29, vm0, $0xb8;
	[tilespmem:$0x7500] =	vst v63  }
0x3e: {  	s22 =	simm.s32 $0x2980  }
0x3f: {  	[tilespmem:s22], [sflag:$0x1] =	stream.indirect_vreg.gather [hbm4b:s0+s19], $0x80, v28, vm0, $0xb8;
	[tilespmem:$0x7500] =	vst v63  }
0x40: {  	v28 =	vld [tilespmem:$0x10];
	_ =	sdelay $0x4  }
0x41: {  	v29 =	vshll.u32 v28, $0x1  }
0x42: {  	v28 =	vand.u32 $0x7, v28;
	v29 =	vand.u32 $0xFFFFFFF0, v29  }
0x43: {  	v28 =	vor.u32 v28, v29  }
0x44: {  	v29 =	vperm.xlane v28, v1;
	_ =	sdelay $0x1  }
0x45: {  	v28 =	vperm.xlane v28, v4;
	v29 =	vadd.s32 v2, v29;
	_ =	sdelay $0x1  }
0x46: {  	v28 =	vadd.s32 v2, v28;
	_ =	sdelay $0x1  }
0x47: {  	s22 =	simm.s32 $0x3180  }
0x48: {  	[tilespmem:s22], [sflag:$0x1] =	stream.indirect_vreg.gather [hbm4b:s0+s19], $0x80, v29, vm0, $0xb8;
	[tilespmem:$0x7500] =	vst v63  }
0x49: {  	_ = 	snop  }
0x4a: {  	[tilespmem:s23], [sflag:$0x1] =	stream.indirect_vreg.gather [hbm4b:s0+s19], $0x80, v28, vm0, $0xb8;
	[tilespmem:$0x7500] =	vst v63  }
0x4b: {  	v28 =	vld [tilespmem:$0x0];
	_ =	sdelay $0x4  }
0x4c: {  	v29 =	vshll.u32 v28, $0x1  }
0x4d: {  	v28 =	vand.u32 $0x7, v28;
	v29 =	vand.u32 $0xFFFFFFF0, v29  }
0x4e: {  	v28 =	vor.u32 v28, v29  }
0x4f: {  	v29 =	vperm.xlane v28, v1;
	_ =	sdelay $0x1  }
0x50: {  	v28 =	vperm.xlane v28, v4;
	v29 =	vadd.s32 v2, v29;
	_ =	sdelay $0x1  }
0x51: {  	v28 =	vadd.s32 v2, v28;
	_ =	sdelay $0x2  }
0x52: {  	[tilespmem:s24], [sflag:$0x1] =	stream.indirect_vreg.gather [hbm4b:s1+s19], $0x80, v29, vm0, $0xb8;
	[tilespmem:$0x7500] =	vst v63  }
0x53: {  	_ = 	snop  }
0x54: {  	[tilespmem:s25], [sflag:$0x1] =	stream.indirect_vreg.gather [hbm4b:s1+s19], $0x80, v28, vm0, $0xb8;
	[tilespmem:$0x7500] =	vst v63  }
0x55: {  	v28 =	vld [tilespmem:$0x10];
	_ =	sdelay $0x4  }
0x56: {  	v29 =	vshll.u32 v28, $0x1  }
0x57: {  	v28 =	vand.u32 $0x7, v28;
	v29 =	vand.u32 $0xFFFFFFF0, v29  }
0x58: {  	v28 =	vor.u32 v28, v29  }
0x59: {  	v29 =	vperm.xlane v28, v1;
	_ =	sdelay $0x1  }
0x5a: {  	v28 =	vperm.xlane v28, v4;
	v29 =	vadd.s32 v2, v29;
	_ =	sdelay $0x1  }
0x5b: {  	v28 =	vadd.s32 v2, v28;
	_ =	sdelay $0x2  }
0x5c: {  	[tilespmem:s26], [sflag:$0x1] =	stream.indirect_vreg.gather [hbm4b:s1+s19], $0x80, v29, vm0, $0xb8;
	[tilespmem:$0x7500] =	vst v63  }
0x5d: {  	_ = 	snop  }
0x5e: {  	[tilespmem:s28], [sflag:$0x1] =	stream.indirect_vreg.gather [hbm4b:s1+s19], $0x80, v28, vm0, $0xb8;
	[tilespmem:$0x7500] =	vst v63  }
0x5f: {  	_ = 	snop  }
0x60: {  	[tilespmem:s30], [sflag:$0x1] =	stream.indirect.gather [hbm4b:s8+s29], $0x80, s19, s29, $0xb8;
	[tilespmem:$0x7500] =	vst v63  }
0x61: {  	_ =	swait.ge [sflag:s31], $0x2000  }
0x62: {  	[sflag:s31] =	ssyncset.done $0x0  }
0x63: {  	[sflag:s31] =	ssyncadd.s32 $0xFFFFE000  }
0x64: {  	_ =	swait.ge [sflag:s31], $0x2000  }
0x65: {  	[sflag:s31] =	ssyncset.done $0x0  }
0x66: {  	[sflag:s31] =	ssyncadd.s32 $0xFFFFE000  }
0x67: {  	_ =	swait.ge [sflag:s31], $0x2000  }
0x68: {  	[sflag:s31] =	ssyncset.done $0x0  }
0x69: {  	[sflag:s31] =	ssyncadd.s32 $0xFFFFE000  }
0x6a: {  	_ =	swait.ge [sflag:s31], $0x1000  }
0x6b: {  	[sflag:s31] =	ssyncset.done $0x0  }
0x6c: {  	[sflag:s31] =	ssyncadd.s32 $0xFFFFF000  }
0x6d: {  	v28 =	vld.idx.msk [tilespmem:v3+s30+$0x0], $0xffff  }
0x6e: {  	v29 =	vld.idx.msk [tilespmem:v5+s30+$0x0], $0xffff  }
0x6f: {  	v30 =	vld [tilespmem:$0x80]  }
0x70: {  	v31 =	vld [tilespmem:$0x90]  }
0x71: {  	v32 =	vld.idx.msk [tilespmem:v6+s30+$0x0], $0xffff  }
0x72: {  	v33 =	vld.idx.msk [tilespmem:v7+s30+$0x0], $0xffff;
	_ =	sdelay $0x2  }
0x73: {  	v28 =	vmul.f32 v30, v28;
	v29 =	vmul.f32 v31, v29;
	_ =	sdelay $0x1  }
0x74: {  	v28 =	vsub.f32 v32, v28;
	v29 =	vsub.f32 v33, v29;
	_ =	sdelay $0x1  }
0x75: {  	v30 =	vmax.f32 v28, v29  }
0x76: {  	[tilespmem:$0x7180] =	vst v30  }
0x77: {  	v31 =	vld.idx.msk [tilespmem:v8+s4+$0x0], $0xffff;
	_ =	sdelay $0x4  }
0x78: {  	v30 =	vmax.f32 v30, v31  }
0x79: {  	[tilespmem:$0x7180] =	vst v30  }
0x7a: {  	v31 =	vld.idx.msk [tilespmem:v9+s4+$0x0], $0xffff;
	_ =	sdelay $0x4  }
0x7b: {  	v30 =	vmax.f32 v30, v31  }
0x7c: {  	[tilespmem:$0x7180] =	vst v30  }
0x7d: {  	v31 =	vld.idx.msk [tilespmem:v10+s4+$0x0], $0xffff;
	_ =	sdelay $0x4  }
0x7e: {  	v30 =	vmax.f32 v30, v31  }
0x7f: {  	[tilespmem:$0x7180] =	vst v30  }
0x80: {  	v31 =	vld.idx.msk [tilespmem:v11+s4+$0x0], $0xffff;
	_ =	sdelay $0x4  }
0x81: {  	v30 =	vmax.f32 v30, v31  }
0x82: {  	v28 =	vsub.f32 v28, v30  }
0x83: {  	v29 =	vsub.f32 v29, v30  }
0x84: {  	v28 =	vmul.f32 $1.442695020e+00, v28  }
0x85: {  	v29 =	vmul.f32 $1.442695020e+00, v29  }
0x86: {  	(erf) = vpow2.f32 v28  }
0x87: {  	(erf) = vpow2.f32 v29;
	_ =	sdelay $0x7  }
0x88: {  	v28 =	vpop (erf)  }
0x89: {  	v29 =	vpop (erf)  }
0x8a: {  	v30 =	vadd.f32 v29, v28;
	_ =	sdelay $0x1  }
0x8b: {  	[tilespmem:$0x7180] =	vst v30  }
0x8c: {  	v31 =	vld.idx.msk [tilespmem:v8+s4+$0x0], $0xffff;
	_ =	sdelay $0x4  }
0x8d: {  	v30 =	vadd.f32 v30, v31;
	_ =	sdelay $0x1  }
0x8e: {  	[tilespmem:$0x7180] =	vst v30  }
0x8f: {  	v31 =	vld.idx.msk [tilespmem:v9+s4+$0x0], $0xffff;
	_ =	sdelay $0x4  }
0x90: {  	v30 =	vadd.f32 v30, v31;
	_ =	sdelay $0x1  }
0x91: {  	[tilespmem:$0x7180] =	vst v30  }
0x92: {  	v31 =	vld.idx.msk [tilespmem:v10+s4+$0x0], $0xffff;
	_ =	sdelay $0x4  }
0x93: {  	v30 =	vadd.f32 v30, v31;
	_ =	sdelay $0x1  }
0x94: {  	[tilespmem:$0x7180] =	vst v30  }
0x95: {  	v31 =	vld.idx.msk [tilespmem:v11+s4+$0x0], $0xffff;
	[tilespmem:$0x7200] =	vst v12  }
0x96: {  	[tilespmem:$0x7210] =	vst v12  }
0x97: {  	[tilespmem:$0x7220] =	vst v12  }
0x98: {  	[tilespmem:$0x7230] =	vst v12  }
0x99: {  	[tilespmem:$0x7240] =	vst v12  }
0x9a: {  	[tilespmem:$0x7250] =	vst v12  }
0x9b: {  	[tilespmem:$0x7260] =	vst v12  }
0x9c: {  	[tilespmem:$0x7270] =	vst v12  }
0x9d: {  	[tilespmem:$0x7280] =	vst v12  }
0x9e: {  	[tilespmem:$0x7290] =	vst v12  }
0x9f: {  	[tilespmem:$0x72A0] =	vst v12  }
0xa0: {  	[tilespmem:$0x72B0] =	vst v12  }
0xa1: {  	[tilespmem:$0x7300] =	vst v12  }
0xa2: {  	[tilespmem:$0x7400] =	vst v12  }
0xa3: {  	[tilespmem:$0x7310] =	vst v12  }
0xa4: {  	[tilespmem:$0x7410] =	vst v12  }
0xa5: {  	[tilespmem:$0x7320] =	vst v12  }
0xa6: {  	[tilespmem:$0x7420] =	vst v12  }
0xa7: {  	[tilespmem:$0x7330] =	vst v12  }
0xa8: {  	[tilespmem:$0x7430] =	vst v12  }
0xa9: {  	[tilespmem:$0x7340] =	vst v12  }
0xaa: {  	[tilespmem:$0x7440] =	vst v12  }
0xab: {  	[tilespmem:$0x7350] =	vst v12  }
0xac: {  	[tilespmem:$0x7450] =	vst v12  }
0xad: {  	[tilespmem:$0x7360] =	vst v12;
	v30 =	vadd.f32 v31, v30  }
0xae: {  	[tilespmem:$0x7460] =	vst v12  }
0xaf: {  	[tilespmem:$0x7370] =	vst v12;
	(erf) = vrcp.f32 v30  }
0xb0: {  	[tilespmem:$0x7470] =	vst v12  }
0xb1: {  	[tilespmem:$0x7380] =	vst v12  }
0xb2: {  	[tilespmem:$0x7480] =	vst v12  }
0xb3: {  	[tilespmem:$0x7390] =	vst v12  }
0xb4: {  	[tilespmem:$0x7490] =	vst v12  }
0xb5: {  	[tilespmem:$0x73A0] =	vst v12  }
0xb6: {  	[tilespmem:$0x74A0] =	vst v12  }
0xb7: {  	[tilespmem:$0x73B0] =	vst v12  }
0xb8: {  	[tilespmem:$0x74B0] =	vst v12;
	v30 =	vpop (erf)  }
0xb9: {  	[tilespmem:$0x73C0] =	vst v12;
	v28 =	vmul.f32 v30, v28  }
0xba: {  	[tilespmem:$0x74C0] =	vst v12;
	v29 =	vmul.f32 v30, v29  }
0xbb: {  	[tilespmem:$0x100] =	vst v28;
	v28 =	vmov s19  }
0xbc: {  	[tilespmem:$0x110] =	vst v29;
	v29 =	vshll.u32 v28, $0x8;
	v30 =	vshll.u32 v28, $0x7  }
0xbd: {  	[tilespmem:$0x73D0] =	vst v12;
	v29 =	vand.u32 $0x1800, v29;
	v30 =	vand.u32 $0x380, v30  }
0xbe: {  	[tilespmem:$0x74D0] =	vst v12;
	v29 =	vor.u32 v30, v29  }
0xbf: {  	[tilespmem:$0x73E0] =	vst v12;
	v30 =	vor.u32 v0, v29  }
0xc0: {  	[tilespmem:$0x74E0] =	vst v12  }
0xc1: {  	[tilespmem:$0x73F0] =	vst v12  }
0xc2: {  	[tilespmem:$0x74F0] =	vst v12  }
0xc3: {  	v28 =	vld.idx.msk [tilespmem:v28+s9+$0x0], $0xffff  }
0xc4: {  	v31 =	vld.idx.msk [tilespmem:v30+s16+$0x0], $0xffff;
	_ =	sdelay $0x1  }
0xc5: {  	v47 =	vld [tilespmem:$0x7200];
	_ =	sdelay $0x2  }
0xc6: {  	v48 =	vor.u32 v13, v29;
	v31 =	vmul.f32 v31, v28;
	_ =	sdelay $0x1  }
0xc7: {  	v31 =	vadd.f32 v31, v47;
	_ =	sdelay $0x1  }
0xc8: {  	[tilespmem:$0x7200] =	vst v31  }
0xc9: {  	v31 =	vld.idx.msk [tilespmem:v48+s16+$0x0], $0xffff;
	_ =	sdelay $0x1  }
0xca: {  	v49 =	vld [tilespmem:$0x7210];
	_ =	sdelay $0x2  }
0xcb: {  	v34 =	vor.u32 v14, v29;
	v31 =	vmul.f32 v31, v28;
	_ =	sdelay $0x1  }
0xcc: {  	v31 =	vadd.f32 v31, v49;
	_ =	sdelay $0x1  }
0xcd: {  	[tilespmem:$0x7210] =	vst v31  }
0xce: {  	v31 =	vld.idx.msk [tilespmem:v34+s16+$0x0], $0xffff;
	_ =	sdelay $0x1  }
0xcf: {  	v50 =	vld [tilespmem:$0x7220];
	_ =	sdelay $0x2  }
0xd0: {  	v35 =	vor.u32 v15, v29;
	v31 =	vmul.f32 v31, v28;
	_ =	sdelay $0x1  }
0xd1: {  	v31 =	vadd.f32 v31, v50;
	_ =	sdelay $0x1  }
0xd2: {  	[tilespmem:$0x7220] =	vst v31  }
0xd3: {  	v31 =	vld.idx.msk [tilespmem:v35+s16+$0x0], $0xffff;
	_ =	sdelay $0x1  }
0xd4: {  	v51 =	vld [tilespmem:$0x7230];
	_ =	sdelay $0x2  }
0xd5: {  	v36 =	vor.u32 v16, v29;
	v31 =	vmul.f32 v31, v28;
	_ =	sdelay $0x1  }
0xd6: {  	v31 =	vadd.f32 v31, v51;
	_ =	sdelay $0x1  }
0xd7: {  	[tilespmem:$0x7230] =	vst v31  }
0xd8: {  	v31 =	vld.idx.msk [tilespmem:v36+s16+$0x0], $0xffff;
	_ =	sdelay $0x1  }
0xd9: {  	v52 =	vld [tilespmem:$0x7240];
	_ =	sdelay $0x2  }
0xda: {  	v37 =	vor.u32 v17, v29;
	v31 =	vmul.f32 v31, v28;
	_ =	sdelay $0x1  }
0xdb: {  	v31 =	vadd.f32 v31, v52;
	_ =	sdelay $0x1  }
0xdc: {  	[tilespmem:$0x7240] =	vst v31  }
0xdd: {  	v31 =	vld.idx.msk [tilespmem:v37+s16+$0x0], $0xffff;
	_ =	sdelay $0x1  }
0xde: {  	v53 =	vld [tilespmem:$0x7250];
	_ =	sdelay $0x2  }
0xdf: {  	v38 =	vor.u32 v18, v29;
	v31 =	vmul.f32 v31, v28;
	_ =	sdelay $0x1  }
0xe0: {  	v31 =	vadd.f32 v31, v53;
	_ =	sdelay $0x1  }
0xe1: {  	[tilespmem:$0x7250] =	vst v31  }
0xe2: {  	v31 =	vld.idx.msk [tilespmem:v38+s16+$0x0], $0xffff;
	_ =	sdelay $0x1  }
0xe3: {  	v54 =	vld [tilespmem:$0x7260];
	_ =	sdelay $0x2  }
0xe4: {  	v39 =	vor.u32 v19, v29;
	v31 =	vmul.f32 v31, v28;
	_ =	sdelay $0x1  }
0xe5: {  	v31 =	vadd.f32 v31, v54;
	_ =	sdelay $0x1  }
0xe6: {  	[tilespmem:$0x7260] =	vst v31  }
0xe7: {  	v31 =	vld.idx.msk [tilespmem:v39+s16+$0x0], $0xffff;
	_ =	sdelay $0x1  }
0xe8: {  	v55 =	vld [tilespmem:$0x7270];
	_ =	sdelay $0x2  }
0xe9: {  	v40 =	vor.u32 v20, v29;
	v31 =	vmul.f32 v31, v28;
	_ =	sdelay $0x1  }
0xea: {  	v31 =	vadd.f32 v31, v55;
	_ =	sdelay $0x1  }
0xeb: {  	[tilespmem:$0x7270] =	vst v31  }
0xec: {  	v31 =	vld.idx.msk [tilespmem:v40+s16+$0x0], $0xffff;
	_ =	sdelay $0x1  }
0xed: {  	v56 =	vld [tilespmem:$0x7280];
	_ =	sdelay $0x2  }
0xee: {  	v41 =	vor.u32 v21, v29;
	v31 =	vmul.f32 v31, v28;
	_ =	sdelay $0x1  }
0xef: {  	v31 =	vadd.f32 v31, v56;
	_ =	sdelay $0x1  }
0xf0: {  	[tilespmem:$0x7280] =	vst v31  }
0xf1: {  	v31 =	vld.idx.msk [tilespmem:v41+s16+$0x0], $0xffff;
	_ =	sdelay $0x1  }
0xf2: {  	v57 =	vld [tilespmem:$0x7290];
	_ =	sdelay $0x2  }
0xf3: {  	v42 =	vor.u32 v22, v29;
	v31 =	vmul.f32 v31, v28;
	_ =	sdelay $0x1  }
0xf4: {  	v31 =	vadd.f32 v31, v57;
	_ =	sdelay $0x1  }
0xf5: {  	[tilespmem:$0x7290] =	vst v31  }
0xf6: {  	v31 =	vld.idx.msk [tilespmem:v42+s16+$0x0], $0xffff;
	_ =	sdelay $0x1  }
0xf7: {  	v58 =	vld [tilespmem:$0x72A0];
	_ =	sdelay $0x2  }
0xf8: {  	v43 =	vor.u32 v23, v29;
	v31 =	vmul.f32 v31, v28;
	_ =	sdelay $0x1  }
0xf9: {  	v31 =	vadd.f32 v31, v58;
	_ =	sdelay $0x1  }
0xfa: {  	[tilespmem:$0x72A0] =	vst v31  }
0xfb: {  	v31 =	vld.idx.msk [tilespmem:v43+s16+$0x0], $0xffff;
	_ =	sdelay $0x1  }
0xfc: {  	v59 =	vld [tilespmem:$0x72B0];
	_ =	sdelay $0x2  }
0xfd: {  	v31 =	vmul.f32 v31, v28;
	_ =	sdelay $0x1  }
0xfe: {  	v31 =	vadd.f32 v31, v59;
	_ =	sdelay $0x1  }
0xff: {  	[tilespmem:$0x72B0] =	vst v31  }
0x100: {  	v31 =	vld.idx.msk [tilespmem:v30+s20+$0x0], $0xffff;
	_ =	sdelay $0x1  }
0x101: {  	v60 =	vld [tilespmem:$0x7300];
	_ =	sdelay $0x2  }
0x102: {  	v31 =	vmul.f32 v31, v28;
	_ =	sdelay $0x1  }
0x103: {  	v31 =	vadd.f32 v31, v60;
	_ =	sdelay $0x1  }
0x104: {  	[tilespmem:$0x7300] =	vst v31  }
0x105: {  	v30 =	vld.idx.msk [tilespmem:v30+s24+$0x0], $0xffff;
	_ =	sdelay $0x1  }
0x106: {  	v31 =	vld [tilespmem:$0x7400];
	_ =	sdelay $0x2  }
0x107: {  	v30 =	vmul.f32 v30, v28;
	_ =	sdelay $0x1  }
0x108: {  	v30 =	vadd.f32 v30, v31;
	_ =	sdelay $0x1  }
0x109: {  	[tilespmem:$0x7400] =	vst v30  }
0x10a: {  	v30 =	vld.idx.msk [tilespmem:v48+s20+$0x0], $0xffff;
	_ =	sdelay $0x1  }
0x10b: {  	v31 =	vld [tilespmem:$0x7310];
	_ =	sdelay $0x2  }
0x10c: {  	v30 =	vmul.f32 v30, v28;
	_ =	sdelay $0x1  }
0x10d: {  	v30 =	vadd.f32 v30, v31;
	_ =	sdelay $0x1  }
0x10e: {  	[tilespmem:$0x7310] =	vst v30  }
0x10f: {  	v30 =	vld.idx.msk [tilespmem:v48+s24+$0x0], $0xffff;
	_ =	sdelay $0x1  }
0x110: {  	v31 =	vld [tilespmem:$0x7410];
	_ =	sdelay $0x2  }
0x111: {  	v30 =	vmul.f32 v30, v28;
	_ =	sdelay $0x1  }
0x112: {  	v30 =	vadd.f32 v30, v31;
	_ =	sdelay $0x1  }
0x113: {  	[tilespmem:$0x7410] =	vst v30  }
0x114: {  	v30 =	vld.idx.msk [tilespmem:v34+s20+$0x0], $0xffff;
	_ =	sdelay $0x1  }
0x115: {  	v31 =	vld [tilespmem:$0x7320];
	_ =	sdelay $0x2  }
0x116: {  	v30 =	vmul.f32 v30, v28;
	_ =	sdelay $0x1  }
0x117: {  	v30 =	vadd.f32 v30, v31;
	_ =	sdelay $0x1  }
0x118: {  	[tilespmem:$0x7320] =	vst v30  }
0x119: {  	v30 =	vld.idx.msk [tilespmem:v34+s24+$0x0], $0xffff;
	_ =	sdelay $0x1  }
0x11a: {  	v31 =	vld [tilespmem:$0x7420];
	_ =	sdelay $0x2  }
0x11b: {  	v30 =	vmul.f32 v30, v28;
	_ =	sdelay $0x1  }
0x11c: {  	v30 =	vadd.f32 v30, v31;
	_ =	sdelay $0x1  }
0x11d: {  	[tilespmem:$0x7420] =	vst v30  }
0x11e: {  	v30 =	vld.idx.msk [tilespmem:v35+s20+$0x0], $0xffff;
	_ =	sdelay $0x1  }
0x11f: {  	v31 =	vld [tilespmem:$0x7330];
	_ =	sdelay $0x2  }
0x120: {  	v30 =	vmul.f32 v30, v28;
	_ =	sdelay $0x1  }
0x121: {  	v30 =	vadd.f32 v30, v31;
	_ =	sdelay $0x1  }
0x122: {  	[tilespmem:$0x7330] =	vst v30  }
0x123: {  	v30 =	vld.idx.msk [tilespmem:v35+s24+$0x0], $0xffff;
	_ =	sdelay $0x1  }
0x124: {  	v31 =	vld [tilespmem:$0x7430];
	_ =	sdelay $0x2  }
0x125: {  	v30 =	vmul.f32 v30, v28;
	_ =	sdelay $0x1  }
0x126: {  	v30 =	vadd.f32 v30, v31;
	_ =	sdelay $0x1  }
0x127: {  	[tilespmem:$0x7430] =	vst v30  }
0x128: {  	v30 =	vld.idx.msk [tilespmem:v36+s20+$0x0], $0xffff;
	_ =	sdelay $0x1  }
0x129: {  	v31 =	vld [tilespmem:$0x7340];
	_ =	sdelay $0x2  }
0x12a: {  	v30 =	vmul.f32 v30, v28;
	_ =	sdelay $0x1  }
0x12b: {  	v30 =	vadd.f32 v30, v31;
	_ =	sdelay $0x1  }
0x12c: {  	[tilespmem:$0x7340] =	vst v30  }
0x12d: {  	v30 =	vld.idx.msk [tilespmem:v36+s24+$0x0], $0xffff;
	_ =	sdelay $0x1  }
0x12e: {  	v31 =	vld [tilespmem:$0x7440];
	_ =	sdelay $0x2  }
0x12f: {  	v30 =	vmul.f32 v30, v28;
	_ =	sdelay $0x1  }
0x130: {  	v30 =	vadd.f32 v30, v31;
	_ =	sdelay $0x1  }
0x131: {  	[tilespmem:$0x7440] =	vst v30  }
0x132: {  	v30 =	vld.idx.msk [tilespmem:v37+s20+$0x0], $0xffff;
	_ =	sdelay $0x1  }
0x133: {  	v31 =	vld [tilespmem:$0x7350];
	_ =	sdelay $0x2  }
0x134: {  	v30 =	vmul.f32 v30, v28;
	_ =	sdelay $0x1  }
0x135: {  	v30 =	vadd.f32 v30, v31;
	_ =	sdelay $0x1  }
0x136: {  	[tilespmem:$0x7350] =	vst v30  }
0x137: {  	v30 =	vld.idx.msk [tilespmem:v37+s24+$0x0], $0xffff;
	_ =	sdelay $0x1  }
0x138: {  	v31 =	vld [tilespmem:$0x7450];
	_ =	sdelay $0x2  }
0x139: {  	v30 =	vmul.f32 v30, v28;
	_ =	sdelay $0x1  }
0x13a: {  	v30 =	vadd.f32 v30, v31;
	_ =	sdelay $0x1  }
0x13b: {  	[tilespmem:$0x7450] =	vst v30  }
0x13c: {  	v30 =	vld.idx.msk [tilespmem:v38+s20+$0x0], $0xffff;
	_ =	sdelay $0x1  }
0x13d: {  	v31 =	vld [tilespmem:$0x7360];
	_ =	sdelay $0x2  }
0x13e: {  	v30 =	vmul.f32 v30, v28;
	_ =	sdelay $0x1  }
0x13f: {  	v30 =	vadd.f32 v30, v31;
	_ =	sdelay $0x1  }
0x140: {  	[tilespmem:$0x7360] =	vst v30  }
0x141: {  	v30 =	vld.idx.msk [tilespmem:v38+s24+$0x0], $0xffff;
	_ =	sdelay $0x1  }
0x142: {  	v31 =	vld [tilespmem:$0x7460];
	_ =	sdelay $0x2  }
0x143: {  	v30 =	vmul.f32 v30, v28;
	_ =	sdelay $0x1  }
0x144: {  	v30 =	vadd.f32 v30, v31;
	_ =	sdelay $0x1  }
0x145: {  	[tilespmem:$0x7460] =	vst v30  }
0x146: {  	v30 =	vld.idx.msk [tilespmem:v39+s20+$0x0], $0xffff;
	_ =	sdelay $0x1  }
0x147: {  	v31 =	vld [tilespmem:$0x7370];
	_ =	sdelay $0x2  }
0x148: {  	v30 =	vmul.f32 v30, v28;
	_ =	sdelay $0x1  }
0x149: {  	v30 =	vadd.f32 v30, v31;
	_ =	sdelay $0x1  }
0x14a: {  	[tilespmem:$0x7370] =	vst v30  }
0x14b: {  	v30 =	vld.idx.msk [tilespmem:v39+s24+$0x0], $0xffff;
	_ =	sdelay $0x1  }
0x14c: {  	v31 =	vld [tilespmem:$0x7470];
	_ =	sdelay $0x2  }
0x14d: {  	v30 =	vmul.f32 v30, v28;
	_ =	sdelay $0x1  }
0x14e: {  	v30 =	vadd.f32 v30, v31;
	_ =	sdelay $0x1  }
0x14f: {  	[tilespmem:$0x7470] =	vst v30  }
0x150: {  	v30 =	vld.idx.msk [tilespmem:v40+s20+$0x0], $0xffff;
	_ =	sdelay $0x1  }
0x151: {  	v31 =	vld [tilespmem:$0x7380];
	_ =	sdelay $0x2  }
0x152: {  	v30 =	vmul.f32 v30, v28;
	_ =	sdelay $0x1  }
0x153: {  	v30 =	vadd.f32 v30, v31;
	_ =	sdelay $0x1  }
0x154: {  	[tilespmem:$0x7380] =	vst v30  }
0x155: {  	v30 =	vld.idx.msk [tilespmem:v40+s24+$0x0], $0xffff;
	_ =	sdelay $0x1  }
0x156: {  	v31 =	vld [tilespmem:$0x7480];
	_ =	sdelay $0x2  }
0x157: {  	v30 =	vmul.f32 v30, v28;
	_ =	sdelay $0x1  }
0x158: {  	v30 =	vadd.f32 v30, v31;
	_ =	sdelay $0x1  }
0x159: {  	[tilespmem:$0x7480] =	vst v30  }
0x15a: {  	v30 =	vld.idx.msk [tilespmem:v41+s20+$0x0], $0xffff;
	_ =	sdelay $0x1  }
0x15b: {  	v31 =	vld [tilespmem:$0x7390];
	_ =	sdelay $0x2  }
0x15c: {  	v30 =	vmul.f32 v30, v28;
	_ =	sdelay $0x1  }
0x15d: {  	v30 =	vadd.f32 v30, v31;
	_ =	sdelay $0x1  }
0x15e: {  	[tilespmem:$0x7390] =	vst v30  }
0x15f: {  	v30 =	vld.idx.msk [tilespmem:v41+s24+$0x0], $0xffff;
	_ =	sdelay $0x1  }
0x160: {  	v31 =	vld [tilespmem:$0x7490];
	_ =	sdelay $0x2  }
0x161: {  	v30 =	vmul.f32 v30, v28;
	_ =	sdelay $0x1  }
0x162: {  	v30 =	vadd.f32 v30, v31;
	_ =	sdelay $0x1  }
0x163: {  	[tilespmem:$0x7490] =	vst v30  }
0x164: {  	v30 =	vld.idx.msk [tilespmem:v42+s20+$0x0], $0xffff;
	_ =	sdelay $0x1  }
0x165: {  	v31 =	vld [tilespmem:$0x73A0];
	_ =	sdelay $0x2  }
0x166: {  	v30 =	vmul.f32 v30, v28;
	_ =	sdelay $0x1  }
0x167: {  	v30 =	vadd.f32 v30, v31;
	_ =	sdelay $0x1  }
0x168: {  	[tilespmem:$0x73A0] =	vst v30  }
0x169: {  	v30 =	vld.idx.msk [tilespmem:v42+s24+$0x0], $0xffff;
	_ =	sdelay $0x1  }
0x16a: {  	v31 =	vld [tilespmem:$0x74A0];
	_ =	sdelay $0x2  }
0x16b: {  	v30 =	vmul.f32 v30, v28;
	_ =	sdelay $0x1  }
0x16c: {  	v30 =	vadd.f32 v30, v31;
	_ =	sdelay $0x1  }
0x16d: {  	[tilespmem:$0x74A0] =	vst v30  }
0x16e: {  	v30 =	vld.idx.msk [tilespmem:v43+s20+$0x0], $0xffff;
	_ =	sdelay $0x1  }
0x16f: {  	v31 =	vld [tilespmem:$0x73B0];
	_ =	sdelay $0x2  }
0x170: {  	v30 =	vmul.f32 v30, v28;
	_ =	sdelay $0x1  }
0x171: {  	v30 =	vadd.f32 v30, v31;
	_ =	sdelay $0x1  }
0x172: {  	[tilespmem:$0x73B0] =	vst v30  }
0x173: {  	v30 =	vld.idx.msk [tilespmem:v43+s24+$0x0], $0xffff;
	_ =	sdelay $0x1  }
0x174: {  	v31 =	vld [tilespmem:$0x74B0];
	_ =	sdelay $0x2  }
0x175: {  	v61 =	vor.u32 v24, v29;
	v30 =	vmul.f32 v30, v28;
	_ =	sdelay $0x1  }
0x176: {  	v30 =	vadd.f32 v30, v31;
	_ =	sdelay $0x1  }
0x177: {  	[tilespmem:$0x74B0] =	vst v30  }
0x178: {  	v30 =	vld.idx.msk [tilespmem:v61+s20+$0x0], $0xffff;
	_ =	sdelay $0x1  }
0x179: {  	v31 =	vld [tilespmem:$0x73C0];
	_ =	sdelay $0x2  }
0x17a: {  	v30 =	vmul.f32 v30, v28;
	_ =	sdelay $0x1  }
0x17b: {  	v30 =	vadd.f32 v30, v31;
	_ =	sdelay $0x1  }
0x17c: {  	[tilespmem:$0x73C0] =	vst v30  }
0x17d: {  	v30 =	vld.idx.msk [tilespmem:v61+s24+$0x0], $0xffff;
	_ =	sdelay $0x1  }
0x17e: {  	v31 =	vld [tilespmem:$0x74C0];
	_ =	sdelay $0x2  }
0x17f: {  	v62 =	vor.u32 v25, v29;
	v30 =	vmul.f32 v30, v28;
	_ =	sdelay $0x1  }
0x180: {  	v30 =	vadd.f32 v30, v31;
	_ =	sdelay $0x1  }
0x181: {  	[tilespmem:$0x74C0] =	vst v30  }
0x182: {  	v30 =	vld.idx.msk [tilespmem:v62+s20+$0x0], $0xffff;
	_ =	sdelay $0x1  }
0x183: {  	v31 =	vld [tilespmem:$0x73D0];
	_ =	sdelay $0x2  }
0x184: {  	v30 =	vmul.f32 v30, v28;
	_ =	sdelay $0x1  }
0x185: {  	v30 =	vadd.f32 v30, v31;
	_ =	sdelay $0x1  }
0x186: {  	[tilespmem:$0x73D0] =	vst v30  }
0x187: {  	v30 =	vld.idx.msk [tilespmem:v62+s24+$0x0], $0xffff;
	_ =	sdelay $0x1  }
0x188: {  	v31 =	vld [tilespmem:$0x74D0];
	_ =	sdelay $0x2  }
0x189: {  	v63 =	vor.u32 v26, v29;
	v30 =	vmul.f32 v30, v28;
	_ =	sdelay $0x1  }
0x18a: {  	v30 =	vadd.f32 v30, v31;
	_ =	sdelay $0x1  }
0x18b: {  	[tilespmem:$0x74D0] =	vst v30  }
0x18c: {  	v30 =	vld.idx.msk [tilespmem:v63+s20+$0x0], $0xffff;
	_ =	sdelay $0x1  }
0x18d: {  	v31 =	vld [tilespmem:$0x73E0];
	_ =	sdelay $0x2  }
0x18e: {  	v30 =	vmul.f32 v30, v28;
	_ =	sdelay $0x1  }
0x18f: {  	v30 =	vadd.f32 v30, v31;
	_ =	sdelay $0x1  }
0x190: {  	[tilespmem:$0x73E0] =	vst v30  }
0x191: {  	v30 =	vld.idx.msk [tilespmem:v63+s24+$0x0], $0xffff;
	_ =	sdelay $0x1  }
0x192: {  	v31 =	vld [tilespmem:$0x74E0];
	_ =	sdelay $0x2  }
0x193: {  	v29 =	vor.u32 v27, v29;
	v30 =	vmul.f32 v30, v28;
	_ =	sdelay $0x1  }
0x194: {  	v30 =	vadd.f32 v30, v31;
	_ =	sdelay $0x1  }
0x195: {  	[tilespmem:$0x74E0] =	vst v30  }
0x196: {  	v30 =	vld.idx.msk [tilespmem:v29+s20+$0x0], $0xffff;
	_ =	sdelay $0x1  }
0x197: {  	v31 =	vld [tilespmem:$0x73F0];
	_ =	sdelay $0x2  }
0x198: {  	v30 =	vmul.f32 v30, v28;
	_ =	sdelay $0x1  }
0x199: {  	v30 =	vadd.f32 v30, v31;
	_ =	sdelay $0x1  }
0x19a: {  	[tilespmem:$0x73F0] =	vst v30  }
0x19b: {  	v31 =	vld.idx.msk [tilespmem:v29+s24+$0x0], $0xffff  }
0x19c: {  	s22 =	simm.s32 $0x1  }
0x19d: {  	v32 =	vld [tilespmem:$0x74F0];
	s19 =	simm.s32 $0x2;
	v30 =	vmov s22  }
.LBB2_3:
0x19e: {  	p0 =	sne.s32 s19, $0x1F;
	v29 =	vshll.u32 v30, $0x8;
	v33 =	vshll.u32 v30, $0x7  }
0x19f: {  	v29 =	vand.u32 $0x1800, v29;
	v33 =	vand.u32 $0x380, v33  }
0x1a0: {  	v28 =	vmul.f32 v31, v28;
	v29 =	vor.u32 v33, v29  }
0x1a1: {  	v41 =	vor.u32 v0, v29  }
0x1a2: {  	v28 =	vadd.f32 v28, v32;
	_ =	sdelay $0x1  }
0x1a3: {  	[tilespmem:$0x74F0] =	vst v28  }
0x1a4: {  	v28 =	vld.idx.msk [tilespmem:v30+s9+$0x0], $0xffff  }
0x1a5: {  	v30 =	vld.idx.msk [tilespmem:v41+s16+$0x0], $0xffff;
	_ =	sdelay $0x2  }
0x1a6: {  	v31 =	vld [tilespmem:$0x7200];
	_ =	sdelay $0x2  }
0x1a7: {  	v40 =	vor.u32 v13, v29;
	v30 =	vmul.f32 v30, v28;
	_ =	sdelay $0x1  }
0x1a8: {  	v30 =	vadd.f32 v30, v31;
	_ =	sdelay $0x1  }
0x1a9: {  	[tilespmem:$0x7200] =	vst v30  }
0x1aa: {  	v30 =	vld.idx.msk [tilespmem:v40+s16+$0x0], $0xffff;
	_ =	sdelay $0x2  }
0x1ab: {  	v31 =	vld [tilespmem:$0x7210];
	_ =	sdelay $0x2  }
0x1ac: {  	v39 =	vor.u32 v14, v29;
	v30 =	vmul.f32 v30, v28;
	_ =	sdelay $0x1  }
0x1ad: {  	v30 =	vadd.f32 v30, v31;
	_ =	sdelay $0x1  }
0x1ae: {  	[tilespmem:$0x7210] =	vst v30  }
0x1af: {  	v30 =	vld.idx.msk [tilespmem:v39+s16+$0x0], $0xffff;
	_ =	sdelay $0x2  }
0x1b0: {  	v31 =	vld [tilespmem:$0x7220];
	_ =	sdelay $0x2  }
0x1b1: {  	v38 =	vor.u32 v15, v29;
	v30 =	vmul.f32 v30, v28;
	_ =	sdelay $0x1  }
0x1b2: {  	v30 =	vadd.f32 v30, v31;
	_ =	sdelay $0x1  }
0x1b3: {  	[tilespmem:$0x7220] =	vst v30  }
0x1b4: {  	v30 =	vld.idx.msk [tilespmem:v38+s16+$0x0], $0xffff;
	_ =	sdelay $0x2  }
0x1b5: {  	v31 =	vld [tilespmem:$0x7230];
	_ =	sdelay $0x2  }
0x1b6: {  	v37 =	vor.u32 v16, v29;
	v30 =	vmul.f32 v30, v28;
	_ =	sdelay $0x1  }
0x1b7: {  	v30 =	vadd.f32 v30, v31;
	_ =	sdelay $0x1  }
0x1b8: {  	[tilespmem:$0x7230] =	vst v30  }
0x1b9: {  	v30 =	vld.idx.msk [tilespmem:v37+s16+$0x0], $0xffff;
	_ =	sdelay $0x2  }
0x1ba: {  	v31 =	vld [tilespmem:$0x7240];
	_ =	sdelay $0x2  }
0x1bb: {  	v36 =	vor.u32 v17, v29;
	v30 =	vmul.f32 v30, v28;
	_ =	sdelay $0x1  }
0x1bc: {  	v30 =	vadd.f32 v30, v31;
	_ =	sdelay $0x1  }
0x1bd: {  	[tilespmem:$0x7240] =	vst v30  }
0x1be: {  	v30 =	vld.idx.msk [tilespmem:v36+s16+$0x0], $0xffff;
	_ =	sdelay $0x2  }
0x1bf: {  	v31 =	vld [tilespmem:$0x7250];
	_ =	sdelay $0x2  }
0x1c0: {  	v35 =	vor.u32 v18, v29;
	v30 =	vmul.f32 v30, v28;
	_ =	sdelay $0x1  }
0x1c1: {  	v30 =	vadd.f32 v30, v31;
	_ =	sdelay $0x1  }
0x1c2: {  	[tilespmem:$0x7250] =	vst v30  }
0x1c3: {  	v30 =	vld.idx.msk [tilespmem:v35+s16+$0x0], $0xffff;
	_ =	sdelay $0x2  }
0x1c4: {  	v31 =	vld [tilespmem:$0x7260];
	_ =	sdelay $0x2  }
0x1c5: {  	v34 =	vor.u32 v19, v29;
	v30 =	vmul.f32 v30, v28;
	_ =	sdelay $0x1  }
0x1c6: {  	v30 =	vadd.f32 v30, v31;
	_ =	sdelay $0x1  }
0x1c7: {  	[tilespmem:$0x7260] =	vst v30  }
0x1c8: {  	v30 =	vld.idx.msk [tilespmem:v34+s16+$0x0], $0xffff;
	_ =	sdelay $0x2  }
0x1c9: {  	v31 =	vld [tilespmem:$0x7270];
	_ =	sdelay $0x2  }
0x1ca: {  	v33 =	vor.u32 v20, v29;
	v30 =	vmul.f32 v30, v28;
	_ =	sdelay $0x1  }
0x1cb: {  	v30 =	vadd.f32 v30, v31;
	_ =	sdelay $0x1  }
0x1cc: {  	[tilespmem:$0x7270] =	vst v30  }
0x1cd: {  	v30 =	vld.idx.msk [tilespmem:v33+s16+$0x0], $0xffff;
	_ =	sdelay $0x2  }
0x1ce: {  	v31 =	vld [tilespmem:$0x7280];
	_ =	sdelay $0x2  }
0x1cf: {  	v32 =	vor.u32 v21, v29;
	v30 =	vmul.f32 v30, v28;
	_ =	sdelay $0x1  }
0x1d0: {  	v30 =	vadd.f32 v30, v31;
	_ =	sdelay $0x1  }
0x1d1: {  	[tilespmem:$0x7280] =	vst v30  }
0x1d2: {  	v30 =	vld.idx.msk [tilespmem:v32+s16+$0x0], $0xffff;
	_ =	sdelay $0x2  }
0x1d3: {  	v42 =	vld [tilespmem:$0x7290];
	_ =	sdelay $0x2  }
0x1d4: {  	v31 =	vor.u32 v22, v29;
	v30 =	vmul.f32 v30, v28;
	_ =	sdelay $0x1  }
0x1d5: {  	v30 =	vadd.f32 v30, v42;
	_ =	sdelay $0x1  }
0x1d6: {  	[tilespmem:$0x7290] =	vst v30  }
0x1d7: {  	v30 =	vld.idx.msk [tilespmem:v31+s16+$0x0], $0xffff;
	_ =	sdelay $0x2  }
0x1d8: {  	v42 =	vld [tilespmem:$0x72A0];
	_ =	sdelay $0x2  }
0x1d9: {  	v43 =	vmul.f32 v30, v28;
	v30 =	vor.u32 v23, v29;
	_ =	sdelay $0x1  }
0x1da: {  	v42 =	vadd.f32 v43, v42;
	_ =	sdelay $0x1  }
0x1db: {  	[tilespmem:$0x72A0] =	vst v42  }
0x1dc: {  	v42 =	vld.idx.msk [tilespmem:v30+s16+$0x0], $0xffff;
	_ =	sdelay $0x2  }
0x1dd: {  	v43 =	vld [tilespmem:$0x72B0];
	_ =	sdelay $0x2  }
0x1de: {  	v42 =	vmul.f32 v42, v28;
	_ =	sdelay $0x1  }
0x1df: {  	v42 =	vadd.f32 v42, v43;
	_ =	sdelay $0x1  }
0x1e0: {  	[tilespmem:$0x72B0] =	vst v42  }
0x1e1: {  	v42 =	vld.idx.msk [tilespmem:v41+s20+$0x0], $0xffff;
	_ =	sdelay $0x2  }
0x1e2: {  	v43 =	vld [tilespmem:$0x7300];
	_ =	sdelay $0x2  }
0x1e3: {  	v42 =	vmul.f32 v42, v28;
	_ =	sdelay $0x1  }
0x1e4: {  	v42 =	vadd.f32 v42, v43;
	_ =	sdelay $0x1  }
0x1e5: {  	[tilespmem:$0x7300] =	vst v42  }
0x1e6: {  	v41 =	vld.idx.msk [tilespmem:v41+s24+$0x0], $0xffff;
	_ =	sdelay $0x2  }
0x1e7: {  	v42 =	vld [tilespmem:$0x7400];
	_ =	sdelay $0x2  }
0x1e8: {  	v41 =	vmul.f32 v41, v28;
	_ =	sdelay $0x1  }
0x1e9: {  	v41 =	vadd.f32 v41, v42;
	_ =	sdelay $0x1  }
0x1ea: {  	[tilespmem:$0x7400] =	vst v41  }
0x1eb: {  	v41 =	vld.idx.msk [tilespmem:v40+s20+$0x0], $0xffff;
	_ =	sdelay $0x2  }
0x1ec: {  	v42 =	vld [tilespmem:$0x7310];
	_ =	sdelay $0x2  }
0x1ed: {  	v41 =	vmul.f32 v41, v28;
	_ =	sdelay $0x1  }
0x1ee: {  	v41 =	vadd.f32 v41, v42;
	_ =	sdelay $0x1  }
0x1ef: {  	[tilespmem:$0x7310] =	vst v41  }
0x1f0: {  	v40 =	vld.idx.msk [tilespmem:v40+s24+$0x0], $0xffff;
	_ =	sdelay $0x2  }
0x1f1: {  	v41 =	vld [tilespmem:$0x7410];
	_ =	sdelay $0x2  }
0x1f2: {  	v40 =	vmul.f32 v40, v28;
	_ =	sdelay $0x1  }
0x1f3: {  	v40 =	vadd.f32 v40, v41;
	_ =	sdelay $0x1  }
0x1f4: {  	[tilespmem:$0x7410] =	vst v40  }
0x1f5: {  	v40 =	vld.idx.msk [tilespmem:v39+s20+$0x0], $0xffff;
	_ =	sdelay $0x2  }
0x1f6: {  	v41 =	vld [tilespmem:$0x7320];
	_ =	sdelay $0x2  }
0x1f7: {  	v40 =	vmul.f32 v40, v28;
	_ =	sdelay $0x1  }
0x1f8: {  	v40 =	vadd.f32 v40, v41;
	_ =	sdelay $0x1  }
0x1f9: {  	[tilespmem:$0x7320] =	vst v40  }
0x1fa: {  	v39 =	vld.idx.msk [tilespmem:v39+s24+$0x0], $0xffff;
	_ =	sdelay $0x2  }
0x1fb: {  	v40 =	vld [tilespmem:$0x7420];
	_ =	sdelay $0x2  }
0x1fc: {  	v39 =	vmul.f32 v39, v28;
	_ =	sdelay $0x1  }
0x1fd: {  	v39 =	vadd.f32 v39, v40;
	_ =	sdelay $0x1  }
0x1fe: {  	[tilespmem:$0x7420] =	vst v39  }
0x1ff: {  	v39 =	vld.idx.msk [tilespmem:v38+s20+$0x0], $0xffff;
	_ =	sdelay $0x2  }
0x200: {  	v40 =	vld [tilespmem:$0x7330];
	_ =	sdelay $0x2  }
0x201: {  	v39 =	vmul.f32 v39, v28;
	_ =	sdelay $0x1  }
0x202: {  	v39 =	vadd.f32 v39, v40;
	_ =	sdelay $0x1  }
0x203: {  	[tilespmem:$0x7330] =	vst v39  }
0x204: {  	v38 =	vld.idx.msk [tilespmem:v38+s24+$0x0], $0xffff;
	_ =	sdelay $0x2  }
0x205: {  	v39 =	vld [tilespmem:$0x7430];
	_ =	sdelay $0x2  }
0x206: {  	v38 =	vmul.f32 v38, v28;
	_ =	sdelay $0x1  }
0x207: {  	v38 =	vadd.f32 v38, v39;
	_ =	sdelay $0x1  }
0x208: {  	[tilespmem:$0x7430] =	vst v38  }
0x209: {  	v38 =	vld.idx.msk [tilespmem:v37+s20+$0x0], $0xffff;
	_ =	sdelay $0x2  }
0x20a: {  	v39 =	vld [tilespmem:$0x7340];
	_ =	sdelay $0x2  }
0x20b: {  	v38 =	vmul.f32 v38, v28;
	_ =	sdelay $0x1  }
0x20c: {  	v38 =	vadd.f32 v38, v39;
	_ =	sdelay $0x1  }
0x20d: {  	[tilespmem:$0x7340] =	vst v38  }
0x20e: {  	v37 =	vld.idx.msk [tilespmem:v37+s24+$0x0], $0xffff;
	_ =	sdelay $0x2  }
0x20f: {  	v38 =	vld [tilespmem:$0x7440];
	_ =	sdelay $0x2  }
0x210: {  	v37 =	vmul.f32 v37, v28;
	_ =	sdelay $0x1  }
0x211: {  	v37 =	vadd.f32 v37, v38;
	_ =	sdelay $0x1  }
0x212: {  	[tilespmem:$0x7440] =	vst v37  }
0x213: {  	v37 =	vld.idx.msk [tilespmem:v36+s20+$0x0], $0xffff;
	_ =	sdelay $0x2  }
0x214: {  	v38 =	vld [tilespmem:$0x7350];
	_ =	sdelay $0x2  }
0x215: {  	v37 =	vmul.f32 v37, v28;
	_ =	sdelay $0x1  }
0x216: {  	v37 =	vadd.f32 v37, v38;
	_ =	sdelay $0x1  }
0x217: {  	[tilespmem:$0x7350] =	vst v37  }
0x218: {  	v36 =	vld.idx.msk [tilespmem:v36+s24+$0x0], $0xffff;
	_ =	sdelay $0x2  }
0x219: {  	v37 =	vld [tilespmem:$0x7450];
	_ =	sdelay $0x2  }
0x21a: {  	v36 =	vmul.f32 v36, v28;
	_ =	sdelay $0x1  }
0x21b: {  	v36 =	vadd.f32 v36, v37;
	_ =	sdelay $0x1  }
0x21c: {  	[tilespmem:$0x7450] =	vst v36  }
0x21d: {  	v36 =	vld.idx.msk [tilespmem:v35+s20+$0x0], $0xffff;
	_ =	sdelay $0x2  }
0x21e: {  	v37 =	vld [tilespmem:$0x7360];
	_ =	sdelay $0x2  }
0x21f: {  	v36 =	vmul.f32 v36, v28;
	_ =	sdelay $0x1  }
0x220: {  	v36 =	vadd.f32 v36, v37;
	_ =	sdelay $0x1  }
0x221: {  	[tilespmem:$0x7360] =	vst v36  }
0x222: {  	v35 =	vld.idx.msk [tilespmem:v35+s24+$0x0], $0xffff;
	_ =	sdelay $0x2  }
0x223: {  	v36 =	vld [tilespmem:$0x7460];
	_ =	sdelay $0x2  }
0x224: {  	v35 =	vmul.f32 v35, v28;
	_ =	sdelay $0x1  }
0x225: {  	v35 =	vadd.f32 v35, v36;
	_ =	sdelay $0x1  }
0x226: {  	[tilespmem:$0x7460] =	vst v35  }
0x227: {  	v35 =	vld.idx.msk [tilespmem:v34+s20+$0x0], $0xffff;
	_ =	sdelay $0x2  }
0x228: {  	v36 =	vld [tilespmem:$0x7370];
	_ =	sdelay $0x2  }
0x229: {  	v35 =	vmul.f32 v35, v28;
	_ =	sdelay $0x1  }
0x22a: {  	v35 =	vadd.f32 v35, v36;
	_ =	sdelay $0x1  }
0x22b: {  	[tilespmem:$0x7370] =	vst v35  }
0x22c: {  	v34 =	vld.idx.msk [tilespmem:v34+s24+$0x0], $0xffff;
	_ =	sdelay $0x2  }
0x22d: {  	v35 =	vld [tilespmem:$0x7470];
	_ =	sdelay $0x2  }
0x22e: {  	v34 =	vmul.f32 v34, v28;
	_ =	sdelay $0x1  }
0x22f: {  	v34 =	vadd.f32 v34, v35;
	_ =	sdelay $0x1  }
0x230: {  	[tilespmem:$0x7470] =	vst v34  }
0x231: {  	v34 =	vld.idx.msk [tilespmem:v33+s20+$0x0], $0xffff;
	_ =	sdelay $0x2  }
0x232: {  	v35 =	vld [tilespmem:$0x7380];
	_ =	sdelay $0x2  }
0x233: {  	v34 =	vmul.f32 v34, v28;
	_ =	sdelay $0x1  }
0x234: {  	v34 =	vadd.f32 v34, v35;
	_ =	sdelay $0x1  }
0x235: {  	[tilespmem:$0x7380] =	vst v34  }
0x236: {  	v33 =	vld.idx.msk [tilespmem:v33+s24+$0x0], $0xffff;
	_ =	sdelay $0x2  }
0x237: {  	v34 =	vld [tilespmem:$0x7480];
	_ =	sdelay $0x2  }
0x238: {  	v33 =	vmul.f32 v33, v28;
	_ =	sdelay $0x1  }
0x239: {  	v33 =	vadd.f32 v33, v34;
	_ =	sdelay $0x1  }
0x23a: {  	[tilespmem:$0x7480] =	vst v33  }
0x23b: {  	v33 =	vld.idx.msk [tilespmem:v32+s20+$0x0], $0xffff;
	_ =	sdelay $0x2  }
0x23c: {  	v34 =	vld [tilespmem:$0x7390];
	_ =	sdelay $0x2  }
0x23d: {  	v33 =	vmul.f32 v33, v28;
	_ =	sdelay $0x1  }
0x23e: {  	v33 =	vadd.f32 v33, v34;
	_ =	sdelay $0x1  }
0x23f: {  	[tilespmem:$0x7390] =	vst v33  }
0x240: {  	v32 =	vld.idx.msk [tilespmem:v32+s24+$0x0], $0xffff;
	_ =	sdelay $0x2  }
0x241: {  	v33 =	vld [tilespmem:$0x7490];
	_ =	sdelay $0x2  }
0x242: {  	v32 =	vmul.f32 v32, v28;
	_ =	sdelay $0x1  }
0x243: {  	v32 =	vadd.f32 v32, v33;
	_ =	sdelay $0x1  }
0x244: {  	[tilespmem:$0x7490] =	vst v32  }
0x245: {  	v32 =	vld.idx.msk [tilespmem:v31+s20+$0x0], $0xffff;
	_ =	sdelay $0x2  }
0x246: {  	v33 =	vld [tilespmem:$0x73A0];
	_ =	sdelay $0x2  }
0x247: {  	v32 =	vmul.f32 v32, v28;
	_ =	sdelay $0x1  }
0x248: {  	v32 =	vadd.f32 v32, v33;
	_ =	sdelay $0x1  }
0x249: {  	[tilespmem:$0x73A0] =	vst v32  }
0x24a: {  	v31 =	vld.idx.msk [tilespmem:v31+s24+$0x0], $0xffff;
	_ =	sdelay $0x2  }
0x24b: {  	v32 =	vld [tilespmem:$0x74A0];
	_ =	sdelay $0x2  }
0x24c: {  	v31 =	vmul.f32 v31, v28;
	_ =	sdelay $0x1  }
0x24d: {  	v31 =	vadd.f32 v31, v32;
	_ =	sdelay $0x1  }
0x24e: {  	[tilespmem:$0x74A0] =	vst v31  }
0x24f: {  	v31 =	vld.idx.msk [tilespmem:v30+s20+$0x0], $0xffff;
	_ =	sdelay $0x2  }
0x250: {  	v32 =	vld [tilespmem:$0x73B0];
	_ =	sdelay $0x2  }
0x251: {  	v31 =	vmul.f32 v31, v28;
	_ =	sdelay $0x1  }
0x252: {  	v31 =	vadd.f32 v31, v32;
	_ =	sdelay $0x1  }
0x253: {  	[tilespmem:$0x73B0] =	vst v31  }
0x254: {  	v30 =	vld.idx.msk [tilespmem:v30+s24+$0x0], $0xffff;
	_ =	sdelay $0x2  }
0x255: {  	v31 =	vld [tilespmem:$0x74B0];
	_ =	sdelay $0x2  }
0x256: {  	v32 =	vor.u32 v24, v29;
	v30 =	vmul.f32 v30, v28;
	_ =	sdelay $0x1  }
0x257: {  	v30 =	vadd.f32 v30, v31;
	_ =	sdelay $0x1  }
0x258: {  	[tilespmem:$0x74B0] =	vst v30  }
0x259: {  	v30 =	vld.idx.msk [tilespmem:v32+s20+$0x0], $0xffff;
	_ =	sdelay $0x2  }
0x25a: {  	v31 =	vld [tilespmem:$0x73C0];
	_ =	sdelay $0x2  }
0x25b: {  	v30 =	vmul.f32 v30, v28;
	_ =	sdelay $0x1  }
0x25c: {  	v30 =	vadd.f32 v30, v31;
	_ =	sdelay $0x1  }
0x25d: {  	[tilespmem:$0x73C0] =	vst v30  }
0x25e: {  	v30 =	vld.idx.msk [tilespmem:v32+s24+$0x0], $0xffff;
	_ =	sdelay $0x2  }
0x25f: {  	v31 =	vld [tilespmem:$0x74C0];
	_ =	sdelay $0x2  }
0x260: {  	v32 =	vor.u32 v25, v29;
	v30 =	vmul.f32 v30, v28;
	_ =	sdelay $0x1  }
0x261: {  	v30 =	vadd.f32 v30, v31;
	_ =	sdelay $0x1  }
0x262: {  	[tilespmem:$0x74C0] =	vst v30  }
0x263: {  	v30 =	vld.idx.msk [tilespmem:v32+s20+$0x0], $0xffff;
	_ =	sdelay $0x2  }
0x264: {  	v31 =	vld [tilespmem:$0x73D0];
	_ =	sdelay $0x2  }
0x265: {  	v30 =	vmul.f32 v30, v28;
	_ =	sdelay $0x1  }
0x266: {  	v30 =	vadd.f32 v30, v31;
	_ =	sdelay $0x1  }
0x267: {  	[tilespmem:$0x73D0] =	vst v30  }
0x268: {  	v30 =	vld.idx.msk [tilespmem:v32+s24+$0x0], $0xffff;
	_ =	sdelay $0x2  }
0x269: {  	v31 =	vld [tilespmem:$0x74D0];
	_ =	sdelay $0x2  }
0x26a: {  	v32 =	vor.u32 v26, v29;
	v30 =	vmul.f32 v30, v28;
	_ =	sdelay $0x1  }
0x26b: {  	v30 =	vadd.f32 v30, v31;
	_ =	sdelay $0x1  }
0x26c: {  	[tilespmem:$0x74D0] =	vst v30  }
0x26d: {  	v30 =	vld.idx.msk [tilespmem:v32+s20+$0x0], $0xffff;
	_ =	sdelay $0x2  }
0x26e: {  	v31 =	vld [tilespmem:$0x73E0];
	_ =	sdelay $0x2  }
0x26f: {  	v30 =	vmul.f32 v30, v28;
	_ =	sdelay $0x1  }
0x270: {  	v30 =	vadd.f32 v30, v31;
	_ =	sdelay $0x1  }
0x271: {  	[tilespmem:$0x73E0] =	vst v30  }
0x272: {  	v30 =	vld.idx.msk [tilespmem:v32+s24+$0x0], $0xffff;
	_ =	sdelay $0x2  }
0x273: {  	v31 =	vld [tilespmem:$0x74E0];
	_ =	sdelay $0x2  }
0x274: {  	v29 =	vor.u32 v27, v29;
	v30 =	vmul.f32 v30, v28;
	_ =	sdelay $0x1  }
0x275: {  	v30 =	vadd.f32 v30, v31;
	_ =	sdelay $0x1  }
0x276: {  	[tilespmem:$0x74E0] =	vst v30  }
0x277: {  	v30 =	vld.idx.msk [tilespmem:v29+s20+$0x0], $0xffff;
	_ =	sdelay $0x2  }
0x278: {  	v31 =	vld [tilespmem:$0x73F0];
	_ =	sdelay $0x2  }
0x279: {  	v30 =	vmul.f32 v30, v28;
	_ =	sdelay $0x1  }
0x27a: {  	v30 =	vadd.f32 v30, v31;
	_ =	sdelay $0x1  }
.Ltmp0:
0x27b: {  	[tilespmem:$0x73F0] =	vst v30;
	(pc) =	sbr.rel @p0 .LBB2_3-.Ltmp0, $2  }
0x27c: {  	v31 =	vld.idx.msk [tilespmem:v29+s24+$0x0], $0xffff;
	_ =	sdelay $0x2  }
0x27d: {  	v30 =	vmov s19;
	s19 =	sadd.s32 $0x1, s19;
	v32 =	vld [tilespmem:$0x74F0]  }
0x27e: {  	v29 =	vshll.u32 v30, $0x8;
	v33 =	vshll.u32 v30, $0x7  }
0x27f: {  	v29 =	vand.u32 $0x1800, v29;
	v33 =	vand.u32 $0x380, v33  }
0x280: {  	v28 =	vmul.f32 v31, v28;
	v29 =	vor.u32 v33, v29  }
0x281: {  	v63 =	vor.u32 v0, v29  }
0x282: {  	v28 =	vadd.f32 v28, v32;
	_ =	sdelay $0x1  }
0x283: {  	[tilespmem:$0x74F0] =	vst v28  }
0x284: {  	v28 =	vld.idx.msk [tilespmem:v30+s9+$0x0], $0xffff  }
0x285: {  	v42 =	vld.idx.msk [tilespmem:v63+s16+$0x0], $0xffff;
	_ =	sdelay $0x1  }
0x286: {  	v43 =	vld [tilespmem:$0x7200];
	_ =	sdelay $0x2  }
0x287: {  	v33 =	vor.u32 v13, v29;
	v30 =	vmul.f32 v42, v28;
	_ =	sdelay $0x1  }
0x288: {  	v30 =	vadd.f32 v30, v43;
	_ =	sdelay $0x1  }
0x289: {  	[tilespmem:$0x7200] =	vst v30  }
0x28a: {  	v30 =	vld.idx.msk [tilespmem:v33+s16+$0x0], $0xffff;
	_ =	sdelay $0x1  }
0x28b: {  	v44 =	vld [tilespmem:$0x7210];
	_ =	sdelay $0x2  }
0x28c: {  	v34 =	vor.u32 v14, v29;
	v30 =	vmul.f32 v30, v28;
	_ =	sdelay $0x1  }
0x28d: {  	v30 =	vadd.f32 v30, v44;
	_ =	sdelay $0x1  }
0x28e: {  	[tilespmem:$0x7210] =	vst v30  }
0x28f: {  	v30 =	vld.idx.msk [tilespmem:v34+s16+$0x0], $0xffff;
	_ =	sdelay $0x1  }
0x290: {  	v45 =	vld [tilespmem:$0x7220];
	_ =	sdelay $0x2  }
0x291: {  	v35 =	vor.u32 v15, v29;
	v30 =	vmul.f32 v30, v28;
	_ =	sdelay $0x1  }
0x292: {  	v30 =	vadd.f32 v30, v45;
	_ =	sdelay $0x1  }
0x293: {  	[tilespmem:$0x7220] =	vst v30  }
0x294: {  	v30 =	vld.idx.msk [tilespmem:v35+s16+$0x0], $0xffff;
	_ =	sdelay $0x1  }
0x295: {  	v46 =	vld [tilespmem:$0x7230];
	_ =	sdelay $0x2  }
0x296: {  	v36 =	vor.u32 v16, v29;
	v30 =	vmul.f32 v30, v28;
	_ =	sdelay $0x1  }
0x297: {  	v30 =	vadd.f32 v30, v46;
	_ =	sdelay $0x1  }
0x298: {  	[tilespmem:$0x7230] =	vst v30  }
0x299: {  	v30 =	vld.idx.msk [tilespmem:v36+s16+$0x0], $0xffff;
	_ =	sdelay $0x1  }
0x29a: {  	v47 =	vld [tilespmem:$0x7240];
	_ =	sdelay $0x2  }
0x29b: {  	v37 =	vor.u32 v17, v29;
	v30 =	vmul.f32 v30, v28;
	_ =	sdelay $0x1  }
0x29c: {  	v30 =	vadd.f32 v30, v47;
	_ =	sdelay $0x1  }
0x29d: {  	[tilespmem:$0x7240] =	vst v30  }
0x29e: {  	v30 =	vld.idx.msk [tilespmem:v37+s16+$0x0], $0xffff;
	_ =	sdelay $0x1  }
0x29f: {  	v48 =	vld [tilespmem:$0x7250];
	_ =	sdelay $0x2  }
0x2a0: {  	v38 =	vor.u32 v18, v29;
	v30 =	vmul.f32 v30, v28;
	_ =	sdelay $0x1  }
0x2a1: {  	v30 =	vadd.f32 v30, v48;
	_ =	sdelay $0x1  }
0x2a2: {  	[tilespmem:$0x7250] =	vst v30  }
0x2a3: {  	v30 =	vld.idx.msk [tilespmem:v38+s16+$0x0], $0xffff;
	_ =	sdelay $0x1  }
0x2a4: {  	v49 =	vld [tilespmem:$0x7260];
	_ =	sdelay $0x2  }
0x2a5: {  	v39 =	vor.u32 v19, v29;
	v30 =	vmul.f32 v30, v28;
	_ =	sdelay $0x1  }
0x2a6: {  	v30 =	vadd.f32 v30, v49;
	_ =	sdelay $0x1  }
0x2a7: {  	[tilespmem:$0x7260] =	vst v30  }
0x2a8: {  	v30 =	vld.idx.msk [tilespmem:v39+s16+$0x0], $0xffff;
	_ =	sdelay $0x1  }
0x2a9: {  	v50 =	vld [tilespmem:$0x7270];
	_ =	sdelay $0x2  }
0x2aa: {  	v40 =	vor.u32 v20, v29;
	v30 =	vmul.f32 v30, v28;
	_ =	sdelay $0x1  }
0x2ab: {  	v30 =	vadd.f32 v30, v50;
	_ =	sdelay $0x1  }
0x2ac: {  	[tilespmem:$0x7270] =	vst v30  }
0x2ad: {  	v30 =	vld.idx.msk [tilespmem:v40+s16+$0x0], $0xffff;
	_ =	sdelay $0x1  }
0x2ae: {  	v51 =	vld [tilespmem:$0x7280];
	_ =	sdelay $0x2  }
0x2af: {  	v41 =	vor.u32 v21, v29;
	v30 =	vmul.f32 v30, v28;
	_ =	sdelay $0x1  }
0x2b0: {  	v30 =	vadd.f32 v30, v51;
	_ =	sdelay $0x1  }
0x2b1: {  	[tilespmem:$0x7280] =	vst v30  }
0x2b2: {  	v30 =	vld.idx.msk [tilespmem:v41+s16+$0x0], $0xffff;
	_ =	sdelay $0x1  }
0x2b3: {  	v52 =	vld [tilespmem:$0x7290];
	_ =	sdelay $0x2  }
0x2b4: {  	v42 =	vor.u32 v22, v29;
	v30 =	vmul.f32 v30, v28;
	_ =	sdelay $0x1  }
0x2b5: {  	v30 =	vadd.f32 v30, v52;
	_ =	sdelay $0x1  }
0x2b6: {  	[tilespmem:$0x7290] =	vst v30  }
0x2b7: {  	v30 =	vld.idx.msk [tilespmem:v42+s16+$0x0], $0xffff;
	_ =	sdelay $0x1  }
0x2b8: {  	v53 =	vld [tilespmem:$0x72A0];
	_ =	sdelay $0x2  }
0x2b9: {  	v43 =	vor.u32 v23, v29;
	v30 =	vmul.f32 v30, v28;
	_ =	sdelay $0x1  }
0x2ba: {  	v30 =	vadd.f32 v30, v53;
	_ =	sdelay $0x1  }
0x2bb: {  	[tilespmem:$0x72A0] =	vst v30  }
0x2bc: {  	v30 =	vld.idx.msk [tilespmem:v43+s16+$0x0], $0xffff;
	_ =	sdelay $0x1  }
0x2bd: {  	v54 =	vld [tilespmem:$0x72B0];
	_ =	sdelay $0x2  }
0x2be: {  	v30 =	vmul.f32 v30, v28;
	_ =	sdelay $0x1  }
0x2bf: {  	v30 =	vadd.f32 v30, v54;
	_ =	sdelay $0x1  }
0x2c0: {  	[tilespmem:$0x72B0] =	vst v30  }
0x2c1: {  	v30 =	vld.idx.msk [tilespmem:v63+s20+$0x0], $0xffff;
	_ =	sdelay $0x1  }
0x2c2: {  	v55 =	vld [tilespmem:$0x7300];
	_ =	sdelay $0x2  }
0x2c3: {  	v30 =	vmul.f32 v30, v28;
	_ =	sdelay $0x1  }
0x2c4: {  	v30 =	vadd.f32 v30, v55;
	_ =	sdelay $0x1  }
0x2c5: {  	[tilespmem:$0x7300] =	vst v30  }
0x2c6: {  	v30 =	vld.idx.msk [tilespmem:v63+s24+$0x0], $0xffff;
	_ =	sdelay $0x1  }
0x2c7: {  	v56 =	vld [tilespmem:$0x7400];
	_ =	sdelay $0x2  }
0x2c8: {  	v30 =	vmul.f32 v30, v28;
	_ =	sdelay $0x1  }
0x2c9: {  	v30 =	vadd.f32 v30, v56;
	_ =	sdelay $0x1  }
0x2ca: {  	[tilespmem:$0x7400] =	vst v30  }
0x2cb: {  	v30 =	vld.idx.msk [tilespmem:v33+s20+$0x0], $0xffff;
	_ =	sdelay $0x1  }
0x2cc: {  	v57 =	vld [tilespmem:$0x7310];
	_ =	sdelay $0x2  }
0x2cd: {  	v30 =	vmul.f32 v30, v28;
	_ =	sdelay $0x1  }
0x2ce: {  	v30 =	vadd.f32 v30, v57;
	_ =	sdelay $0x1  }
0x2cf: {  	[tilespmem:$0x7310] =	vst v30  }
0x2d0: {  	v30 =	vld.idx.msk [tilespmem:v33+s24+$0x0], $0xffff;
	_ =	sdelay $0x1  }
0x2d1: {  	v58 =	vld [tilespmem:$0x7410];
	_ =	sdelay $0x2  }
0x2d2: {  	v30 =	vmul.f32 v30, v28;
	_ =	sdelay $0x1  }
0x2d3: {  	v30 =	vadd.f32 v30, v58;
	_ =	sdelay $0x1  }
0x2d4: {  	[tilespmem:$0x7410] =	vst v30  }
0x2d5: {  	v30 =	vld.idx.msk [tilespmem:v34+s20+$0x0], $0xffff;
	_ =	sdelay $0x1  }
0x2d6: {  	v59 =	vld [tilespmem:$0x7320];
	_ =	sdelay $0x2  }
0x2d7: {  	v30 =	vmul.f32 v30, v28;
	_ =	sdelay $0x1  }
0x2d8: {  	v30 =	vadd.f32 v30, v59;
	_ =	sdelay $0x1  }
0x2d9: {  	[tilespmem:$0x7320] =	vst v30  }
0x2da: {  	v30 =	vld.idx.msk [tilespmem:v34+s24+$0x0], $0xffff;
	_ =	sdelay $0x1  }
0x2db: {  	v60 =	vld [tilespmem:$0x7420];
	_ =	sdelay $0x2  }
0x2dc: {  	v30 =	vmul.f32 v30, v28;
	_ =	sdelay $0x1  }
0x2dd: {  	v30 =	vadd.f32 v30, v60;
	_ =	sdelay $0x1  }
0x2de: {  	[tilespmem:$0x7420] =	vst v30  }
0x2df: {  	v30 =	vld.idx.msk [tilespmem:v35+s20+$0x0], $0xffff;
	_ =	sdelay $0x1  }
0x2e0: {  	v61 =	vld [tilespmem:$0x7330];
	_ =	sdelay $0x2  }
0x2e1: {  	v30 =	vmul.f32 v30, v28;
	_ =	sdelay $0x1  }
0x2e2: {  	v30 =	vadd.f32 v30, v61;
	_ =	sdelay $0x1  }
0x2e3: {  	[tilespmem:$0x7330] =	vst v30  }
0x2e4: {  	v30 =	vld.idx.msk [tilespmem:v35+s24+$0x0], $0xffff;
	_ =	sdelay $0x1  }
0x2e5: {  	v62 =	vld [tilespmem:$0x7430];
	_ =	sdelay $0x2  }
0x2e6: {  	v30 =	vmul.f32 v30, v28;
	_ =	sdelay $0x1  }
0x2e7: {  	v30 =	vadd.f32 v30, v62;
	_ =	sdelay $0x1  }
0x2e8: {  	[tilespmem:$0x7430] =	vst v30  }
0x2e9: {  	v30 =	vld.idx.msk [tilespmem:v36+s20+$0x0], $0xffff;
	_ =	sdelay $0x1  }
0x2ea: {  	v63 =	vld [tilespmem:$0x7340];
	_ =	sdelay $0x2  }
0x2eb: {  	v30 =	vmul.f32 v30, v28;
	_ =	sdelay $0x1  }
0x2ec: {  	v30 =	vadd.f32 v30, v63;
	_ =	sdelay $0x1  }
0x2ed: {  	[tilespmem:$0x7340] =	vst v30  }
0x2ee: {  	v30 =	vld.idx.msk [tilespmem:v36+s24+$0x0], $0xffff;
	_ =	sdelay $0x1  }
0x2ef: {  	v33 =	vld [tilespmem:$0x7440];
	_ =	sdelay $0x2  }
0x2f0: {  	v30 =	vmul.f32 v30, v28;
	_ =	sdelay $0x1  }
0x2f1: {  	v30 =	vadd.f32 v30, v33;
	_ =	sdelay $0x1  }
0x2f2: {  	[tilespmem:$0x7440] =	vst v30  }
0x2f3: {  	v30 =	vld.idx.msk [tilespmem:v37+s20+$0x0], $0xffff;
	_ =	sdelay $0x1  }
0x2f4: {  	v34 =	vld [tilespmem:$0x7350];
	_ =	sdelay $0x2  }
0x2f5: {  	v30 =	vmul.f32 v30, v28;
	_ =	sdelay $0x1  }
0x2f6: {  	v30 =	vadd.f32 v30, v34;
	_ =	sdelay $0x1  }
0x2f7: {  	[tilespmem:$0x7350] =	vst v30  }
0x2f8: {  	v30 =	vld.idx.msk [tilespmem:v37+s24+$0x0], $0xffff;
	_ =	sdelay $0x1  }
0x2f9: {  	v35 =	vld [tilespmem:$0x7450];
	_ =	sdelay $0x2  }
0x2fa: {  	v30 =	vmul.f32 v30, v28;
	_ =	sdelay $0x1  }
0x2fb: {  	v30 =	vadd.f32 v30, v35;
	_ =	sdelay $0x1  }
0x2fc: {  	[tilespmem:$0x7450] =	vst v30  }
0x2fd: {  	v30 =	vld.idx.msk [tilespmem:v38+s20+$0x0], $0xffff;
	_ =	sdelay $0x1  }
0x2fe: {  	v36 =	vld [tilespmem:$0x7360];
	_ =	sdelay $0x2  }
0x2ff: {  	v30 =	vmul.f32 v30, v28;
	_ =	sdelay $0x1  }
0x300: {  	v30 =	vadd.f32 v30, v36;
	_ =	sdelay $0x1  }
0x301: {  	[tilespmem:$0x7360] =	vst v30  }
0x302: {  	v30 =	vld.idx.msk [tilespmem:v38+s24+$0x0], $0xffff;
	_ =	sdelay $0x1  }
0x303: {  	v37 =	vld [tilespmem:$0x7460];
	_ =	sdelay $0x2  }
0x304: {  	v30 =	vmul.f32 v30, v28;
	_ =	sdelay $0x1  }
0x305: {  	v30 =	vadd.f32 v30, v37;
	_ =	sdelay $0x1  }
0x306: {  	[tilespmem:$0x7460] =	vst v30  }
0x307: {  	v30 =	vld.idx.msk [tilespmem:v39+s20+$0x0], $0xffff;
	_ =	sdelay $0x1  }
0x308: {  	v38 =	vld [tilespmem:$0x7370];
	_ =	sdelay $0x2  }
0x309: {  	v30 =	vmul.f32 v30, v28;
	_ =	sdelay $0x1  }
0x30a: {  	v30 =	vadd.f32 v30, v38;
	_ =	sdelay $0x1  }
0x30b: {  	[tilespmem:$0x7370] =	vst v30  }
0x30c: {  	v30 =	vld.idx.msk [tilespmem:v39+s24+$0x0], $0xffff;
	_ =	sdelay $0x1  }
0x30d: {  	v44 =	vld [tilespmem:$0x7470];
	_ =	sdelay $0x2  }
0x30e: {  	v30 =	vmul.f32 v30, v28;
	_ =	sdelay $0x1  }
0x30f: {  	v30 =	vadd.f32 v30, v44;
	_ =	sdelay $0x1  }
0x310: {  	[tilespmem:$0x7470] =	vst v30  }
0x311: {  	v30 =	vld.idx.msk [tilespmem:v40+s20+$0x0], $0xffff;
	_ =	sdelay $0x1  }
0x312: {  	v45 =	vld [tilespmem:$0x7380];
	_ =	sdelay $0x2  }
0x313: {  	v30 =	vmul.f32 v30, v28;
	_ =	sdelay $0x1  }
0x314: {  	v30 =	vadd.f32 v30, v45;
	_ =	sdelay $0x1  }
0x315: {  	[tilespmem:$0x7380] =	vst v30  }
0x316: {  	v30 =	vld.idx.msk [tilespmem:v40+s24+$0x0], $0xffff;
	_ =	sdelay $0x1  }
0x317: {  	v46 =	vld [tilespmem:$0x7480];
	_ =	sdelay $0x2  }
0x318: {  	v30 =	vmul.f32 v30, v28;
	_ =	sdelay $0x1  }
0x319: {  	v30 =	vadd.f32 v30, v46;
	_ =	sdelay $0x1  }
0x31a: {  	[tilespmem:$0x7480] =	vst v30  }
0x31b: {  	v30 =	vld.idx.msk [tilespmem:v41+s20+$0x0], $0xffff;
	_ =	sdelay $0x1  }
0x31c: {  	v47 =	vld [tilespmem:$0x7390];
	_ =	sdelay $0x2  }
0x31d: {  	v30 =	vmul.f32 v30, v28;
	_ =	sdelay $0x1  }
0x31e: {  	v30 =	vadd.f32 v30, v47;
	_ =	sdelay $0x1  }
0x31f: {  	[tilespmem:$0x7390] =	vst v30  }
0x320: {  	v30 =	vld.idx.msk [tilespmem:v41+s24+$0x0], $0xffff;
	_ =	sdelay $0x1  }
0x321: {  	v48 =	vld [tilespmem:$0x7490];
	_ =	sdelay $0x2  }
0x322: {  	v30 =	vmul.f32 v30, v28;
	_ =	sdelay $0x1  }
0x323: {  	v30 =	vadd.f32 v30, v48;
	_ =	sdelay $0x1  }
0x324: {  	[tilespmem:$0x7490] =	vst v30  }
0x325: {  	v30 =	vld.idx.msk [tilespmem:v42+s20+$0x0], $0xffff;
	_ =	sdelay $0x1  }
0x326: {  	v49 =	vld [tilespmem:$0x73A0];
	_ =	sdelay $0x2  }
0x327: {  	v30 =	vmul.f32 v30, v28;
	_ =	sdelay $0x1  }
0x328: {  	v30 =	vadd.f32 v30, v49;
	_ =	sdelay $0x1  }
0x329: {  	[tilespmem:$0x73A0] =	vst v30  }
0x32a: {  	v30 =	vld.idx.msk [tilespmem:v42+s24+$0x0], $0xffff;
	_ =	sdelay $0x1  }
0x32b: {  	v50 =	vld [tilespmem:$0x74A0];
	_ =	sdelay $0x2  }
0x32c: {  	v30 =	vmul.f32 v30, v28;
	_ =	sdelay $0x1  }
0x32d: {  	v30 =	vadd.f32 v30, v50;
	_ =	sdelay $0x1  }
0x32e: {  	[tilespmem:$0x74A0] =	vst v30  }
0x32f: {  	v30 =	vld.idx.msk [tilespmem:v43+s20+$0x0], $0xffff;
	_ =	sdelay $0x1  }
0x330: {  	v51 =	vld [tilespmem:$0x73B0];
	_ =	sdelay $0x2  }
0x331: {  	v30 =	vmul.f32 v30, v28;
	_ =	sdelay $0x1  }
0x332: {  	v30 =	vadd.f32 v30, v51;
	_ =	sdelay $0x1  }
0x333: {  	[tilespmem:$0x73B0] =	vst v30  }
0x334: {  	v30 =	vld.idx.msk [tilespmem:v43+s24+$0x0], $0xffff;
	_ =	sdelay $0x1  }
0x335: {  	v52 =	vld [tilespmem:$0x74B0];
	_ =	sdelay $0x2  }
0x336: {  	v53 =	vor.u32 v24, v29;
	v30 =	vmul.f32 v30, v28;
	_ =	sdelay $0x1  }
0x337: {  	v30 =	vadd.f32 v30, v52;
	_ =	sdelay $0x1  }
0x338: {  	[tilespmem:$0x74B0] =	vst v30  }
0x339: {  	v30 =	vld.idx.msk [tilespmem:v53+s20+$0x0], $0xffff;
	_ =	sdelay $0x1  }
0x33a: {  	v54 =	vld [tilespmem:$0x73C0];
	_ =	sdelay $0x2  }
0x33b: {  	v30 =	vmul.f32 v30, v28;
	_ =	sdelay $0x1  }
0x33c: {  	v30 =	vadd.f32 v30, v54;
	_ =	sdelay $0x1  }
0x33d: {  	[tilespmem:$0x73C0] =	vst v30  }
0x33e: {  	v30 =	vld.idx.msk [tilespmem:v53+s24+$0x0], $0xffff;
	_ =	sdelay $0x1  }
0x33f: {  	v55 =	vld [tilespmem:$0x74C0];
	_ =	sdelay $0x2  }
0x340: {  	v56 =	vor.u32 v25, v29;
	v30 =	vmul.f32 v30, v28;
	_ =	sdelay $0x1  }
0x341: {  	v30 =	vadd.f32 v30, v55;
	_ =	sdelay $0x1  }
0x342: {  	[tilespmem:$0x74C0] =	vst v30  }
0x343: {  	v30 =	vld.idx.msk [tilespmem:v56+s20+$0x0], $0xffff;
	_ =	sdelay $0x1  }
0x344: {  	v57 =	vld [tilespmem:$0x73D0];
	_ =	sdelay $0x2  }
0x345: {  	v30 =	vmul.f32 v30, v28;
	_ =	sdelay $0x1  }
0x346: {  	v30 =	vadd.f32 v30, v57;
	_ =	sdelay $0x1  }
0x347: {  	[tilespmem:$0x73D0] =	vst v30  }
0x348: {  	v30 =	vld.idx.msk [tilespmem:v56+s24+$0x0], $0xffff;
	_ =	sdelay $0x1  }
0x349: {  	v58 =	vld [tilespmem:$0x74D0];
	_ =	sdelay $0x2  }
0x34a: {  	v59 =	vor.u32 v26, v29;
	v30 =	vmul.f32 v30, v28;
	_ =	sdelay $0x1  }
0x34b: {  	v30 =	vadd.f32 v30, v58;
	_ =	sdelay $0x1  }
0x34c: {  	[tilespmem:$0x74D0] =	vst v30  }
0x34d: {  	v30 =	vld.idx.msk [tilespmem:v59+s20+$0x0], $0xffff;
	_ =	sdelay $0x1  }
0x34e: {  	v60 =	vld [tilespmem:$0x73E0];
	_ =	sdelay $0x2  }
0x34f: {  	v30 =	vmul.f32 v30, v28;
	_ =	sdelay $0x1  }
0x350: {  	v30 =	vadd.f32 v30, v60;
	_ =	sdelay $0x1  }
0x351: {  	[tilespmem:$0x73E0] =	vst v30  }
0x352: {  	v30 =	vld.idx.msk [tilespmem:v59+s24+$0x0], $0xffff;
	_ =	sdelay $0x1  }
0x353: {  	v61 =	vld [tilespmem:$0x74E0];
	_ =	sdelay $0x2  }
0x354: {  	v29 =	vor.u32 v27, v29;
	v30 =	vmul.f32 v30, v28;
	_ =	sdelay $0x1  }
0x355: {  	v30 =	vadd.f32 v30, v61;
	_ =	sdelay $0x1  }
0x356: {  	[tilespmem:$0x74E0] =	vst v30  }
0x357: {  	v30 =	vld.idx.msk [tilespmem:v29+s20+$0x0], $0xffff;
	_ =	sdelay $0x1  }
0x358: {  	v62 =	vld [tilespmem:$0x73F0];
	_ =	sdelay $0x2  }
0x359: {  	v30 =	vmul.f32 v30, v28;
	_ =	sdelay $0x1  }
0x35a: {  	v30 =	vadd.f32 v30, v62;
	_ =	sdelay $0x1  }
0x35b: {  	[tilespmem:$0x73F0] =	vst v30  }
0x35c: {  	v29 =	vld.idx.msk [tilespmem:v29+s24+$0x0], $0xffff;
	_ =	sdelay $0x1  }
0x35d: {  	v63 =	vld [tilespmem:$0x74F0];
	_ =	sdelay $0x2  }
0x35e: {  	v28 =	vmul.f32 v29, v28;
	_ =	sdelay $0x1  }
0x35f: {  	s19 =	smul.u32 $0x18, s18;
	v28 =	vadd.f32 v28, v63;
	_ =	sdelay $0x1  }
0x360: {  	s19 =	sadd.s32 s10, s19;
	[tilespmem:$0x74F0] =	vst v28  }
0x361: {  	[hbm4b:s19+s3] =	stream.linear.scatter [tilespmem:s13], [sflag:$0x2], $0xC0, $0x38;
	[tilespmem:$0x7500] =	vst v63  }
0x362: {  	_ =	swait.ge [sflag:s14], $0xC0  }
0x363: {  	[sflag:s14] =	ssyncset.done $0x0  }
0x364: {  	[sflag:s14] =	ssyncadd.s32 $0xFFFFFF40  }
0x365: {  	s21 =	sshll.u32 s18, $0x5;
	s22 =	rddreg [dreg:$0x3]  }
0x366: {  	s19 =	sadd.s32 s22, s21  }
0x367: {  	[hbm4b:s19+s3] =	stream.linear.scatter [tilespmem:s2], [sflag:$0x2], $0x100, $0x38;
	[tilespmem:$0x7500] =	vst v63  }
0x368: {  	s17 =	sadd.s32 $0x1, s17;
	_ =	swait.ge [sflag:s14], $0x100  }
0x369: {  	p0 =	sne.s32 s17, $0x40;
	[sflag:s14] =	ssyncset.done $0x0  }
.Ltmp1:
0x36a: {  	s18 =	sadd.s32 s11, s21;
	[sflag:s14] =	ssyncadd.s32 $0xFFFFFF00;
	(pc) =	sbr.rel @p0 .LBB2_2-.Ltmp1, $4  }
0x36b: {  	[hbm4b:s18+s3] =	stream.linear.scatter [tilespmem:s15], [sflag:$0x2], $0x100, $0x38;
	[tilespmem:$0x7500] =	vst v63  }
0x36c: {  	_ =	swait.ge [sflag:s14], $0x100  }
0x36d: {  	[sflag:s14] =	ssyncset.done $0x0  }
0x36e: {  	[sflag:s14] =	ssyncadd.s32 $0xFFFFFF00  }
0x36f: {  	s18 =	rddreg [dreg:$0x6]  }
0x370: {  	s17 =	rddreg [dreg:$0x5];
	s18 =	sadd.s32 $0x1, s18  }
0x371: {  	p0 =	sne.s32 s18, s17  }
.Ltmp2:
0x372: {  	_ = 	snop;
	(pc) =	sbr.rel @p0 .LBB2_1-.Ltmp2, $1  }
0x373: {  	_ =	sdelay $0x3  }
0x374: {  	_ =	sfence.sel $0x180000  }
0x375: {  	[bflag:$0x0] =	sbarrier.arrive $0xFFFF  }
0x376: {  	_ =	strace $0x90000047  }
0x377: {  	s0 =	stileid.u32;
	[bflag:$0x2] =	sbarrier.arrive $0xFFFF  }
0x378: {  	p0 =	sne.s32 s0, $0x0;
	s0 =	rddreg [dreg:$0x4]  }
0x379: {  	s0 =	sadd.s32 @!p0 $0x100000, s0  }
0x37a: {  	[sflag:s0] =	ssyncadd.tile.s32 @!p0 $0x1;
	_ =	shalt  }
.Lfunc_end2:
_tile_overlayer_lowered:
.L_overlay_start_2:
0x37b: {  	(tag) =	ssettag $0x2  }
0x37c: {  	s0 =	rddreg [dreg:$0x0];
	s2 =	stileid.u32  }
0x37d: {  	s1 =	rddreg [dreg:$0x1];
	p0 =	sne.s32 s2, $0x0  }
0x37e: {  	s3 =	rddreg [dreg:$0x2];
	[bflag:$0x3] =	sbarrier.arrive $0xFFFF;
	s2 =	simm.s32 @!p0 $0x1C02  }
0x37f: {  	[timem:s3], [sflag:s2] =	dma.local @!p0 [hbm:s0], s1  }
0x380: {  	s0 =	simm.s32 @!p0 $0x2  }
0x381: {  	_ =	swait.ge @!p0 [sflag:s0], s1  }
0x382: {  	s1 =	ssub.s32 @!p0 $0x0, s1;
	[sflag:s0] =	ssyncset.done @!p0 $0x0  }
0x383: {  	[sflag:s0] =	ssyncadd.s32 @!p0 s1  }
0x384: {  	[bflag:$0x3] =	sbarrier.arrive $0xFFFF  }
0x385: {  	_ =	shalt  }

</sc_bundles>
